<compile_context>
chip_gen: v7x
topology: tpu7x:2x2x1
jax: 0.10.2.dev20260603
libtpu: 0.0.44.dev20260713+nightly
codegen_flags: <defaults>
</compile_context>

<pallas_src>
import functools

import jax
import jax.numpy as jnp
from jax import lax
from jax.experimental import pallas as pl
from jax.experimental.pallas import tpu as pltpu
from jax.experimental.pallas import tpu_sc as plsc

_D = 32
_L = 50
_B = 16384
_LANES = 16

_NC = 2
_NS = 16
_NW = _NC * _NS

_ROWS_PER_W = _B // _NW
_CB = 32
_NCH = _ROWS_PER_W // _CB
_CIDX = _CB * _L
_GSUB = 1600
_NSUB = _CIDX // _GSUB


def _combine_rows(rows_v, w_v, b_v, out_v):

    def row_body(r, carry):
        base = r * _L
        acc0 = b_v[:]
        acc1 = b_v[:]
        for l in range(_L):
            wv = w_v[l, :]
            acc0 = acc0 + wv * rows_v[base + l, 0:_LANES]
            acc1 = acc1 + wv * rows_v[base + l, _LANES:_D]
        out_v[r, 0:_LANES] = jnp.maximum(acc0, 0.0)
        out_v[r, _LANES:_D] = jnp.maximum(acc1, 0.0)
        return carry

    lax.fori_loop(0, _CB, row_body, 0)


def _sc_body(enc_hbm, tab_hbm, w_hbm, b_hbm, out_hbm,
             idx0, idx1, rows0, rows1, out_v, w_v, b_v, sem0, sem1):
    wid = lax.axis_index("s") * _NC + lax.axis_index("c")
    row_base = wid * _ROWS_PER_W
    idx_base = row_base * _L

    pltpu.sync_copy(w_hbm, w_v)
    pltpu.sync_copy(b_hbm, b_v)

    bufs = ((idx0, rows0, sem0), (idx1, rows1, sem1))

    def start_chunk(c, idx_v, rows_v, sem):
        pltpu.sync_copy(enc_hbm.at[pl.ds(idx_base + c * _CIDX, _CIDX)], idx_v)
        for s in range(_NSUB):
            pltpu.async_copy(
                tab_hbm.at[idx_v.at[pl.ds(s * _GSUB, _GSUB)]],
                rows_v.at[pl.ds(s * _GSUB, _GSUB)],
                sem)

    def wait_chunk(rows_v, sem):
        pltpu.make_async_copy(tab_hbm.at[pl.ds(0, _CIDX)], rows_v, sem).wait()

    start_chunk(0, *bufs[0])
    start_chunk(1, *bufs[1])

    def outer(i, carry):
        for bsel in range(2):
            c = 2 * i + bsel
            idx_v, rows_v, sem = bufs[bsel]
            wait_chunk(rows_v, sem)
            _combine_rows(rows_v, w_v, b_v, out_v)
            pltpu.sync_copy(out_v, out_hbm.at[pl.ds(row_base + c * _CB, _CB)])

            @pl.when(c + 2 < _NCH)
            def _():
                start_chunk(c + 2, idx_v, rows_v, sem)

        return carry

    lax.fori_loop(0, _NCH // 2, outer, 0)


@jax.jit
def _run(enc_flat, table, w16, b16):
    mesh = plsc.VectorSubcoreMesh(core_axis_name="c", subcore_axis_name="s")
    sc = functools.partial(
        pl.kernel,
        out_type=jax.ShapeDtypeStruct((_B, _D), jnp.float32),
        mesh=mesh,
        scratch_types=[
            pltpu.VMEM((_CIDX,), jnp.int32),
            pltpu.VMEM((_CIDX,), jnp.int32),
            pltpu.VMEM((_CIDX, _D), jnp.float32),
            pltpu.VMEM((_CIDX, _D), jnp.float32),
            pltpu.VMEM((_CB, _D), jnp.float32),
            pltpu.VMEM((_L, _LANES), jnp.float32),
            pltpu.VMEM((_LANES,), jnp.float32),
            pltpu.SemaphoreType.DMA,
            pltpu.SemaphoreType.DMA,
        ],
        compiler_params=pltpu.CompilerParams(use_tc_tiling_on_sc=False),
    )(_sc_body)
    return sc(enc_flat, table, w16, b16)


def kernel(encoded, table, W, b):
    enc_flat = encoded.reshape(-1).astype(jnp.int32)
    w16 = jnp.broadcast_to(
        W.astype(jnp.float32).reshape(_L, 1), (_L, _LANES))
    b16 = jnp.broadcast_to(b.astype(jnp.float32).reshape(1), (_LANES,))
    return _run(enc_flat, table, w16, b16)

# --- scband reference (transcript-rebuilt; emitter-appended) ---
"""Pipeline reference for scband-context-learner-81982335746252 (READ-ONLY COPY).

The authoritative reference and input builder live on the scoring server;
editing this copy changes nothing except your own understanding.
"""

import jax, jax.numpy as jnp
import numpy as np

VOCAB = 1000000
EMBED_DIM = 32
SEQ_LEN = 50
BATCH = 16384

def setup_inputs(seed: int = 0) -> dict:
    key = jax.random.key(seed)
    k1, k2, k3 = jax.random.split(key, 3)
    encoded = jax.random.randint(k1, (BATCH, SEQ_LEN), 0, VOCAB, dtype=jnp.int64 if jax.config.jax_enable_x64 else jnp.int32)
    table = jax.random.normal(k2, (VOCAB, EMBED_DIM), dtype=jnp.float32) * 0.02
    # nn.Linear(sequence_length, 1): weight [1, SEQ_LEN], bias [1]
    W = jax.random.normal(k3, (1, SEQ_LEN), dtype=jnp.float32) * (1.0 / np.sqrt(SEQ_LEN))
    b = jnp.zeros((1,), dtype=jnp.float32)
    return {"encoded": encoded, "table": table, "W": W, "b": b}

def reference(encoded, table, W, b):
    # embedding lookup: [B, L] -> [B, L, D]
    e = jnp.take(table, encoded, axis=0)
    # squeeze in torch is a no-op here (no size-1 dims)
    # transpose(1, 2): [B, L, D] -> [B, D, L]
    e = jnp.transpose(e, (0, 2, 1))
    # Linear(L, 1): [B, D, L] @ [L, 1] + b -> [B, D, 1]
    y = jnp.matmul(e, W.T) + b
    y = jax.nn.relu(y)
    # final squeeze: [B, D, 1] -> [B, D]
    return jnp.squeeze(y, axis=-1)

if __name__ == "__main__":
    import jax
    _d = setup_inputs()
    print(jax.jit(kernel)(*tuple(_d.values())))

</pallas_src>

<mosaic_0001>
#map = affine_map<(d0, d1) -> (0)>
#map1 = affine_map<(d0, d1) -> (0, 0)>
module attributes {stable_mosaic.version = 14 : i64} {
  func.func @_sc_body(%arg0: i32, %arg1: i32, %arg2: memref<819200xi32, #tpu.memory_space<hbm>>, %arg3: memref<1000000x32xf32, #tpu.memory_space<hbm>>, %arg4: memref<50x16xf32, #tpu.memory_space<hbm>>, %arg5: memref<16xf32, #tpu.memory_space<hbm>>, %arg6: memref<16384x32xf32, #tpu.memory_space<hbm>>, %arg7: memref<1600xi32, #tpu.memory_space<vmem>>, %arg8: memref<1600xi32, #tpu.memory_space<vmem>>, %arg9: memref<1600x32xf32, #tpu.memory_space<vmem>>, %arg10: memref<1600x32xf32, #tpu.memory_space<vmem>>, %arg11: memref<32x32xf32, #tpu.memory_space<vmem>>, %arg12: memref<50x16xf32, #tpu.memory_space<vmem>>, %arg13: memref<16xf32, #tpu.memory_space<vmem>>, %arg14: memref<!tpu.dma_semaphore, #tpu.memory_space<semaphore_mem>>, %arg15: memref<!tpu.dma_semaphore, #tpu.memory_space<semaphore_mem>>) attributes {dimension_semantics = [#tpu.dimension_semantics<core_parallel>, #tpu.dimension_semantics<subcore_parallel>], iteration_bounds = array<i64: 2, 16>, scalar_prefetch = 0 : i64, scratch_operands = 9 : i64, tpu.core_type = #tpu.core_type<sc_vector_subcore>, window_params = [{transform_indices = #map}, {transform_indices = #map1}, {transform_indices = #map1}, {transform_indices = #map}, {transform_indices = #map1}]} {
    %mul3A = arith.constant 2 : i32
    %mul3A_0 = arith.muli %arg1, %mul3A : i32
    %add3A = arith.addi %mul3A_0, %arg0 : i32
    %mul3A_1 = arith.constant 512 : i32
    %mul3A_2 = arith.muli %add3A, %mul3A_1 : i32
    %mul3A_3 = arith.constant 50 : i32
    %mul3A_4 = arith.muli %mul3A_2, %mul3A_3 : i32
    "tpu.region"() ({
      %run_scoped3A = tpu.sem_alloc : memref<!tpu.dma_semaphore, #tpu.memory_space<semaphore_mem>>
      tpu.enqueue_dma source(%arg4 : memref<50x16xf32, #tpu.memory_space<hbm>>) target(%arg12 : memref<50x16xf32, #tpu.memory_space<vmem>>) target_semaphore(%run_scoped3A : memref<!tpu.dma_semaphore, #tpu.memory_space<semaphore_mem>>)
      tpu.wait_dma2 semaphore(%run_scoped3A : memref<!tpu.dma_semaphore, #tpu.memory_space<semaphore_mem>>) src(%arg4 : memref<50x16xf32, #tpu.memory_space<hbm>>) dst(%arg12 : memref<50x16xf32, #tpu.memory_space<vmem>>)
      tpu.yield
    }) : () -> ()
    "tpu.region"() ({
      %run_scoped3A = tpu.sem_alloc : memref<!tpu.dma_semaphore, #tpu.memory_space<semaphore_mem>>
      tpu.enqueue_dma source(%arg5 : memref<16xf32, #tpu.memory_space<hbm>>) target(%arg13 : memref<16xf32, #tpu.memory_space<vmem>>) target_semaphore(%run_scoped3A : memref<!tpu.dma_semaphore, #tpu.memory_space<semaphore_mem>>)
      tpu.wait_dma2 semaphore(%run_scoped3A : memref<!tpu.dma_semaphore, #tpu.memory_space<semaphore_mem>>) src(%arg5 : memref<16xf32, #tpu.memory_space<hbm>>) dst(%arg13 : memref<16xf32, #tpu.memory_space<vmem>>)
      tpu.yield
    }) : () -> ()
    %add3A_5 = arith.constant 0 : i32
    %add3A_6 = arith.addi %mul3A_4, %add3A_5 : i32
    "tpu.region"() ({
      %run_scoped3A = tpu.sem_alloc : memref<!tpu.dma_semaphore, #tpu.memory_space<semaphore_mem>>
      %dma_start3A_29 = tpu.memref_slice %arg2[%add3A_6] : memref<819200xi32, #tpu.memory_space<hbm>> -> memref<1600xi32, #tpu.memory_space<hbm>>
      %dma_start3A_30 = tpu.memref_slice %arg2[%add3A_6] : memref<819200xi32, #tpu.memory_space<hbm>> -> memref<1600xi32, #tpu.memory_space<hbm>>
      tpu.enqueue_dma source(%dma_start3A_30 : memref<1600xi32, #tpu.memory_space<hbm>>) target(%arg7 : memref<1600xi32, #tpu.memory_space<vmem>>) target_semaphore(%run_scoped3A : memref<!tpu.dma_semaphore, #tpu.memory_space<semaphore_mem>>)
      %dma_wait3A = tpu.memref_slice %arg2[%add3A_6] : memref<819200xi32, #tpu.memory_space<hbm>> -> memref<1600xi32, #tpu.memory_space<hbm>>
      %dma_wait3A_31 = tpu.memref_slice %arg2[%add3A_6] : memref<819200xi32, #tpu.memory_space<hbm>> -> memref<1600xi32, #tpu.memory_space<hbm>>
      tpu.wait_dma2 semaphore(%run_scoped3A : memref<!tpu.dma_semaphore, #tpu.memory_space<semaphore_mem>>) src(%dma_wait3A_31 : memref<1600xi32, #tpu.memory_space<hbm>>) dst(%arg7 : memref<1600xi32, #tpu.memory_space<vmem>>)
      tpu.yield
    }) : () -> ()
    %dma_start3A = arith.constant 0 : i32
    %dma_start3A_7 = arith.constant 0 : i32
    %dma_start3A_8 = tpu.memref_slice %arg9[%dma_start3A, %dma_start3A_7] : memref<1600x32xf32, #tpu.memory_space<vmem>> -> memref<1600x32xf32, #tpu.memory_space<vmem>>
    %dma_start3A_9 = arith.constant 0 : i32
    %dma_start3A_10 = tpu.memref_slice %arg7[%dma_start3A_9] : memref<1600xi32, #tpu.memory_space<vmem>> -> memref<1600xi32, #tpu.memory_space<vmem>>
    %dma_start3A_11 = arith.constant 0 : i32
    %dma_start3A_12 = arith.constant 0 : i32
    %dma_start3A_13 = tpu.memref_slice %arg3[%dma_start3A_11, %dma_start3A_12] : memref<1000000x32xf32, #tpu.memory_space<hbm>> -> memref<1000000x32xf32, #tpu.memory_space<hbm>>
    tpu.enqueue_indirect_dma source(%dma_start3A_13 : memref<1000000x32xf32, #tpu.memory_space<hbm>>) target(%dma_start3A_8 : memref<1600x32xf32, #tpu.memory_space<vmem>>) offsets(%dma_start3A_10 : memref<1600xi32, #tpu.memory_space<vmem>>) semaphore(%arg14 : memref<!tpu.dma_semaphore, #tpu.memory_space<semaphore_mem>>)
    %add3A_14 = arith.constant 1600 : i32
    %add3A_15 = arith.addi %mul3A_4, %add3A_14 : i32
    "tpu.region"() ({
      %run_scoped3A = tpu.sem_alloc : memref<!tpu.dma_semaphore, #tpu.memory_space<semaphore_mem>>
      %dma_start3A_29 = tpu.memref_slice %arg2[%add3A_15] : memref<819200xi32, #tpu.memory_space<hbm>> -> memref<1600xi32, #tpu.memory_space<hbm>>
      %dma_start3A_30 = tpu.memref_slice %arg2[%add3A_15] : memref<819200xi32, #tpu.memory_space<hbm>> -> memref<1600xi32, #tpu.memory_space<hbm>>
      tpu.enqueue_dma source(%dma_start3A_30 : memref<1600xi32, #tpu.memory_space<hbm>>) target(%arg8 : memref<1600xi32, #tpu.memory_space<vmem>>) target_semaphore(%run_scoped3A : memref<!tpu.dma_semaphore, #tpu.memory_space<semaphore_mem>>)
      %dma_wait3A = tpu.memref_slice %arg2[%add3A_15] : memref<819200xi32, #tpu.memory_space<hbm>> -> memref<1600xi32, #tpu.memory_space<hbm>>
      %dma_wait3A_31 = tpu.memref_slice %arg2[%add3A_15] : memref<819200xi32, #tpu.memory_space<hbm>> -> memref<1600xi32, #tpu.memory_space<hbm>>
      tpu.wait_dma2 semaphore(%run_scoped3A : memref<!tpu.dma_semaphore, #tpu.memory_space<semaphore_mem>>) src(%dma_wait3A_31 : memref<1600xi32, #tpu.memory_space<hbm>>) dst(%arg8 : memref<1600xi32, #tpu.memory_space<vmem>>)
      tpu.yield
    }) : () -> ()
    %dma_start3A_16 = arith.constant 0 : i32
    %dma_start3A_17 = arith.constant 0 : i32
    %dma_start3A_18 = tpu.memref_slice %arg10[%dma_start3A_16, %dma_start3A_17] : memref<1600x32xf32, #tpu.memory_space<vmem>> -> memref<1600x32xf32, #tpu.memory_space<vmem>>
    %dma_start3A_19 = arith.constant 0 : i32
    %dma_start3A_20 = tpu.memref_slice %arg8[%dma_start3A_19] : memref<1600xi32, #tpu.memory_space<vmem>> -> memref<1600xi32, #tpu.memory_space<vmem>>
    %dma_start3A_21 = arith.constant 0 : i32
    %dma_start3A_22 = arith.constant 0 : i32
    %dma_start3A_23 = tpu.memref_slice %arg3[%dma_start3A_21, %dma_start3A_22] : memref<1000000x32xf32, #tpu.memory_space<hbm>> -> memref<1000000x32xf32, #tpu.memory_space<hbm>>
    tpu.enqueue_indirect_dma source(%dma_start3A_23 : memref<1000000x32xf32, #tpu.memory_space<hbm>>) target(%dma_start3A_18 : memref<1600x32xf32, #tpu.memory_space<vmem>>) offsets(%dma_start3A_20 : memref<1600xi32, #tpu.memory_space<vmem>>) semaphore(%arg15 : memref<!tpu.dma_semaphore, #tpu.memory_space<semaphore_mem>>)
    %scan3A = arith.constant 0 : i32
    %scan3A_24 = arith.constant 0 : i32
    %scan3A_25 = arith.constant 8 : i32
    %scan3A_26 = arith.addi %scan3A_24, %scan3A_25 : i32
    %scan3A_27 = arith.constant 1 : i32
    scf.for %scan3A_29 = %scan3A_24 to %scan3A_26 step %scan3A_27  : i32 {
      %mul3A_30 = arith.constant 2 : i32
      %mul3A_31 = arith.muli %mul3A_30, %scan3A_29 : i32
      %add3A_32 = arith.constant 0 : i32
      %add3A_33 = arith.addi %mul3A_31, %add3A_32 : i32
      %dma_wait3A = arith.constant 0 : i32
      %dma_wait3A_34 = arith.constant 0 : i32
      %dma_wait3A_35 = tpu.memref_slice %arg3[%dma_wait3A, %dma_wait3A_34] : memref<1000000x32xf32, #tpu.memory_space<hbm>> -> memref<1600x32xf32, #tpu.memory_space<hbm>>
      %dma_wait3A_36 = arith.constant 0 : i32
      %dma_wait3A_37 = arith.constant 0 : i32
      %dma_wait3A_38 = tpu.memref_slice %arg3[%dma_wait3A_36, %dma_wait3A_37] : memref<1000000x32xf32, #tpu.memory_space<hbm>> -> memref<1600x32xf32, #tpu.memory_space<hbm>>
      tpu.wait_dma2 semaphore(%arg14 : memref<!tpu.dma_semaphore, #tpu.memory_space<semaphore_mem>>) src(%dma_wait3A_38 : memref<1600x32xf32, #tpu.memory_space<hbm>>) dst(%arg9 : memref<1600x32xf32, #tpu.memory_space<vmem>>)
      %scan3A_39 = arith.constant 0 : i32
      %scan3A_40 = arith.constant 0 : i32
      %scan3A_41 = arith.constant 32 : i32
      %scan3A_42 = arith.addi %scan3A_40, %scan3A_41 : i32
      %scan3A_43 = arith.constant 1 : i32
      scf.for %scan3A_78 = %scan3A_40 to %scan3A_42 step %scan3A_43  : i32 {
        %mul3A_79 = arith.constant 50 : i32
        %mul3A_80 = arith.muli %scan3A_78, %mul3A_79 : i32
        %get3A = arith.constant 0 : index
        %get3A_81 = tpu.vector_load %arg13[%get3A] {strides = array<i32>} : memref<16xf32, #tpu.memory_space<vmem>>, vector<16xf32>,
        %get3A_82 = vector.shape_cast %get3A_81 : vector<16xf32> to vector<16xf32>
        %get3A_83 = arith.constant 0 : index
        %get3A_84 = tpu.vector_load %arg13[%get3A_83] {strides = array<i32>} : memref<16xf32, #tpu.memory_space<vmem>>, vector<16xf32>,
        %get3A_85 = vector.shape_cast %get3A_84 : vector<16xf32> to vector<16xf32>
        %get3A_86 = arith.constant 0 : i32
        %get3A_87 = arith.index_cast %get3A_86 : i32 to index
        %get3A_88 = arith.constant 0 : index
        %get3A_89 = tpu.vector_load %arg12[%get3A_87, %get3A_88] {strides = array<i32>} : memref<50x16xf32, #tpu.memory_space<vmem>>, vector<1x16xf32>,
        %get3A_90 = vector.shape_cast %get3A_89 : vector<1x16xf32> to vector<16xf32>
        %add3A_91 = arith.constant 0 : i32
        %add3A_92 = arith.addi %mul3A_80, %add3A_91 : i32
        %get3A_93 = arith.index_cast %add3A_92 : i32 to index
        %get3A_94 = arith.constant 0 : index
        %get3A_95 = tpu.vector_load %arg9[%get3A_93, %get3A_94] {strides = array<i32>} : memref<1600x32xf32, #tpu.memory_space<vmem>>, vector<1x16xf32>,
        %get3A_96 = vector.shape_cast %get3A_95 : vector<1x16xf32> to vector<16xf32>
        %mul3A_97 = arith.mulf %get3A_90, %get3A_96 : vector<16xf32>
        %add3A_98 = arith.addf %get3A_82, %mul3A_97 : vector<16xf32>
        %add3A_99 = arith.constant 0 : i32
        %add3A_100 = arith.addi %mul3A_80, %add3A_99 : i32
        %get3A_101 = arith.index_cast %add3A_100 : i32 to index
        %get3A_102 = arith.constant 16 : index
        %get3A_103 = tpu.vector_load %arg9[%get3A_101, %get3A_102] {strides = array<i32>} : memref<1600x32xf32, #tpu.memory_space<vmem>>, vector<1x16xf32>,
        %get3A_104 = vector.shape_cast %get3A_103 : vector<1x16xf32> to vector<16xf32>
        %mul3A_105 = arith.mulf %get3A_90, %get3A_104 : vector<16xf32>
        %add3A_106 = arith.addf %get3A_85, %mul3A_105 : vector<16xf32>
        %get3A_107 = arith.constant 1 : i32
        %get3A_108 = arith.index_cast %get3A_107 : i32 to index
        %get3A_109 = arith.constant 0 : index
        %get3A_110 = tpu.vector_load %arg12[%get3A_108, %get3A_109] {strides = array<i32>} : memref<50x16xf32, #tpu.memory_space<vmem>>, vector<1x16xf32>,
        %get3A_111 = vector.shape_cast %get3A_110 : vector<1x16xf32> to vector<16xf32>
        %add3A_112 = arith.constant 1 : i32
        %add3A_113 = arith.addi %mul3A_80, %add3A_112 : i32
        %get3A_114 = arith.index_cast %add3A_113 : i32 to index
        %get3A_115 = arith.constant 0 : index
        %get3A_116 = tpu.vector_load %arg9[%get3A_114, %get3A_115] {strides = array<i32>} : memref<1600x32xf32, #tpu.memory_space<vmem>>, vector<1x16xf32>,
        %get3A_117 = vector.shape_cast %get3A_116 : vector<1x16xf32> to vector<16xf32>
        %mul3A_118 = arith.mulf %get3A_111, %get3A_117 : vector<16xf32>
        %add3A_119 = arith.addf %add3A_98, %mul3A_118 : vector<16xf32>
        %add3A_120 = arith.constant 1 : i32
        %add3A_121 = arith.addi %mul3A_80, %add3A_120 : i32
        %get3A_122 = arith.index_cast %add3A_121 : i32 to index
        %get3A_123 = arith.constant 16 : index
        %get3A_124 = tpu.vector_load %arg9[%get3A_122, %get3A_123] {strides = array<i32>} : memref<1600x32xf32, #tpu.memory_space<vmem>>, vector<1x16xf32>,
        %get3A_125 = vector.shape_cast %get3A_124 : vector<1x16xf32> to vector<16xf32>
        %mul3A_126 = arith.mulf %get3A_111, %get3A_125 : vector<16xf32>
        %add3A_127 = arith.addf %add3A_106, %mul3A_126 : vector<16xf32>
        %get3A_128 = arith.constant 2 : i32
        %get3A_129 = arith.index_cast %get3A_128 : i32 to index
        %get3A_130 = arith.constant 0 : index
        %get3A_131 = tpu.vector_load %arg12[%get3A_129, %get3A_130] {strides = array<i32>} : memref<50x16xf32, #tpu.memory_space<vmem>>, vector<1x16xf32>,
        %get3A_132 = vector.shape_cast %get3A_131 : vector<1x16xf32> to vector<16xf32>
        %add3A_133 = arith.constant 2 : i32
        %add3A_134 = arith.addi %mul3A_80, %add3A_133 : i32
        %get3A_135 = arith.index_cast %add3A_134 : i32 to index
        %get3A_136 = arith.constant 0 : index
        %get3A_137 = tpu.vector_load %arg9[%get3A_135, %get3A_136] {strides = array<i32>} : memref<1600x32xf32, #tpu.memory_space<vmem>>, vector<1x16xf32>,
        %get3A_138 = vector.shape_cast %get3A_137 : vector<1x16xf32> to vector<16xf32>
        %mul3A_139 = arith.mulf %get3A_132, %get3A_138 : vector<16xf32>
        %add3A_140 = arith.addf %add3A_119, %mul3A_139 : vector<16xf32>
        %add3A_141 = arith.constant 2 : i32
        %add3A_142 = arith.addi %mul3A_80, %add3A_141 : i32
        %get3A_143 = arith.index_cast %add3A_142 : i32 to index
        %get3A_144 = arith.constant 16 : index
        %get3A_145 = tpu.vector_load %arg9[%get3A_143, %get3A_144] {strides = array<i32>} : memref<1600x32xf32, #tpu.memory_space<vmem>>, vector<1x16xf32>,
        %get3A_146 = vector.shape_cast %get3A_145 : vector<1x16xf32> to vector<16xf32>
        %mul3A_147 = arith.mulf %get3A_132, %get3A_146 : vector<16xf32>
        %add3A_148 = arith.addf %add3A_127, %mul3A_147 : vector<16xf32>
        %get3A_149 = arith.constant 3 : i32
        %get3A_150 = arith.index_cast %get3A_149 : i32 to index
        %get3A_151 = arith.constant 0 : index
        %get3A_152 = tpu.vector_load %arg12[%get3A_150, %get3A_151] {strides = array<i32>} : memref<50x16xf32, #tpu.memory_space<vmem>>, vector<1x16xf32>,
        %get3A_153 = vector.shape_cast %get3A_152 : vector<1x16xf32> to vector<16xf32>
        %add3A_154 = arith.constant 3 : i32
        %add3A_155 = arith.addi %mul3A_80, %add3A_154 : i32
        %get3A_156 = arith.index_cast %add3A_155 : i32 to index
        %get3A_157 = arith.constant 0 : index
        %get3A_158 = tpu.vector_load %arg9[%get3A_156, %get3A_157] {strides = array<i32>} : memref<1600x32xf32, #tpu.memory_space<vmem>>, vector<1x16xf32>,
        %get3A_159 = vector.shape_cast %get3A_158 : vector<1x16xf32> to vector<16xf32>
        %mul3A_160 = arith.mulf %get3A_153, %get3A_159 : vector<16xf32>
        %add3A_161 = arith.addf %add3A_140, %mul3A_160 : vector<16xf32>
        %add3A_162 = arith.constant 3 : i32
        %add3A_163 = arith.addi %mul3A_80, %add3A_162 : i32
        %get3A_164 = arith.index_cast %add3A_163 : i32 to index
        %get3A_165 = arith.constant 16 : index
        %get3A_166 = tpu.vector_load %arg9[%get3A_164, %get3A_165] {strides = array<i32>} : memref<1600x32xf32, #tpu.memory_space<vmem>>, vector<1x16xf32>,
        %get3A_167 = vector.shape_cast %get3A_166 : vector<1x16xf32> to vector<16xf32>
        %mul3A_168 = arith.mulf %get3A_153, %get3A_167 : vector<16xf32>
        %add3A_169 = arith.addf %add3A_148, %mul3A_168 : vector<16xf32>
        %get3A_170 = arith.constant 4 : i32
        %get3A_171 = arith.index_cast %get3A_170 : i32 to index
        %get3A_172 = arith.constant 0 : index
        %get3A_173 = tpu.vector_load %arg12[%get3A_171, %get3A_172] {strides = array<i32>} : memref<50x16xf32, #tpu.memory_space<vmem>>, vector<1x16xf32>,
        %get3A_174 = vector.shape_cast %get3A_173 : vector<1x16xf32> to vector<16xf32>
        %add3A_175 = arith.constant 4 : i32
        %add3A_176 = arith.addi %mul3A_80, %add3A_175 : i32
        %get3A_177 = arith.index_cast %add3A_176 : i32 to index
        %get3A_178 = arith.constant 0 : index
        %get3A_179 = tpu.vector_load %arg9[%get3A_177, %get3A_178] {strides = array<i32>} : memref<1600x32xf32, #tpu.memory_space<vmem>>, vector<1x16xf32>,
        %get3A_180 = vector.shape_cast %get3A_179 : vector<1x16xf32> to vector<16xf32>
        %mul3A_181 = arith.mulf %get3A_174, %get3A_180 : vector<16xf32>
        %add3A_182 = arith.addf %add3A_161, %mul3A_181 : vector<16xf32>
        %add3A_183 = arith.constant 4 : i32
        %add3A_184 = arith.addi %mul3A_80, %add3A_183 : i32
        %get3A_185 = arith.index_cast %add3A_184 : i32 to index
        %get3A_186 = arith.constant 16 : index
        %get3A_187 = tpu.vector_load %arg9[%get3A_185, %get3A_186] {strides = array<i32>} : memref<1600x32xf32, #tpu.memory_space<vmem>>, vector<1x16xf32>,
        %get3A_188 = vector.shape_cast %get3A_187 : vector<1x16xf32> to vector<16xf32>
        %mul3A_189 = arith.mulf %get3A_174, %get3A_188 : vector<16xf32>
        %add3A_190 = arith.addf %add3A_169, %mul3A_189 : vector<16xf32>
        %get3A_191 = arith.constant 5 : i32
        %get3A_192 = arith.index_cast %get3A_191 : i32 to index
        %get3A_193 = arith.constant 0 : index
        %get3A_194 = tpu.vector_load %arg12[%get3A_192, %get3A_193] {strides = array<i32>} : memref<50x16xf32, #tpu.memory_space<vmem>>, vector<1x16xf32>,
        %get3A_195 = vector.shape_cast %get3A_194 : vector<1x16xf32> to vector<16xf32>
        %add3A_196 = arith.constant 5 : i32
        %add3A_197 = arith.addi %mul3A_80, %add3A_196 : i32
        %get3A_198 = arith.index_cast %add3A_197 : i32 to index
        %get3A_199 = arith.constant 0 : index
        %get3A_200 = tpu.vector_load %arg9[%get3A_198, %get3A_199] {strides = array<i32>} : memref<1600x32xf32, #tpu.memory_space<vmem>>, vector<1x16xf32>,
        %get3A_201 = vector.shape_cast %get3A_200 : vector<1x16xf32> to vector<16xf32>
        %mul3A_202 = arith.mulf %get3A_195, %get3A_201 : vector<16xf32>
        %add3A_203 = arith.addf %add3A_182, %mul3A_202 : vector<16xf32>
        %add3A_204 = arith.constant 5 : i32
        %add3A_205 = arith.addi %mul3A_80, %add3A_204 : i32
        %get3A_206 = arith.index_cast %add3A_205 : i32 to index
        %get3A_207 = arith.constant 16 : index
        %get3A_208 = tpu.vector_load %arg9[%get3A_206, %get3A_207] {strides = array<i32>} : memref<1600x32xf32, #tpu.memory_space<vmem>>, vector<1x16xf32>,
        %get3A_209 = vector.shape_cast %get3A_208 : vector<1x16xf32> to vector<16xf32>
        %mul3A_210 = arith.mulf %get3A_195, %get3A_209 : vector<16xf32>
        %add3A_211 = arith.addf %add3A_190, %mul3A_210 : vector<16xf32>
        %get3A_212 = arith.constant 6 : i32
        %get3A_213 = arith.index_cast %get3A_212 : i32 to index
        %get3A_214 = arith.constant 0 : index
        %get3A_215 = tpu.vector_load %arg12[%get3A_213, %get3A_214] {strides = array<i32>} : memref<50x16xf32, #tpu.memory_space<vmem>>, vector<1x16xf32>,
        %get3A_216 = vector.shape_cast %get3A_215 : vector<1x16xf32> to vector<16xf32>
        %add3A_217 = arith.constant 6 : i32
        %add3A_218 = arith.addi %mul3A_80, %add3A_217 : i32
        %get3A_219 = arith.index_cast %add3A_218 : i32 to index
        %get3A_220 = arith.constant 0 : index
        %get3A_221 = tpu.vector_load %arg9[%get3A_219, %get3A_220] {strides = array<i32>} : memref<1600x32xf32, #tpu.memory_space<vmem>>, vector<1x16xf32>,
        %get3A_222 = vector.shape_cast %get3A_221 : vector<1x16xf32> to vector<16xf32>
        %mul3A_223 = arith.mulf %get3A_216, %get3A_222 : vector<16xf32>
        %add3A_224 = arith.addf %add3A_203, %mul3A_223 : vector<16xf32>
        %add3A_225 = arith.constant 6 : i32
        %add3A_226 = arith.addi %mul3A_80, %add3A_225 : i32
        %get3A_227 = arith.index_cast %add3A_226 : i32 to index
        %get3A_228 = arith.constant 16 : index
        %get3A_229 = tpu.vector_load %arg9[%get3A_227, %get3A_228] {strides = array<i32>} : memref<1600x32xf32, #tpu.memory_space<vmem>>, vector<1x16xf32>,
        %get3A_230 = vector.shape_cast %get3A_229 : vector<1x16xf32> to vector<16xf32>
        %mul3A_231 = arith.mulf %get3A_216, %get3A_230 : vector<16xf32>
        %add3A_232 = arith.addf %add3A_211, %mul3A_231 : vector<16xf32>
        %get3A_233 = arith.constant 7 : i32
        %get3A_234 = arith.index_cast %get3A_233 : i32 to index
        %get3A_235 = arith.constant 0 : index
        %get3A_236 = tpu.vector_load %arg12[%get3A_234, %get3A_235] {strides = array<i32>} : memref<50x16xf32, #tpu.memory_space<vmem>>, vector<1x16xf32>,
        %get3A_237 = vector.shape_cast %get3A_236 : vector<1x16xf32> to vector<16xf32>
        %add3A_238 = arith.constant 7 : i32
        %add3A_239 = arith.addi %mul3A_80, %add3A_238 : i32
        %get3A_240 = arith.index_cast %add3A_239 : i32 to index
        %get3A_241 = arith.constant 0 : index
        %get3A_242 = tpu.vector_load %arg9[%get3A_240, %get3A_241] {strides = array<i32>} : memref<1600x32xf32, #tpu.memory_space<vmem>>, vector<1x16xf32>,
        %get3A_243 = vector.shape_cast %get3A_242 : vector<1x16xf32> to vector<16xf32>
        %mul3A_244 = arith.mulf %get3A_237, %get3A_243 : vector<16xf32>
        %add3A_245 = arith.addf %add3A_224, %mul3A_244 : vector<16xf32>
        %add3A_246 = arith.constant 7 : i32
        %add3A_247 = arith.addi %mul3A_80, %add3A_246 : i32
        %get3A_248 = arith.index_cast %add3A_247 : i32 to index
        %get3A_249 = arith.constant 16 : index
        %get3A_250 = tpu.vector_load %arg9[%get3A_248, %get3A_249] {strides = array<i32>} : memref<1600x32xf32, #tpu.memory_space<vmem>>, vector<1x16xf32>,
        %get3A_251 = vector.shape_cast %get3A_250 : vector<1x16xf32> to vector<16xf32>
        %mul3A_252 = arith.mulf %get3A_237, %get3A_251 : vector<16xf32>
        %add3A_253 = arith.addf %add3A_232, %mul3A_252 : vector<16xf32>
        %get3A_254 = arith.constant 8 : i32
        %get3A_255 = arith.index_cast %get3A_254 : i32 to index
        %get3A_256 = arith.constant 0 : index
        %get3A_257 = tpu.vector_load %arg12[%get3A_255, %get3A_256] {strides = array<i32>} : memref<50x16xf32, #tpu.memory_space<vmem>>, vector<1x16xf32>,
        %get3A_258 = vector.shape_cast %get3A_257 : vector<1x16xf32> to vector<16xf32>
        %add3A_259 = arith.constant 8 : i32
        %add3A_260 = arith.addi %mul3A_80, %add3A_259 : i32
        %get3A_261 = arith.index_cast %add3A_260 : i32 to index
        %get3A_262 = arith.constant 0 : index
        %get3A_263 = tpu.vector_load %arg9[%get3A_261, %get3A_262] {strides = array<i32>} : memref<1600x32xf32, #tpu.memory_space<vmem>>, vector<1x16xf32>,
        %get3A_264 = vector.shape_cast %get3A_263 : vector<1x16xf32> to vector<16xf32>
        %mul3A_265 = arith.mulf %get3A_258, %get3A_264 : vector<16xf32>
        %add3A_266 = arith.addf %add3A_245, %mul3A_265 : vector<16xf32>
        %add3A_267 = arith.constant 8 : i32
        %add3A_268 = arith.addi %mul3A_80, %add3A_267 : i32
        %get3A_269 = arith.index_cast %add3A_268 : i32 to index
        %get3A_270 = arith.constant 16 : index
        %get3A_271 = tpu.vector_load %arg9[%get3A_269, %get3A_270] {strides = array<i32>} : memref<1600x32xf32, #tpu.memory_space<vmem>>, vector<1x16xf32>,
        %get3A_272 = vector.shape_cast %get3A_271 : vector<1x16xf32> to vector<16xf32>
        %mul3A_273 = arith.mulf %get3A_258, %get3A_272 : vector<16xf32>
        %add3A_274 = arith.addf %add3A_253, %mul3A_273 : vector<16xf32>
        %get3A_275 = arith.constant 9 : i32
        %get3A_276 = arith.index_cast %get3A_275 : i32 to index
        %get3A_277 = arith.constant 0 : index
        %get3A_278 = tpu.vector_load %arg12[%get3A_276, %get3A_277] {strides = array<i32>} : memref<50x16xf32, #tpu.memory_space<vmem>>, vector<1x16xf32>,
        %get3A_279 = vector.shape_cast %get3A_278 : vector<1x16xf32> to vector<16xf32>
        %add3A_280 = arith.constant 9 : i32
        %add3A_281 = arith.addi %mul3A_80, %add3A_280 : i32
        %get3A_282 = arith.index_cast %add3A_281 : i32 to index
        %get3A_283 = arith.constant 0 : index
        %get3A_284 = tpu.vector_load %arg9[%get3A_282, %get3A_283] {strides = array<i32>} : memref<1600x32xf32, #tpu.memory_space<vmem>>, vector<1x16xf32>,
        %get3A_285 = vector.shape_cast %get3A_284 : vector<1x16xf32> to vector<16xf32>
        %mul3A_286 = arith.mulf %get3A_279, %get3A_285 : vector<16xf32>
        %add3A_287 = arith.addf %add3A_266, %mul3A_286 : vector<16xf32>
        %add3A_288 = arith.constant 9 : i32
        %add3A_289 = arith.addi %mul3A_80, %add3A_288 : i32
        %get3A_290 = arith.index_cast %add3A_289 : i32 to index
        %get3A_291 = arith.constant 16 : index
        %get3A_292 = tpu.vector_load %arg9[%get3A_290, %get3A_291] {strides = array<i32>} : memref<1600x32xf32, #tpu.memory_space<vmem>>, vector<1x16xf32>,
        %get3A_293 = vector.shape_cast %get3A_292 : vector<1x16xf32> to vector<16xf32>
        %mul3A_294 = arith.mulf %get3A_279, %get3A_293 : vector<16xf32>
        %add3A_295 = arith.addf %add3A_274, %mul3A_294 : vector<16xf32>
        %get3A_296 = arith.constant 10 : i32
        %get3A_297 = arith.index_cast %get3A_296 : i32 to index
        %get3A_298 = arith.constant 0 : index
        %get3A_299 = tpu.vector_load %arg12[%get3A_297, %get3A_298] {strides = array<i32>} : memref<50x16xf32, #tpu.memory_space<vmem>>, vector<1x16xf32>,
        %get3A_300 = vector.shape_cast %get3A_299 : vector<1x16xf32> to vector<16xf32>
        %add3A_301 = arith.constant 10 : i32
        %add3A_302 = arith.addi %mul3A_80, %add3A_301 : i32
        %get3A_303 = arith.index_cast %add3A_302 : i32 to index
        %get3A_304 = arith.constant 0 : index
        %get3A_305 = tpu.vector_load %arg9[%get3A_303, %get3A_304] {strides = array<i32>} : memref<1600x32xf32, #tpu.memory_space<vmem>>, vector<1x16xf32>,
        %get3A_306 = vector.shape_cast %get3A_305 : vector<1x16xf32> to vector<16xf32>
        %mul3A_307 = arith.mulf %get3A_300, %get3A_306 : vector<16xf32>
        %add3A_308 = arith.addf %add3A_287, %mul3A_307 : vector<16xf32>
        %add3A_309 = arith.constant 10 : i32
        %add3A_310 = arith.addi %mul3A_80, %add3A_309 : i32
        %get3A_311 = arith.index_cast %add3A_310 : i32 to index
        %get3A_312 = arith.constant 16 : index
        %get3A_313 = tpu.vector_load %arg9[%get3A_311, %get3A_312] {strides = array<i32>} : memref<1600x32xf32, #tpu.memory_space<vmem>>, vector<1x16xf32>,
        %get3A_314 = vector.shape_cast %get3A_313 : vector<1x16xf32> to vector<16xf32>
        %mul3A_315 = arith.mulf %get3A_300, %get3A_314 : vector<16xf32>
        %add3A_316 = arith.addf %add3A_295, %mul3A_315 : vector<16xf32>
        %get3A_317 = arith.constant 11 : i32
        %get3A_318 = arith.index_cast %get3A_317 : i32 to index
        %get3A_319 = arith.constant 0 : index
        %get3A_320 = tpu.vector_load %arg12[%get3A_318, %get3A_319] {strides = array<i32>} : memref<50x16xf32, #tpu.memory_space<vmem>>, vector<1x16xf32>,
        %get3A_321 = vector.shape_cast %get3A_320 : vector<1x16xf32> to vector<16xf32>
        %add3A_322 = arith.constant 11 : i32
        %add3A_323 = arith.addi %mul3A_80, %add3A_322 : i32
        %get3A_324 = arith.index_cast %add3A_323 : i32 to index
        %get3A_325 = arith.constant 0 : index
        %get3A_326 = tpu.vector_load %arg9[%get3A_324, %get3A_325] {strides = array<i32>} : memref<1600x32xf32, #tpu.memory_space<vmem>>, vector<1x16xf32>,
        %get3A_327 = vector.shape_cast %get3A_326 : vector<1x16xf32> to vector<16xf32>
        %mul3A_328 = arith.mulf %get3A_321, %get3A_327 : vector<16xf32>
        %add3A_329 = arith.addf %add3A_308, %mul3A_328 : vector<16xf32>
        %add3A_330 = arith.constant 11 : i32
        %add3A_331 = arith.addi %mul3A_80, %add3A_330 : i32
        %get3A_332 = arith.index_cast %add3A_331 : i32 to index
        %get3A_333 = arith.constant 16 : index
        %get3A_334 = tpu.vector_load %arg9[%get3A_332, %get3A_333] {strides = array<i32>} : memref<1600x32xf32, #tpu.memory_space<vmem>>, vector<1x16xf32>,
        %get3A_335 = vector.shape_cast %get3A_334 : vector<1x16xf32> to vector<16xf32>
        %mul3A_336 = arith.mulf %get3A_321, %get3A_335 : vector<16xf32>
        %add3A_337 = arith.addf %add3A_316, %mul3A_336 : vector<16xf32>
        %get3A_338 = arith.constant 12 : i32
        %get3A_339 = arith.index_cast %get3A_338 : i32 to index
        %get3A_340 = arith.constant 0 : index
        %get3A_341 = tpu.vector_load %arg12[%get3A_339, %get3A_340] {strides = array<i32>} : memref<50x16xf32, #tpu.memory_space<vmem>>, vector<1x16xf32>,
        %get3A_342 = vector.shape_cast %get3A_341 : vector<1x16xf32> to vector<16xf32>
        %add3A_343 = arith.constant 12 : i32
        %add3A_344 = arith.addi %mul3A_80, %add3A_343 : i32
        %get3A_345 = arith.index_cast %add3A_344 : i32 to index
        %get3A_346 = arith.constant 0 : index
        %get3A_347 = tpu.vector_load %arg9[%get3A_345, %get3A_346] {strides = array<i32>} : memref<1600x32xf32, #tpu.memory_space<vmem>>, vector<1x16xf32>,
        %get3A_348 = vector.shape_cast %get3A_347 : vector<1x16xf32> to vector<16xf32>
        %mul3A_349 = arith.mulf %get3A_342, %get3A_348 : vector<16xf32>
        %add3A_350 = arith.addf %add3A_329, %mul3A_349 : vector<16xf32>
        %add3A_351 = arith.constant 12 : i32
        %add3A_352 = arith.addi %mul3A_80, %add3A_351 : i32
        %get3A_353 = arith.index_cast %add3A_352 : i32 to index
        %get3A_354 = arith.constant 16 : index
        %get3A_355 = tpu.vector_load %arg9[%get3A_353, %get3A_354] {strides = array<i32>} : memref<1600x32xf32, #tpu.memory_space<vmem>>, vector<1x16xf32>,
        %get3A_356 = vector.shape_cast %get3A_355 : vector<1x16xf32> to vector<16xf32>
        %mul3A_357 = arith.mulf %get3A_342, %get3A_356 : vector<16xf32>
        %add3A_358 = arith.addf %add3A_337, %mul3A_357 : vector<16xf32>
        %get3A_359 = arith.constant 13 : i32
        %get3A_360 = arith.index_cast %get3A_359 : i32 to index
        %get3A_361 = arith.constant 0 : index
        %get3A_362 = tpu.vector_load %arg12[%get3A_360, %get3A_361] {strides = array<i32>} : memref<50x16xf32, #tpu.memory_space<vmem>>, vector<1x16xf32>,
        %get3A_363 = vector.shape_cast %get3A_362 : vector<1x16xf32> to vector<16xf32>
        %add3A_364 = arith.constant 13 : i32
        %add3A_365 = arith.addi %mul3A_80, %add3A_364 : i32
        %get3A_366 = arith.index_cast %add3A_365 : i32 to index
        %get3A_367 = arith.constant 0 : index
        %get3A_368 = tpu.vector_load %arg9[%get3A_366, %get3A_367] {strides = array<i32>} : memref<1600x32xf32, #tpu.memory_space<vmem>>, vector<1x16xf32>,
        %get3A_369 = vector.shape_cast %get3A_368 : vector<1x16xf32> to vector<16xf32>
        %mul3A_370 = arith.mulf %get3A_363, %get3A_369 : vector<16xf32>
        %add3A_371 = arith.addf %add3A_350, %mul3A_370 : vector<16xf32>
        %add3A_372 = arith.constant 13 : i32
        %add3A_373 = arith.addi %mul3A_80, %add3A_372 : i32
        %get3A_374 = arith.index_cast %add3A_373 : i32 to index
        %get3A_375 = arith.constant 16 : index
        %get3A_376 = tpu.vector_load %arg9[%get3A_374, %get3A_375] {strides = array<i32>} : memref<1600x32xf32, #tpu.memory_space<vmem>>, vector<1x16xf32>,
        %get3A_377 = vector.shape_cast %get3A_376 : vector<1x16xf32> to vector<16xf32>
        %mul3A_378 = arith.mulf %get3A_363, %get3A_377 : vector<16xf32>
        %add3A_379 = arith.addf %add3A_358, %mul3A_378 : vector<16xf32>
        %get3A_380 = arith.constant 14 : i32
        %get3A_381 = arith.index_cast %get3A_380 : i32 to index
        %get3A_382 = arith.constant 0 : index
        %get3A_383 = tpu.vector_load %arg12[%get3A_381, %get3A_382] {strides = array<i32>} : memref<50x16xf32, #tpu.memory_space<vmem>>, vector<1x16xf32>,
        %get3A_384 = vector.shape_cast %get3A_383 : vector<1x16xf32> to vector<16xf32>
        %add3A_385 = arith.constant 14 : i32
        %add3A_386 = arith.addi %mul3A_80, %add3A_385 : i32
        %get3A_387 = arith.index_cast %add3A_386 : i32 to index
        %get3A_388 = arith.constant 0 : index
        %get3A_389 = tpu.vector_load %arg9[%get3A_387, %get3A_388] {strides = array<i32>} : memref<1600x32xf32, #tpu.memory_space<vmem>>, vector<1x16xf32>,
        %get3A_390 = vector.shape_cast %get3A_389 : vector<1x16xf32> to vector<16xf32>
        %mul3A_391 = arith.mulf %get3A_384, %get3A_390 : vector<16xf32>
        %add3A_392 = arith.addf %add3A_371, %mul3A_391 : vector<16xf32>
        %add3A_393 = arith.constant 14 : i32
        %add3A_394 = arith.addi %mul3A_80, %add3A_393 : i32
        %get3A_395 = arith.index_cast %add3A_394 : i32 to index
        %get3A_396 = arith.constant 16 : index
        %get3A_397 = tpu.vector_load %arg9[%get3A_395, %get3A_396] {strides = array<i32>} : memref<1600x32xf32, #tpu.memory_space<vmem>>, vector<1x16xf32>,
        %get3A_398 = vector.shape_cast %get3A_397 : vector<1x16xf32> to vector<16xf32>
        %mul3A_399 = arith.mulf %get3A_384, %get3A_398 : vector<16xf32>
        %add3A_400 = arith.addf %add3A_379, %mul3A_399 : vector<16xf32>
        %get3A_401 = arith.constant 15 : i32
        %get3A_402 = arith.index_cast %get3A_401 : i32 to index
        %get3A_403 = arith.constant 0 : index
        %get3A_404 = tpu.vector_load %arg12[%get3A_402, %get3A_403] {strides = array<i32>} : memref<50x16xf32, #tpu.memory_space<vmem>>, vector<1x16xf32>,
        %get3A_405 = vector.shape_cast %get3A_404 : vector<1x16xf32> to vector<16xf32>
        %add3A_406 = arith.constant 15 : i32
        %add3A_407 = arith.addi %mul3A_80, %add3A_406 : i32
        %get3A_408 = arith.index_cast %add3A_407 : i32 to index
        %get3A_409 = arith.constant 0 : index
        %get3A_410 = tpu.vector_load %arg9[%get3A_408, %get3A_409] {strides = array<i32>} : memref<1600x32xf32, #tpu.memory_space<vmem>>, vector<1x16xf32>,
        %get3A_411 = vector.shape_cast %get3A_410 : vector<1x16xf32> to vector<16xf32>
        %mul3A_412 = arith.mulf %get3A_405, %get3A_411 : vector<16xf32>
        %add3A_413 = arith.addf %add3A_392, %mul3A_412 : vector<16xf32>
        %add3A_414 = arith.constant 15 : i32
        %add3A_415 = arith.addi %mul3A_80, %add3A_414 : i32
        %get3A_416 = arith.index_cast %add3A_415 : i32 to index
        %get3A_417 = arith.constant 16 : index
        %get3A_418 = tpu.vector_load %arg9[%get3A_416, %get3A_417] {strides = array<i32>} : memref<1600x32xf32, #tpu.memory_space<vmem>>, vector<1x16xf32>,
        %get3A_419 = vector.shape_cast %get3A_418 : vector<1x16xf32> to vector<16xf32>
        %mul3A_420 = arith.mulf %get3A_405, %get3A_419 : vector<16xf32>
        %add3A_421 = arith.addf %add3A_400, %mul3A_420 : vector<16xf32>
        %get3A_422 = arith.constant 16 : i32
        %get3A_423 = arith.index_cast %get3A_422 : i32 to index
        %get3A_424 = arith.constant 0 : index
        %get3A_425 = tpu.vector_load %arg12[%get3A_423, %get3A_424] {strides = array<i32>} : memref<50x16xf32, #tpu.memory_space<vmem>>, vector<1x16xf32>,
        %get3A_426 = vector.shape_cast %get3A_425 : vector<1x16xf32> to vector<16xf32>
        %add3A_427 = arith.constant 16 : i32
        %add3A_428 = arith.addi %mul3A_80, %add3A_427 : i32
        %get3A_429 = arith.index_cast %add3A_428 : i32 to index
        %get3A_430 = arith.constant 0 : index
        %get3A_431 = tpu.vector_load %arg9[%get3A_429, %get3A_430] {strides = array<i32>} : memref<1600x32xf32, #tpu.memory_space<vmem>>, vector<1x16xf32>,
        %get3A_432 = vector.shape_cast %get3A_431 : vector<1x16xf32> to vector<16xf32>
        %mul3A_433 = arith.mulf %get3A_426, %get3A_432 : vector<16xf32>
        %add3A_434 = arith.addf %add3A_413, %mul3A_433 : vector<16xf32>
        %add3A_435 = arith.constant 16 : i32
        %add3A_436 = arith.addi %mul3A_80, %add3A_435 : i32
        %get3A_437 = arith.index_cast %add3A_436 : i32 to index
        %get3A_438 = arith.constant 16 : index
        %get3A_439 = tpu.vector_load %arg9[%get3A_437, %get3A_438] {strides = array<i32>} : memref<1600x32xf32, #tpu.memory_space<vmem>>, vector<1x16xf32>,
        %get3A_440 = vector.shape_cast %get3A_439 : vector<1x16xf32> to vector<16xf32>
        %mul3A_441 = arith.mulf %get3A_426, %get3A_440 : vector<16xf32>
        %add3A_442 = arith.addf %add3A_421, %mul3A_441 : vector<16xf32>
        %get3A_443 = arith.constant 17 : i32
        %get3A_444 = arith.index_cast %get3A_443 : i32 to index
        %get3A_445 = arith.constant 0 : index
        %get3A_446 = tpu.vector_load %arg12[%get3A_444, %get3A_445] {strides = array<i32>} : memref<50x16xf32, #tpu.memory_space<vmem>>, vector<1x16xf32>,
        %get3A_447 = vector.shape_cast %get3A_446 : vector<1x16xf32> to vector<16xf32>
        %add3A_448 = arith.constant 17 : i32
        %add3A_449 = arith.addi %mul3A_80, %add3A_448 : i32
        %get3A_450 = arith.index_cast %add3A_449 : i32 to index
        %get3A_451 = arith.constant 0 : index
        %get3A_452 = tpu.vector_load %arg9[%get3A_450, %get3A_451] {strides = array<i32>} : memref<1600x32xf32, #tpu.memory_space<vmem>>, vector<1x16xf32>,
        %get3A_453 = vector.shape_cast %get3A_452 : vector<1x16xf32> to vector<16xf32>
        %mul3A_454 = arith.mulf %get3A_447, %get3A_453 : vector<16xf32>
        %add3A_455 = arith.addf %add3A_434, %mul3A_454 : vector<16xf32>
        %add3A_456 = arith.constant 17 : i32
        %add3A_457 = arith.addi %mul3A_80, %add3A_456 : i32
        %get3A_458 = arith.index_cast %add3A_457 : i32 to index
        %get3A_459 = arith.constant 16 : index
        %get3A_460 = tpu.vector_load %arg9[%get3A_458, %get3A_459] {strides = array<i32>} : memref<1600x32xf32, #tpu.memory_space<vmem>>, vector<1x16xf32>,
        %get3A_461 = vector.shape_cast %get3A_460 : vector<1x16xf32> to vector<16xf32>
        %mul3A_462 = arith.mulf %get3A_447, %get3A_461 : vector<16xf32>
        %add3A_463 = arith.addf %add3A_442, %mul3A_462 : vector<16xf32>
        %get3A_464 = arith.constant 18 : i32
        %get3A_465 = arith.index_cast %get3A_464 : i32 to index
        %get3A_466 = arith.constant 0 : index
        %get3A_467 = tpu.vector_load %arg12[%get3A_465, %get3A_466] {strides = array<i32>} : memref<50x16xf32, #tpu.memory_space<vmem>>, vector<1x16xf32>,
        %get3A_468 = vector.shape_cast %get3A_467 : vector<1x16xf32> to vector<16xf32>
        %add3A_469 = arith.constant 18 : i32
        %add3A_470 = arith.addi %mul3A_80, %add3A_469 : i32
        %get3A_471 = arith.index_cast %add3A_470 : i32 to index
        %get3A_472 = arith.constant 0 : index
        %get3A_473 = tpu.vector_load %arg9[%get3A_471, %get3A_472] {strides = array<i32>} : memref<1600x32xf32, #tpu.memory_space<vmem>>, vector<1x16xf32>,
        %get3A_474 = vector.shape_cast %get3A_473 : vector<1x16xf32> to vector<16xf32>
        %mul3A_475 = arith.mulf %get3A_468, %get3A_474 : vector<16xf32>
        %add3A_476 = arith.addf %add3A_455, %mul3A_475 : vector<16xf32>
        %add3A_477 = arith.constant 18 : i32
        %add3A_478 = arith.addi %mul3A_80, %add3A_477 : i32
        %get3A_479 = arith.index_cast %add3A_478 : i32 to index
        %get3A_480 = arith.constant 16 : index
        %get3A_481 = tpu.vector_load %arg9[%get3A_479, %get3A_480] {strides = array<i32>} : memref<1600x32xf32, #tpu.memory_space<vmem>>, vector<1x16xf32>,
        %get3A_482 = vector.shape_cast %get3A_481 : vector<1x16xf32> to vector<16xf32>
        %mul3A_483 = arith.mulf %get3A_468, %get3A_482 : vector<16xf32>
        %add3A_484 = arith.addf %add3A_463, %mul3A_483 : vector<16xf32>
        %get3A_485 = arith.constant 19 : i32
        %get3A_486 = arith.index_cast %get3A_485 : i32 to index
        %get3A_487 = arith.constant 0 : index
        %get3A_488 = tpu.vector_load %arg12[%get3A_486, %get3A_487] {strides = array<i32>} : memref<50x16xf32, #tpu.memory_space<vmem>>, vector<1x16xf32>,
        %get3A_489 = vector.shape_cast %get3A_488 : vector<1x16xf32> to vector<16xf32>
        %add3A_490 = arith.constant 19 : i32
        %add3A_491 = arith.addi %mul3A_80, %add3A_490 : i32
        %get3A_492 = arith.index_cast %add3A_491 : i32 to index
        %get3A_493 = arith.constant 0 : index
        %get3A_494 = tpu.vector_load %arg9[%get3A_492, %get3A_493] {strides = array<i32>} : memref<1600x32xf32, #tpu.memory_space<vmem>>, vector<1x16xf32>,
        %get3A_495 = vector.shape_cast %get3A_494 : vector<1x16xf32> to vector<16xf32>
        %mul3A_496 = arith.mulf %get3A_489, %get3A_495 : vector<16xf32>
        %add3A_497 = arith.addf %add3A_476, %mul3A_496 : vector<16xf32>
        %add3A_498 = arith.constant 19 : i32
        %add3A_499 = arith.addi %mul3A_80, %add3A_498 : i32
        %get3A_500 = arith.index_cast %add3A_499 : i32 to index
        %get3A_501 = arith.constant 16 : index
        %get3A_502 = tpu.vector_load %arg9[%get3A_500, %get3A_501] {strides = array<i32>} : memref<1600x32xf32, #tpu.memory_space<vmem>>, vector<1x16xf32>,
        %get3A_503 = vector.shape_cast %get3A_502 : vector<1x16xf32> to vector<16xf32>
        %mul3A_504 = arith.mulf %get3A_489, %get3A_503 : vector<16xf32>
        %add3A_505 = arith.addf %add3A_484, %mul3A_504 : vector<16xf32>
        %get3A_506 = arith.constant 20 : i32
        %get3A_507 = arith.index_cast %get3A_506 : i32 to index
        %get3A_508 = arith.constant 0 : index
        %get3A_509 = tpu.vector_load %arg12[%get3A_507, %get3A_508] {strides = array<i32>} : memref<50x16xf32, #tpu.memory_space<vmem>>, vector<1x16xf32>,
        %get3A_510 = vector.shape_cast %get3A_509 : vector<1x16xf32> to vector<16xf32>
        %add3A_511 = arith.constant 20 : i32
        %add3A_512 = arith.addi %mul3A_80, %add3A_511 : i32
        %get3A_513 = arith.index_cast %add3A_512 : i32 to index
        %get3A_514 = arith.constant 0 : index
        %get3A_515 = tpu.vector_load %arg9[%get3A_513, %get3A_514] {strides = array<i32>} : memref<1600x32xf32, #tpu.memory_space<vmem>>, vector<1x16xf32>,
        %get3A_516 = vector.shape_cast %get3A_515 : vector<1x16xf32> to vector<16xf32>
        %mul3A_517 = arith.mulf %get3A_510, %get3A_516 : vector<16xf32>
        %add3A_518 = arith.addf %add3A_497, %mul3A_517 : vector<16xf32>
        %add3A_519 = arith.constant 20 : i32
        %add3A_520 = arith.addi %mul3A_80, %add3A_519 : i32
        %get3A_521 = arith.index_cast %add3A_520 : i32 to index
        %get3A_522 = arith.constant 16 : index
        %get3A_523 = tpu.vector_load %arg9[%get3A_521, %get3A_522] {strides = array<i32>} : memref<1600x32xf32, #tpu.memory_space<vmem>>, vector<1x16xf32>,
        %get3A_524 = vector.shape_cast %get3A_523 : vector<1x16xf32> to vector<16xf32>
        %mul3A_525 = arith.mulf %get3A_510, %get3A_524 : vector<16xf32>
        %add3A_526 = arith.addf %add3A_505, %mul3A_525 : vector<16xf32>
        %get3A_527 = arith.constant 21 : i32
        %get3A_528 = arith.index_cast %get3A_527 : i32 to index
        %get3A_529 = arith.constant 0 : index
        %get3A_530 = tpu.vector_load %arg12[%get3A_528, %get3A_529] {strides = array<i32>} : memref<50x16xf32, #tpu.memory_space<vmem>>, vector<1x16xf32>,
        %get3A_531 = vector.shape_cast %get3A_530 : vector<1x16xf32> to vector<16xf32>
        %add3A_532 = arith.constant 21 : i32
        %add3A_533 = arith.addi %mul3A_80, %add3A_532 : i32
        %get3A_534 = arith.index_cast %add3A_533 : i32 to index
        %get3A_535 = arith.constant 0 : index
        %get3A_536 = tpu.vector_load %arg9[%get3A_534, %get3A_535] {strides = array<i32>} : memref<1600x32xf32, #tpu.memory_space<vmem>>, vector<1x16xf32>,
        %get3A_537 = vector.shape_cast %get3A_536 : vector<1x16xf32> to vector<16xf32>
        %mul3A_538 = arith.mulf %get3A_531, %get3A_537 : vector<16xf32>
        %add3A_539 = arith.addf %add3A_518, %mul3A_538 : vector<16xf32>
        %add3A_540 = arith.constant 21 : i32
        %add3A_541 = arith.addi %mul3A_80, %add3A_540 : i32
        %get3A_542 = arith.index_cast %add3A_541 : i32 to index
        %get3A_543 = arith.constant 16 : index
        %get3A_544 = tpu.vector_load %arg9[%get3A_542, %get3A_543] {strides = array<i32>} : memref<1600x32xf32, #tpu.memory_space<vmem>>, vector<1x16xf32>,
        %get3A_545 = vector.shape_cast %get3A_544 : vector<1x16xf32> to vector<16xf32>
        %mul3A_546 = arith.mulf %get3A_531, %get3A_545 : vector<16xf32>
        %add3A_547 = arith.addf %add3A_526, %mul3A_546 : vector<16xf32>
        %get3A_548 = arith.constant 22 : i32
        %get3A_549 = arith.index_cast %get3A_548 : i32 to index
        %get3A_550 = arith.constant 0 : index
        %get3A_551 = tpu.vector_load %arg12[%get3A_549, %get3A_550] {strides = array<i32>} : memref<50x16xf32, #tpu.memory_space<vmem>>, vector<1x16xf32>,
        %get3A_552 = vector.shape_cast %get3A_551 : vector<1x16xf32> to vector<16xf32>
        %add3A_553 = arith.constant 22 : i32
        %add3A_554 = arith.addi %mul3A_80, %add3A_553 : i32
        %get3A_555 = arith.index_cast %add3A_554 : i32 to index
        %get3A_556 = arith.constant 0 : index
        %get3A_557 = tpu.vector_load %arg9[%get3A_555, %get3A_556] {strides = array<i32>} : memref<1600x32xf32, #tpu.memory_space<vmem>>, vector<1x16xf32>,
        %get3A_558 = vector.shape_cast %get3A_557 : vector<1x16xf32> to vector<16xf32>
        %mul3A_559 = arith.mulf %get3A_552, %get3A_558 : vector<16xf32>
        %add3A_560 = arith.addf %add3A_539, %mul3A_559 : vector<16xf32>
        %add3A_561 = arith.constant 22 : i32
        %add3A_562 = arith.addi %mul3A_80, %add3A_561 : i32
        %get3A_563 = arith.index_cast %add3A_562 : i32 to index
        %get3A_564 = arith.constant 16 : index
        %get3A_565 = tpu.vector_load %arg9[%get3A_563, %get3A_564] {strides = array<i32>} : memref<1600x32xf32, #tpu.memory_space<vmem>>, vector<1x16xf32>,
        %get3A_566 = vector.shape_cast %get3A_565 : vector<1x16xf32> to vector<16xf32>
        %mul3A_567 = arith.mulf %get3A_552, %get3A_566 : vector<16xf32>
        %add3A_568 = arith.addf %add3A_547, %mul3A_567 : vector<16xf32>
        %get3A_569 = arith.constant 23 : i32
        %get3A_570 = arith.index_cast %get3A_569 : i32 to index
        %get3A_571 = arith.constant 0 : index
        %get3A_572 = tpu.vector_load %arg12[%get3A_570, %get3A_571] {strides = array<i32>} : memref<50x16xf32, #tpu.memory_space<vmem>>, vector<1x16xf32>,
        %get3A_573 = vector.shape_cast %get3A_572 : vector<1x16xf32> to vector<16xf32>
        %add3A_574 = arith.constant 23 : i32
        %add3A_575 = arith.addi %mul3A_80, %add3A_574 : i32
        %get3A_576 = arith.index_cast %add3A_575 : i32 to index
        %get3A_577 = arith.constant 0 : index
        %get3A_578 = tpu.vector_load %arg9[%get3A_576, %get3A_577] {strides = array<i32>} : memref<1600x32xf32, #tpu.memory_space<vmem>>, vector<1x16xf32>,
        %get3A_579 = vector.shape_cast %get3A_578 : vector<1x16xf32> to vector<16xf32>
        %mul3A_580 = arith.mulf %get3A_573, %get3A_579 : vector<16xf32>
        %add3A_581 = arith.addf %add3A_560, %mul3A_580 : vector<16xf32>
        %add3A_582 = arith.constant 23 : i32
        %add3A_583 = arith.addi %mul3A_80, %add3A_582 : i32
        %get3A_584 = arith.index_cast %add3A_583 : i32 to index
        %get3A_585 = arith.constant 16 : index
        %get3A_586 = tpu.vector_load %arg9[%get3A_584, %get3A_585] {strides = array<i32>} : memref<1600x32xf32, #tpu.memory_space<vmem>>, vector<1x16xf32>,
        %get3A_587 = vector.shape_cast %get3A_586 : vector<1x16xf32> to vector<16xf32>
        %mul3A_588 = arith.mulf %get3A_573, %get3A_587 : vector<16xf32>
        %add3A_589 = arith.addf %add3A_568, %mul3A_588 : vector<16xf32>
        %get3A_590 = arith.constant 24 : i32
        %get3A_591 = arith.index_cast %get3A_590 : i32 to index
        %get3A_592 = arith.constant 0 : index
        %get3A_593 = tpu.vector_load %arg12[%get3A_591, %get3A_592] {strides = array<i32>} : memref<50x16xf32, #tpu.memory_space<vmem>>, vector<1x16xf32>,
        %get3A_594 = vector.shape_cast %get3A_593 : vector<1x16xf32> to vector<16xf32>
        %add3A_595 = arith.constant 24 : i32
        %add3A_596 = arith.addi %mul3A_80, %add3A_595 : i32
        %get3A_597 = arith.index_cast %add3A_596 : i32 to index
        %get3A_598 = arith.constant 0 : index
        %get3A_599 = tpu.vector_load %arg9[%get3A_597, %get3A_598] {strides = array<i32>} : memref<1600x32xf32, #tpu.memory_space<vmem>>, vector<1x16xf32>,
        %get3A_600 = vector.shape_cast %get3A_599 : vector<1x16xf32> to vector<16xf32>
        %mul3A_601 = arith.mulf %get3A_594, %get3A_600 : vector<16xf32>
        %add3A_602 = arith.addf %add3A_581, %mul3A_601 : vector<16xf32>
        %add3A_603 = arith.constant 24 : i32
        %add3A_604 = arith.addi %mul3A_80, %add3A_603 : i32
        %get3A_605 = arith.index_cast %add3A_604 : i32 to index
        %get3A_606 = arith.constant 16 : index
        %get3A_607 = tpu.vector_load %arg9[%get3A_605, %get3A_606] {strides = array<i32>} : memref<1600x32xf32, #tpu.memory_space<vmem>>, vector<1x16xf32>,
        %get3A_608 = vector.shape_cast %get3A_607 : vector<1x16xf32> to vector<16xf32>
        %mul3A_609 = arith.mulf %get3A_594, %get3A_608 : vector<16xf32>
        %add3A_610 = arith.addf %add3A_589, %mul3A_609 : vector<16xf32>
        %get3A_611 = arith.constant 25 : i32
        %get3A_612 = arith.index_cast %get3A_611 : i32 to index
        %get3A_613 = arith.constant 0 : index
        %get3A_614 = tpu.vector_load %arg12[%get3A_612, %get3A_613] {strides = array<i32>} : memref<50x16xf32, #tpu.memory_space<vmem>>, vector<1x16xf32>,
        %get3A_615 = vector.shape_cast %get3A_614 : vector<1x16xf32> to vector<16xf32>
        %add3A_616 = arith.constant 25 : i32
        %add3A_617 = arith.addi %mul3A_80, %add3A_616 : i32
        %get3A_618 = arith.index_cast %add3A_617 : i32 to index
        %get3A_619 = arith.constant 0 : index
        %get3A_620 = tpu.vector_load %arg9[%get3A_618, %get3A_619] {strides = array<i32>} : memref<1600x32xf32, #tpu.memory_space<vmem>>, vector<1x16xf32>,
        %get3A_621 = vector.shape_cast %get3A_620 : vector<1x16xf32> to vector<16xf32>
        %mul3A_622 = arith.mulf %get3A_615, %get3A_621 : vector<16xf32>
        %add3A_623 = arith.addf %add3A_602, %mul3A_622 : vector<16xf32>
        %add3A_624 = arith.constant 25 : i32
        %add3A_625 = arith.addi %mul3A_80, %add3A_624 : i32
        %get3A_626 = arith.index_cast %add3A_625 : i32 to index
        %get3A_627 = arith.constant 16 : index
        %get3A_628 = tpu.vector_load %arg9[%get3A_626, %get3A_627] {strides = array<i32>} : memref<1600x32xf32, #tpu.memory_space<vmem>>, vector<1x16xf32>,
        %get3A_629 = vector.shape_cast %get3A_628 : vector<1x16xf32> to vector<16xf32>
        %mul3A_630 = arith.mulf %get3A_615, %get3A_629 : vector<16xf32>
        %add3A_631 = arith.addf %add3A_610, %mul3A_630 : vector<16xf32>
        %get3A_632 = arith.constant 26 : i32
        %get3A_633 = arith.index_cast %get3A_632 : i32 to index
        %get3A_634 = arith.constant 0 : index
        %get3A_635 = tpu.vector_load %arg12[%get3A_633, %get3A_634] {strides = array<i32>} : memref<50x16xf32, #tpu.memory_space<vmem>>, vector<1x16xf32>,
        %get3A_636 = vector.shape_cast %get3A_635 : vector<1x16xf32> to vector<16xf32>
        %add3A_637 = arith.constant 26 : i32
        %add3A_638 = arith.addi %mul3A_80, %add3A_637 : i32
        %get3A_639 = arith.index_cast %add3A_638 : i32 to index
        %get3A_640 = arith.constant 0 : index
        %get3A_641 = tpu.vector_load %arg9[%get3A_639, %get3A_640] {strides = array<i32>} : memref<1600x32xf32, #tpu.memory_space<vmem>>, vector<1x16xf32>,
        %get3A_642 = vector.shape_cast %get3A_641 : vector<1x16xf32> to vector<16xf32>
        %mul3A_643 = arith.mulf %get3A_636, %get3A_642 : vector<16xf32>
        %add3A_644 = arith.addf %add3A_623, %mul3A_643 : vector<16xf32>
        %add3A_645 = arith.constant 26 : i32
        %add3A_646 = arith.addi %mul3A_80, %add3A_645 : i32
        %get3A_647 = arith.index_cast %add3A_646 : i32 to index
        %get3A_648 = arith.constant 16 : index
        %get3A_649 = tpu.vector_load %arg9[%get3A_647, %get3A_648] {strides = array<i32>} : memref<1600x32xf32, #tpu.memory_space<vmem>>, vector<1x16xf32>,
        %get3A_650 = vector.shape_cast %get3A_649 : vector<1x16xf32> to vector<16xf32>
        %mul3A_651 = arith.mulf %get3A_636, %get3A_650 : vector<16xf32>
        %add3A_652 = arith.addf %add3A_631, %mul3A_651 : vector<16xf32>
        %get3A_653 = arith.constant 27 : i32
        %get3A_654 = arith.index_cast %get3A_653 : i32 to index
        %get3A_655 = arith.constant 0 : index
        %get3A_656 = tpu.vector_load %arg12[%get3A_654, %get3A_655] {strides = array<i32>} : memref<50x16xf32, #tpu.memory_space<vmem>>, vector<1x16xf32>,
        %get3A_657 = vector.shape_cast %get3A_656 : vector<1x16xf32> to vector<16xf32>
        %add3A_658 = arith.constant 27 : i32
        %add3A_659 = arith.addi %mul3A_80, %add3A_658 : i32
        %get3A_660 = arith.index_cast %add3A_659 : i32 to index
        %get3A_661 = arith.constant 0 : index
        %get3A_662 = tpu.vector_load %arg9[%get3A_660, %get3A_661] {strides = array<i32>} : memref<1600x32xf32, #tpu.memory_space<vmem>>, vector<1x16xf32>,
        %get3A_663 = vector.shape_cast %get3A_662 : vector<1x16xf32> to vector<16xf32>
        %mul3A_664 = arith.mulf %get3A_657, %get3A_663 : vector<16xf32>
        %add3A_665 = arith.addf %add3A_644, %mul3A_664 : vector<16xf32>
        %add3A_666 = arith.constant 27 : i32
        %add3A_667 = arith.addi %mul3A_80, %add3A_666 : i32
        %get3A_668 = arith.index_cast %add3A_667 : i32 to index
        %get3A_669 = arith.constant 16 : index
        %get3A_670 = tpu.vector_load %arg9[%get3A_668, %get3A_669] {strides = array<i32>} : memref<1600x32xf32, #tpu.memory_space<vmem>>, vector<1x16xf32>,
        %get3A_671 = vector.shape_cast %get3A_670 : vector<1x16xf32> to vector<16xf32>
        %mul3A_672 = arith.mulf %get3A_657, %get3A_671 : vector<16xf32>
        %add3A_673 = arith.addf %add3A_652, %mul3A_672 : vector<16xf32>
        %get3A_674 = arith.constant 28 : i32
        %get3A_675 = arith.index_cast %get3A_674 : i32 to index
        %get3A_676 = arith.constant 0 : index
        %get3A_677 = tpu.vector_load %arg12[%get3A_675, %get3A_676] {strides = array<i32>} : memref<50x16xf32, #tpu.memory_space<vmem>>, vector<1x16xf32>,
        %get3A_678 = vector.shape_cast %get3A_677 : vector<1x16xf32> to vector<16xf32>
        %add3A_679 = arith.constant 28 : i32
        %add3A_680 = arith.addi %mul3A_80, %add3A_679 : i32
        %get3A_681 = arith.index_cast %add3A_680 : i32 to index
        %get3A_682 = arith.constant 0 : index
        %get3A_683 = tpu.vector_load %arg9[%get3A_681, %get3A_682] {strides = array<i32>} : memref<1600x32xf32, #tpu.memory_space<vmem>>, vector<1x16xf32>,
        %get3A_684 = vector.shape_cast %get3A_683 : vector<1x16xf32> to vector<16xf32>
        %mul3A_685 = arith.mulf %get3A_678, %get3A_684 : vector<16xf32>
        %add3A_686 = arith.addf %add3A_665, %mul3A_685 : vector<16xf32>
        %add3A_687 = arith.constant 28 : i32
        %add3A_688 = arith.addi %mul3A_80, %add3A_687 : i32
        %get3A_689 = arith.index_cast %add3A_688 : i32 to index
        %get3A_690 = arith.constant 16 : index
        %get3A_691 = tpu.vector_load %arg9[%get3A_689, %get3A_690] {strides = array<i32>} : memref<1600x32xf32, #tpu.memory_space<vmem>>, vector<1x16xf32>,
        %get3A_692 = vector.shape_cast %get3A_691 : vector<1x16xf32> to vector<16xf32>
        %mul3A_693 = arith.mulf %get3A_678, %get3A_692 : vector<16xf32>
        %add3A_694 = arith.addf %add3A_673, %mul3A_693 : vector<16xf32>
        %get3A_695 = arith.constant 29 : i32
        %get3A_696 = arith.index_cast %get3A_695 : i32 to index
        %get3A_697 = arith.constant 0 : index
        %get3A_698 = tpu.vector_load %arg12[%get3A_696, %get3A_697] {strides = array<i32>} : memref<50x16xf32, #tpu.memory_space<vmem>>, vector<1x16xf32>,
        %get3A_699 = vector.shape_cast %get3A_698 : vector<1x16xf32> to vector<16xf32>
        %add3A_700 = arith.constant 29 : i32
        %add3A_701 = arith.addi %mul3A_80, %add3A_700 : i32
        %get3A_702 = arith.index_cast %add3A_701 : i32 to index
        %get3A_703 = arith.constant 0 : index
        %get3A_704 = tpu.vector_load %arg9[%get3A_702, %get3A_703] {strides = array<i32>} : memref<1600x32xf32, #tpu.memory_space<vmem>>, vector<1x16xf32>,
        %get3A_705 = vector.shape_cast %get3A_704 : vector<1x16xf32> to vector<16xf32>
        %mul3A_706 = arith.mulf %get3A_699, %get3A_705 : vector<16xf32>
        %add3A_707 = arith.addf %add3A_686, %mul3A_706 : vector<16xf32>
        %add3A_708 = arith.constant 29 : i32
        %add3A_709 = arith.addi %mul3A_80, %add3A_708 : i32
        %get3A_710 = arith.index_cast %add3A_709 : i32 to index
        %get3A_711 = arith.constant 16 : index
        %get3A_712 = tpu.vector_load %arg9[%get3A_710, %get3A_711] {strides = array<i32>} : memref<1600x32xf32, #tpu.memory_space<vmem>>, vector<1x16xf32>,
        %get3A_713 = vector.shape_cast %get3A_712 : vector<1x16xf32> to vector<16xf32>
        %mul3A_714 = arith.mulf %get3A_699, %get3A_713 : vector<16xf32>
        %add3A_715 = arith.addf %add3A_694, %mul3A_714 : vector<16xf32>
        %get3A_716 = arith.constant 30 : i32
        %get3A_717 = arith.index_cast %get3A_716 : i32 to index
        %get3A_718 = arith.constant 0 : index
        %get3A_719 = tpu.vector_load %arg12[%get3A_717, %get3A_718] {strides = array<i32>} : memref<50x16xf32, #tpu.memory_space<vmem>>, vector<1x16xf32>,
        %get3A_720 = vector.shape_cast %get3A_719 : vector<1x16xf32> to vector<16xf32>
        %add3A_721 = arith.constant 30 : i32
        %add3A_722 = arith.addi %mul3A_80, %add3A_721 : i32
        %get3A_723 = arith.index_cast %add3A_722 : i32 to index
        %get3A_724 = arith.constant 0 : index
        %get3A_725 = tpu.vector_load %arg9[%get3A_723, %get3A_724] {strides = array<i32>} : memref<1600x32xf32, #tpu.memory_space<vmem>>, vector<1x16xf32>,
        %get3A_726 = vector.shape_cast %get3A_725 : vector<1x16xf32> to vector<16xf32>
        %mul3A_727 = arith.mulf %get3A_720, %get3A_726 : vector<16xf32>
        %add3A_728 = arith.addf %add3A_707, %mul3A_727 : vector<16xf32>
        %add3A_729 = arith.constant 30 : i32
        %add3A_730 = arith.addi %mul3A_80, %add3A_729 : i32
        %get3A_731 = arith.index_cast %add3A_730 : i32 to index
        %get3A_732 = arith.constant 16 : index
        %get3A_733 = tpu.vector_load %arg9[%get3A_731, %get3A_732] {strides = array<i32>} : memref<1600x32xf32, #tpu.memory_space<vmem>>, vector<1x16xf32>,
        %get3A_734 = vector.shape_cast %get3A_733 : vector<1x16xf32> to vector<16xf32>
        %mul3A_735 = arith.mulf %get3A_720, %get3A_734 : vector<16xf32>
        %add3A_736 = arith.addf %add3A_715, %mul3A_735 : vector<16xf32>
        %get3A_737 = arith.constant 31 : i32
        %get3A_738 = arith.index_cast %get3A_737 : i32 to index
        %get3A_739 = arith.constant 0 : index
        %get3A_740 = tpu.vector_load %arg12[%get3A_738, %get3A_739] {strides = array<i32>} : memref<50x16xf32, #tpu.memory_space<vmem>>, vector<1x16xf32>,
        %get3A_741 = vector.shape_cast %get3A_740 : vector<1x16xf32> to vector<16xf32>
        %add3A_742 = arith.constant 31 : i32
        %add3A_743 = arith.addi %mul3A_80, %add3A_742 : i32
        %get3A_744 = arith.index_cast %add3A_743 : i32 to index
        %get3A_745 = arith.constant 0 : index
        %get3A_746 = tpu.vector_load %arg9[%get3A_744, %get3A_745] {strides = array<i32>} : memref<1600x32xf32, #tpu.memory_space<vmem>>, vector<1x16xf32>,
        %get3A_747 = vector.shape_cast %get3A_746 : vector<1x16xf32> to vector<16xf32>
        %mul3A_748 = arith.mulf %get3A_741, %get3A_747 : vector<16xf32>
        %add3A_749 = arith.addf %add3A_728, %mul3A_748 : vector<16xf32>
        %add3A_750 = arith.constant 31 : i32
        %add3A_751 = arith.addi %mul3A_80, %add3A_750 : i32
        %get3A_752 = arith.index_cast %add3A_751 : i32 to index
        %get3A_753 = arith.constant 16 : index
        %get3A_754 = tpu.vector_load %arg9[%get3A_752, %get3A_753] {strides = array<i32>} : memref<1600x32xf32, #tpu.memory_space<vmem>>, vector<1x16xf32>,
        %get3A_755 = vector.shape_cast %get3A_754 : vector<1x16xf32> to vector<16xf32>
        %mul3A_756 = arith.mulf %get3A_741, %get3A_755 : vector<16xf32>
        %add3A_757 = arith.addf %add3A_736, %mul3A_756 : vector<16xf32>
        %get3A_758 = arith.constant 32 : i32
        %get3A_759 = arith.index_cast %get3A_758 : i32 to index
        %get3A_760 = arith.constant 0 : index
        %get3A_761 = tpu.vector_load %arg12[%get3A_759, %get3A_760] {strides = array<i32>} : memref<50x16xf32, #tpu.memory_space<vmem>>, vector<1x16xf32>,
        %get3A_762 = vector.shape_cast %get3A_761 : vector<1x16xf32> to vector<16xf32>
        %add3A_763 = arith.constant 32 : i32
        %add3A_764 = arith.addi %mul3A_80, %add3A_763 : i32
        %get3A_765 = arith.index_cast %add3A_764 : i32 to index
        %get3A_766 = arith.constant 0 : index
        %get3A_767 = tpu.vector_load %arg9[%get3A_765, %get3A_766] {strides = array<i32>} : memref<1600x32xf32, #tpu.memory_space<vmem>>, vector<1x16xf32>,
        %get3A_768 = vector.shape_cast %get3A_767 : vector<1x16xf32> to vector<16xf32>
        %mul3A_769 = arith.mulf %get3A_762, %get3A_768 : vector<16xf32>
        %add3A_770 = arith.addf %add3A_749, %mul3A_769 : vector<16xf32>
        %add3A_771 = arith.constant 32 : i32
        %add3A_772 = arith.addi %mul3A_80, %add3A_771 : i32
        %get3A_773 = arith.index_cast %add3A_772 : i32 to index
        %get3A_774 = arith.constant 16 : index
        %get3A_775 = tpu.vector_load %arg9[%get3A_773, %get3A_774] {strides = array<i32>} : memref<1600x32xf32, #tpu.memory_space<vmem>>, vector<1x16xf32>,
        %get3A_776 = vector.shape_cast %get3A_775 : vector<1x16xf32> to vector<16xf32>
        %mul3A_777 = arith.mulf %get3A_762, %get3A_776 : vector<16xf32>
        %add3A_778 = arith.addf %add3A_757, %mul3A_777 : vector<16xf32>
        %get3A_779 = arith.constant 33 : i32
        %get3A_780 = arith.index_cast %get3A_779 : i32 to index
        %get3A_781 = arith.constant 0 : index
        %get3A_782 = tpu.vector_load %arg12[%get3A_780, %get3A_781] {strides = array<i32>} : memref<50x16xf32, #tpu.memory_space<vmem>>, vector<1x16xf32>,
        %get3A_783 = vector.shape_cast %get3A_782 : vector<1x16xf32> to vector<16xf32>
        %add3A_784 = arith.constant 33 : i32
        %add3A_785 = arith.addi %mul3A_80, %add3A_784 : i32
        %get3A_786 = arith.index_cast %add3A_785 : i32 to index
        %get3A_787 = arith.constant 0 : index
        %get3A_788 = tpu.vector_load %arg9[%get3A_786, %get3A_787] {strides = array<i32>} : memref<1600x32xf32, #tpu.memory_space<vmem>>, vector<1x16xf32>,
        %get3A_789 = vector.shape_cast %get3A_788 : vector<1x16xf32> to vector<16xf32>
        %mul3A_790 = arith.mulf %get3A_783, %get3A_789 : vector<16xf32>
        %add3A_791 = arith.addf %add3A_770, %mul3A_790 : vector<16xf32>
        %add3A_792 = arith.constant 33 : i32
        %add3A_793 = arith.addi %mul3A_80, %add3A_792 : i32
        %get3A_794 = arith.index_cast %add3A_793 : i32 to index
        %get3A_795 = arith.constant 16 : index
        %get3A_796 = tpu.vector_load %arg9[%get3A_794, %get3A_795] {strides = array<i32>} : memref<1600x32xf32, #tpu.memory_space<vmem>>, vector<1x16xf32>,
        %get3A_797 = vector.shape_cast %get3A_796 : vector<1x16xf32> to vector<16xf32>
        %mul3A_798 = arith.mulf %get3A_783, %get3A_797 : vector<16xf32>
        %add3A_799 = arith.addf %add3A_778, %mul3A_798 : vector<16xf32>
        %get3A_800 = arith.constant 34 : i32
        %get3A_801 = arith.index_cast %get3A_800 : i32 to index
        %get3A_802 = arith.constant 0 : index
        %get3A_803 = tpu.vector_load %arg12[%get3A_801, %get3A_802] {strides = array<i32>} : memref<50x16xf32, #tpu.memory_space<vmem>>, vector<1x16xf32>,
        %get3A_804 = vector.shape_cast %get3A_803 : vector<1x16xf32> to vector<16xf32>
        %add3A_805 = arith.constant 34 : i32
        %add3A_806 = arith.addi %mul3A_80, %add3A_805 : i32
        %get3A_807 = arith.index_cast %add3A_806 : i32 to index
        %get3A_808 = arith.constant 0 : index
        %get3A_809 = tpu.vector_load %arg9[%get3A_807, %get3A_808] {strides = array<i32>} : memref<1600x32xf32, #tpu.memory_space<vmem>>, vector<1x16xf32>,
        %get3A_810 = vector.shape_cast %get3A_809 : vector<1x16xf32> to vector<16xf32>
        %mul3A_811 = arith.mulf %get3A_804, %get3A_810 : vector<16xf32>
        %add3A_812 = arith.addf %add3A_791, %mul3A_811 : vector<16xf32>
        %add3A_813 = arith.constant 34 : i32
        %add3A_814 = arith.addi %mul3A_80, %add3A_813 : i32
        %get3A_815 = arith.index_cast %add3A_814 : i32 to index
        %get3A_816 = arith.constant 16 : index
        %get3A_817 = tpu.vector_load %arg9[%get3A_815, %get3A_816] {strides = array<i32>} : memref<1600x32xf32, #tpu.memory_space<vmem>>, vector<1x16xf32>,
        %get3A_818 = vector.shape_cast %get3A_817 : vector<1x16xf32> to vector<16xf32>
        %mul3A_819 = arith.mulf %get3A_804, %get3A_818 : vector<16xf32>
        %add3A_820 = arith.addf %add3A_799, %mul3A_819 : vector<16xf32>
        %get3A_821 = arith.constant 35 : i32
        %get3A_822 = arith.index_cast %get3A_821 : i32 to index
        %get3A_823 = arith.constant 0 : index
        %get3A_824 = tpu.vector_load %arg12[%get3A_822, %get3A_823] {strides = array<i32>} : memref<50x16xf32, #tpu.memory_space<vmem>>, vector<1x16xf32>,
        %get3A_825 = vector.shape_cast %get3A_824 : vector<1x16xf32> to vector<16xf32>
        %add3A_826 = arith.constant 35 : i32
        %add3A_827 = arith.addi %mul3A_80, %add3A_826 : i32
        %get3A_828 = arith.index_cast %add3A_827 : i32 to index
        %get3A_829 = arith.constant 0 : index
        %get3A_830 = tpu.vector_load %arg9[%get3A_828, %get3A_829] {strides = array<i32>} : memref<1600x32xf32, #tpu.memory_space<vmem>>, vector<1x16xf32>,
        %get3A_831 = vector.shape_cast %get3A_830 : vector<1x16xf32> to vector<16xf32>
        %mul3A_832 = arith.mulf %get3A_825, %get3A_831 : vector<16xf32>
        %add3A_833 = arith.addf %add3A_812, %mul3A_832 : vector<16xf32>
        %add3A_834 = arith.constant 35 : i32
        %add3A_835 = arith.addi %mul3A_80, %add3A_834 : i32
        %get3A_836 = arith.index_cast %add3A_835 : i32 to index
        %get3A_837 = arith.constant 16 : index
        %get3A_838 = tpu.vector_load %arg9[%get3A_836, %get3A_837] {strides = array<i32>} : memref<1600x32xf32, #tpu.memory_space<vmem>>, vector<1x16xf32>,
        %get3A_839 = vector.shape_cast %get3A_838 : vector<1x16xf32> to vector<16xf32>
        %mul3A_840 = arith.mulf %get3A_825, %get3A_839 : vector<16xf32>
        %add3A_841 = arith.addf %add3A_820, %mul3A_840 : vector<16xf32>
        %get3A_842 = arith.constant 36 : i32
        %get3A_843 = arith.index_cast %get3A_842 : i32 to index
        %get3A_844 = arith.constant 0 : index
        %get3A_845 = tpu.vector_load %arg12[%get3A_843, %get3A_844] {strides = array<i32>} : memref<50x16xf32, #tpu.memory_space<vmem>>, vector<1x16xf32>,
        %get3A_846 = vector.shape_cast %get3A_845 : vector<1x16xf32> to vector<16xf32>
        %add3A_847 = arith.constant 36 : i32
        %add3A_848 = arith.addi %mul3A_80, %add3A_847 : i32
        %get3A_849 = arith.index_cast %add3A_848 : i32 to index
        %get3A_850 = arith.constant 0 : index
        %get3A_851 = tpu.vector_load %arg9[%get3A_849, %get3A_850] {strides = array<i32>} : memref<1600x32xf32, #tpu.memory_space<vmem>>, vector<1x16xf32>,
        %get3A_852 = vector.shape_cast %get3A_851 : vector<1x16xf32> to vector<16xf32>
        %mul3A_853 = arith.mulf %get3A_846, %get3A_852 : vector<16xf32>
        %add3A_854 = arith.addf %add3A_833, %mul3A_853 : vector<16xf32>
        %add3A_855 = arith.constant 36 : i32
        %add3A_856 = arith.addi %mul3A_80, %add3A_855 : i32
        %get3A_857 = arith.index_cast %add3A_856 : i32 to index
        %get3A_858 = arith.constant 16 : index
        %get3A_859 = tpu.vector_load %arg9[%get3A_857, %get3A_858] {strides = array<i32>} : memref<1600x32xf32, #tpu.memory_space<vmem>>, vector<1x16xf32>,
        %get3A_860 = vector.shape_cast %get3A_859 : vector<1x16xf32> to vector<16xf32>
        %mul3A_861 = arith.mulf %get3A_846, %get3A_860 : vector<16xf32>
        %add3A_862 = arith.addf %add3A_841, %mul3A_861 : vector<16xf32>
        %get3A_863 = arith.constant 37 : i32
        %get3A_864 = arith.index_cast %get3A_863 : i32 to index
        %get3A_865 = arith.constant 0 : index
        %get3A_866 = tpu.vector_load %arg12[%get3A_864, %get3A_865] {strides = array<i32>} : memref<50x16xf32, #tpu.memory_space<vmem>>, vector<1x16xf32>,
        %get3A_867 = vector.shape_cast %get3A_866 : vector<1x16xf32> to vector<16xf32>
        %add3A_868 = arith.constant 37 : i32
        %add3A_869 = arith.addi %mul3A_80, %add3A_868 : i32
        %get3A_870 = arith.index_cast %add3A_869 : i32 to index
        %get3A_871 = arith.constant 0 : index
        %get3A_872 = tpu.vector_load %arg9[%get3A_870, %get3A_871] {strides = array<i32>} : memref<1600x32xf32, #tpu.memory_space<vmem>>, vector<1x16xf32>,
        %get3A_873 = vector.shape_cast %get3A_872 : vector<1x16xf32> to vector<16xf32>
        %mul3A_874 = arith.mulf %get3A_867, %get3A_873 : vector<16xf32>
        %add3A_875 = arith.addf %add3A_854, %mul3A_874 : vector<16xf32>
        %add3A_876 = arith.constant 37 : i32
        %add3A_877 = arith.addi %mul3A_80, %add3A_876 : i32
        %get3A_878 = arith.index_cast %add3A_877 : i32 to index
        %get3A_879 = arith.constant 16 : index
        %get3A_880 = tpu.vector_load %arg9[%get3A_878, %get3A_879] {strides = array<i32>} : memref<1600x32xf32, #tpu.memory_space<vmem>>, vector<1x16xf32>,
        %get3A_881 = vector.shape_cast %get3A_880 : vector<1x16xf32> to vector<16xf32>
        %mul3A_882 = arith.mulf %get3A_867, %get3A_881 : vector<16xf32>
        %add3A_883 = arith.addf %add3A_862, %mul3A_882 : vector<16xf32>
        %get3A_884 = arith.constant 38 : i32
        %get3A_885 = arith.index_cast %get3A_884 : i32 to index
        %get3A_886 = arith.constant 0 : index
        %get3A_887 = tpu.vector_load %arg12[%get3A_885, %get3A_886] {strides = array<i32>} : memref<50x16xf32, #tpu.memory_space<vmem>>, vector<1x16xf32>,
        %get3A_888 = vector.shape_cast %get3A_887 : vector<1x16xf32> to vector<16xf32>
        %add3A_889 = arith.constant 38 : i32
        %add3A_890 = arith.addi %mul3A_80, %add3A_889 : i32
        %get3A_891 = arith.index_cast %add3A_890 : i32 to index
        %get3A_892 = arith.constant 0 : index
        %get3A_893 = tpu.vector_load %arg9[%get3A_891, %get3A_892] {strides = array<i32>} : memref<1600x32xf32, #tpu.memory_space<vmem>>, vector<1x16xf32>,
        %get3A_894 = vector.shape_cast %get3A_893 : vector<1x16xf32> to vector<16xf32>
        %mul3A_895 = arith.mulf %get3A_888, %get3A_894 : vector<16xf32>
        %add3A_896 = arith.addf %add3A_875, %mul3A_895 : vector<16xf32>
        %add3A_897 = arith.constant 38 : i32
        %add3A_898 = arith.addi %mul3A_80, %add3A_897 : i32
        %get3A_899 = arith.index_cast %add3A_898 : i32 to index
        %get3A_900 = arith.constant 16 : index
        %get3A_901 = tpu.vector_load %arg9[%get3A_899, %get3A_900] {strides = array<i32>} : memref<1600x32xf32, #tpu.memory_space<vmem>>, vector<1x16xf32>,
        %get3A_902 = vector.shape_cast %get3A_901 : vector<1x16xf32> to vector<16xf32>
        %mul3A_903 = arith.mulf %get3A_888, %get3A_902 : vector<16xf32>
        %add3A_904 = arith.addf %add3A_883, %mul3A_903 : vector<16xf32>
        %get3A_905 = arith.constant 39 : i32
        %get3A_906 = arith.index_cast %get3A_905 : i32 to index
        %get3A_907 = arith.constant 0 : index
        %get3A_908 = tpu.vector_load %arg12[%get3A_906, %get3A_907] {strides = array<i32>} : memref<50x16xf32, #tpu.memory_space<vmem>>, vector<1x16xf32>,
        %get3A_909 = vector.shape_cast %get3A_908 : vector<1x16xf32> to vector<16xf32>
        %add3A_910 = arith.constant 39 : i32
        %add3A_911 = arith.addi %mul3A_80, %add3A_910 : i32
        %get3A_912 = arith.index_cast %add3A_911 : i32 to index
        %get3A_913 = arith.constant 0 : index
        %get3A_914 = tpu.vector_load %arg9[%get3A_912, %get3A_913] {strides = array<i32>} : memref<1600x32xf32, #tpu.memory_space<vmem>>, vector<1x16xf32>,
        %get3A_915 = vector.shape_cast %get3A_914 : vector<1x16xf32> to vector<16xf32>
        %mul3A_916 = arith.mulf %get3A_909, %get3A_915 : vector<16xf32>
        %add3A_917 = arith.addf %add3A_896, %mul3A_916 : vector<16xf32>
        %add3A_918 = arith.constant 39 : i32
        %add3A_919 = arith.addi %mul3A_80, %add3A_918 : i32
        %get3A_920 = arith.index_cast %add3A_919 : i32 to index
        %get3A_921 = arith.constant 16 : index
        %get3A_922 = tpu.vector_load %arg9[%get3A_920, %get3A_921] {strides = array<i32>} : memref<1600x32xf32, #tpu.memory_space<vmem>>, vector<1x16xf32>,
        %get3A_923 = vector.shape_cast %get3A_922 : vector<1x16xf32> to vector<16xf32>
        %mul3A_924 = arith.mulf %get3A_909, %get3A_923 : vector<16xf32>
        %add3A_925 = arith.addf %add3A_904, %mul3A_924 : vector<16xf32>
        %get3A_926 = arith.constant 40 : i32
        %get3A_927 = arith.index_cast %get3A_926 : i32 to index
        %get3A_928 = arith.constant 0 : index
        %get3A_929 = tpu.vector_load %arg12[%get3A_927, %get3A_928] {strides = array<i32>} : memref<50x16xf32, #tpu.memory_space<vmem>>, vector<1x16xf32>,
        %get3A_930 = vector.shape_cast %get3A_929 : vector<1x16xf32> to vector<16xf32>
        %add3A_931 = arith.constant 40 : i32
        %add3A_932 = arith.addi %mul3A_80, %add3A_931 : i32
        %get3A_933 = arith.index_cast %add3A_932 : i32 to index
        %get3A_934 = arith.constant 0 : index
        %get3A_935 = tpu.vector_load %arg9[%get3A_933, %get3A_934] {strides = array<i32>} : memref<1600x32xf32, #tpu.memory_space<vmem>>, vector<1x16xf32>,
        %get3A_936 = vector.shape_cast %get3A_935 : vector<1x16xf32> to vector<16xf32>
        %mul3A_937 = arith.mulf %get3A_930, %get3A_936 : vector<16xf32>
        %add3A_938 = arith.addf %add3A_917, %mul3A_937 : vector<16xf32>
        %add3A_939 = arith.constant 40 : i32
        %add3A_940 = arith.addi %mul3A_80, %add3A_939 : i32
        %get3A_941 = arith.index_cast %add3A_940 : i32 to index
        %get3A_942 = arith.constant 16 : index
        %get3A_943 = tpu.vector_load %arg9[%get3A_941, %get3A_942] {strides = array<i32>} : memref<1600x32xf32, #tpu.memory_space<vmem>>, vector<1x16xf32>,
        %get3A_944 = vector.shape_cast %get3A_943 : vector<1x16xf32> to vector<16xf32>
        %mul3A_945 = arith.mulf %get3A_930, %get3A_944 : vector<16xf32>
        %add3A_946 = arith.addf %add3A_925, %mul3A_945 : vector<16xf32>
        %get3A_947 = arith.constant 41 : i32
        %get3A_948 = arith.index_cast %get3A_947 : i32 to index
        %get3A_949 = arith.constant 0 : index
        %get3A_950 = tpu.vector_load %arg12[%get3A_948, %get3A_949] {strides = array<i32>} : memref<50x16xf32, #tpu.memory_space<vmem>>, vector<1x16xf32>,
        %get3A_951 = vector.shape_cast %get3A_950 : vector<1x16xf32> to vector<16xf32>
        %add3A_952 = arith.constant 41 : i32
        %add3A_953 = arith.addi %mul3A_80, %add3A_952 : i32
        %get3A_954 = arith.index_cast %add3A_953 : i32 to index
        %get3A_955 = arith.constant 0 : index
        %get3A_956 = tpu.vector_load %arg9[%get3A_954, %get3A_955] {strides = array<i32>} : memref<1600x32xf32, #tpu.memory_space<vmem>>, vector<1x16xf32>,
        %get3A_957 = vector.shape_cast %get3A_956 : vector<1x16xf32> to vector<16xf32>
        %mul3A_958 = arith.mulf %get3A_951, %get3A_957 : vector<16xf32>
        %add3A_959 = arith.addf %add3A_938, %mul3A_958 : vector<16xf32>
        %add3A_960 = arith.constant 41 : i32
        %add3A_961 = arith.addi %mul3A_80, %add3A_960 : i32
        %get3A_962 = arith.index_cast %add3A_961 : i32 to index
        %get3A_963 = arith.constant 16 : index
        %get3A_964 = tpu.vector_load %arg9[%get3A_962, %get3A_963] {strides = array<i32>} : memref<1600x32xf32, #tpu.memory_space<vmem>>, vector<1x16xf32>,
        %get3A_965 = vector.shape_cast %get3A_964 : vector<1x16xf32> to vector<16xf32>
        %mul3A_966 = arith.mulf %get3A_951, %get3A_965 : vector<16xf32>
        %add3A_967 = arith.addf %add3A_946, %mul3A_966 : vector<16xf32>
        %get3A_968 = arith.constant 42 : i32
        %get3A_969 = arith.index_cast %get3A_968 : i32 to index
        %get3A_970 = arith.constant 0 : index
        %get3A_971 = tpu.vector_load %arg12[%get3A_969, %get3A_970] {strides = array<i32>} : memref<50x16xf32, #tpu.memory_space<vmem>>, vector<1x16xf32>,
        %get3A_972 = vector.shape_cast %get3A_971 : vector<1x16xf32> to vector<16xf32>
        %add3A_973 = arith.constant 42 : i32
        %add3A_974 = arith.addi %mul3A_80, %add3A_973 : i32
        %get3A_975 = arith.index_cast %add3A_974 : i32 to index
        %get3A_976 = arith.constant 0 : index
        %get3A_977 = tpu.vector_load %arg9[%get3A_975, %get3A_976] {strides = array<i32>} : memref<1600x32xf32, #tpu.memory_space<vmem>>, vector<1x16xf32>,
        %get3A_978 = vector.shape_cast %get3A_977 : vector<1x16xf32> to vector<16xf32>
        %mul3A_979 = arith.mulf %get3A_972, %get3A_978 : vector<16xf32>
        %add3A_980 = arith.addf %add3A_959, %mul3A_979 : vector<16xf32>
        %add3A_981 = arith.constant 42 : i32
        %add3A_982 = arith.addi %mul3A_80, %add3A_981 : i32
        %get3A_983 = arith.index_cast %add3A_982 : i32 to index
        %get3A_984 = arith.constant 16 : index
        %get3A_985 = tpu.vector_load %arg9[%get3A_983, %get3A_984] {strides = array<i32>} : memref<1600x32xf32, #tpu.memory_space<vmem>>, vector<1x16xf32>,
        %get3A_986 = vector.shape_cast %get3A_985 : vector<1x16xf32> to vector<16xf32>
        %mul3A_987 = arith.mulf %get3A_972, %get3A_986 : vector<16xf32>
        %add3A_988 = arith.addf %add3A_967, %mul3A_987 : vector<16xf32>
        %get3A_989 = arith.constant 43 : i32
        %get3A_990 = arith.index_cast %get3A_989 : i32 to index
        %get3A_991 = arith.constant 0 : index
        %get3A_992 = tpu.vector_load %arg12[%get3A_990, %get3A_991] {strides = array<i32>} : memref<50x16xf32, #tpu.memory_space<vmem>>, vector<1x16xf32>,
        %get3A_993 = vector.shape_cast %get3A_992 : vector<1x16xf32> to vector<16xf32>
        %add3A_994 = arith.constant 43 : i32
        %add3A_995 = arith.addi %mul3A_80, %add3A_994 : i32
        %get3A_996 = arith.index_cast %add3A_995 : i32 to index
        %get3A_997 = arith.constant 0 : index
        %get3A_998 = tpu.vector_load %arg9[%get3A_996, %get3A_997] {strides = array<i32>} : memref<1600x32xf32, #tpu.memory_space<vmem>>, vector<1x16xf32>,
        %get3A_999 = vector.shape_cast %get3A_998 : vector<1x16xf32> to vector<16xf32>
        %mul3A_1000 = arith.mulf %get3A_993, %get3A_999 : vector<16xf32>
        %add3A_1001 = arith.addf %add3A_980, %mul3A_1000 : vector<16xf32>
        %add3A_1002 = arith.constant 43 : i32
        %add3A_1003 = arith.addi %mul3A_80, %add3A_1002 : i32
        %get3A_1004 = arith.index_cast %add3A_1003 : i32 to index
        %get3A_1005 = arith.constant 16 : index
        %get3A_1006 = tpu.vector_load %arg9[%get3A_1004, %get3A_1005] {strides = array<i32>} : memref<1600x32xf32, #tpu.memory_space<vmem>>, vector<1x16xf32>,
        %get3A_1007 = vector.shape_cast %get3A_1006 : vector<1x16xf32> to vector<16xf32>
        %mul3A_1008 = arith.mulf %get3A_993, %get3A_1007 : vector<16xf32>
        %add3A_1009 = arith.addf %add3A_988, %mul3A_1008 : vector<16xf32>
        %get3A_1010 = arith.constant 44 : i32
        %get3A_1011 = arith.index_cast %get3A_1010 : i32 to index
        %get3A_1012 = arith.constant 0 : index
        %get3A_1013 = tpu.vector_load %arg12[%get3A_1011, %get3A_1012] {strides = array<i32>} : memref<50x16xf32, #tpu.memory_space<vmem>>, vector<1x16xf32>,
        %get3A_1014 = vector.shape_cast %get3A_1013 : vector<1x16xf32> to vector<16xf32>
        %add3A_1015 = arith.constant 44 : i32
        %add3A_1016 = arith.addi %mul3A_80, %add3A_1015 : i32
        %get3A_1017 = arith.index_cast %add3A_1016 : i32 to index
        %get3A_1018 = arith.constant 0 : index
        %get3A_1019 = tpu.vector_load %arg9[%get3A_1017, %get3A_1018] {strides = array<i32>} : memref<1600x32xf32, #tpu.memory_space<vmem>>, vector<1x16xf32>,
        %get3A_1020 = vector.shape_cast %get3A_1019 : vector<1x16xf32> to vector<16xf32>
        %mul3A_1021 = arith.mulf %get3A_1014, %get3A_1020 : vector<16xf32>
        %add3A_1022 = arith.addf %add3A_1001, %mul3A_1021 : vector<16xf32>
        %add3A_1023 = arith.constant 44 : i32
        %add3A_1024 = arith.addi %mul3A_80, %add3A_1023 : i32
        %get3A_1025 = arith.index_cast %add3A_1024 : i32 to index
        %get3A_1026 = arith.constant 16 : index
        %get3A_1027 = tpu.vector_load %arg9[%get3A_1025, %get3A_1026] {strides = array<i32>} : memref<1600x32xf32, #tpu.memory_space<vmem>>, vector<1x16xf32>,
        %get3A_1028 = vector.shape_cast %get3A_1027 : vector<1x16xf32> to vector<16xf32>
        %mul3A_1029 = arith.mulf %get3A_1014, %get3A_1028 : vector<16xf32>
        %add3A_1030 = arith.addf %add3A_1009, %mul3A_1029 : vector<16xf32>
        %get3A_1031 = arith.constant 45 : i32
        %get3A_1032 = arith.index_cast %get3A_1031 : i32 to index
        %get3A_1033 = arith.constant 0 : index
        %get3A_1034 = tpu.vector_load %arg12[%get3A_1032, %get3A_1033] {strides = array<i32>} : memref<50x16xf32, #tpu.memory_space<vmem>>, vector<1x16xf32>,
        %get3A_1035 = vector.shape_cast %get3A_1034 : vector<1x16xf32> to vector<16xf32>
        %add3A_1036 = arith.constant 45 : i32
        %add3A_1037 = arith.addi %mul3A_80, %add3A_1036 : i32
        %get3A_1038 = arith.index_cast %add3A_1037 : i32 to index
        %get3A_1039 = arith.constant 0 : index
        %get3A_1040 = tpu.vector_load %arg9[%get3A_1038, %get3A_1039] {strides = array<i32>} : memref<1600x32xf32, #tpu.memory_space<vmem>>, vector<1x16xf32>,
        %get3A_1041 = vector.shape_cast %get3A_1040 : vector<1x16xf32> to vector<16xf32>
        %mul3A_1042 = arith.mulf %get3A_1035, %get3A_1041 : vector<16xf32>
        %add3A_1043 = arith.addf %add3A_1022, %mul3A_1042 : vector<16xf32>
        %add3A_1044 = arith.constant 45 : i32
        %add3A_1045 = arith.addi %mul3A_80, %add3A_1044 : i32
        %get3A_1046 = arith.index_cast %add3A_1045 : i32 to index
        %get3A_1047 = arith.constant 16 : index
        %get3A_1048 = tpu.vector_load %arg9[%get3A_1046, %get3A_1047] {strides = array<i32>} : memref<1600x32xf32, #tpu.memory_space<vmem>>, vector<1x16xf32>,
        %get3A_1049 = vector.shape_cast %get3A_1048 : vector<1x16xf32> to vector<16xf32>
        %mul3A_1050 = arith.mulf %get3A_1035, %get3A_1049 : vector<16xf32>
        %add3A_1051 = arith.addf %add3A_1030, %mul3A_1050 : vector<16xf32>
        %get3A_1052 = arith.constant 46 : i32
        %get3A_1053 = arith.index_cast %get3A_1052 : i32 to index
        %get3A_1054 = arith.constant 0 : index
        %get3A_1055 = tpu.vector_load %arg12[%get3A_1053, %get3A_1054] {strides = array<i32>} : memref<50x16xf32, #tpu.memory_space<vmem>>, vector<1x16xf32>,
        %get3A_1056 = vector.shape_cast %get3A_1055 : vector<1x16xf32> to vector<16xf32>
        %add3A_1057 = arith.constant 46 : i32
        %add3A_1058 = arith.addi %mul3A_80, %add3A_1057 : i32
        %get3A_1059 = arith.index_cast %add3A_1058 : i32 to index
        %get3A_1060 = arith.constant 0 : index
        %get3A_1061 = tpu.vector_load %arg9[%get3A_1059, %get3A_1060] {strides = array<i32>} : memref<1600x32xf32, #tpu.memory_space<vmem>>, vector<1x16xf32>,
        %get3A_1062 = vector.shape_cast %get3A_1061 : vector<1x16xf32> to vector<16xf32>
        %mul3A_1063 = arith.mulf %get3A_1056, %get3A_1062 : vector<16xf32>
        %add3A_1064 = arith.addf %add3A_1043, %mul3A_1063 : vector<16xf32>
        %add3A_1065 = arith.constant 46 : i32
        %add3A_1066 = arith.addi %mul3A_80, %add3A_1065 : i32
        %get3A_1067 = arith.index_cast %add3A_1066 : i32 to index
        %get3A_1068 = arith.constant 16 : index
        %get3A_1069 = tpu.vector_load %arg9[%get3A_1067, %get3A_1068] {strides = array<i32>} : memref<1600x32xf32, #tpu.memory_space<vmem>>, vector<1x16xf32>,
        %get3A_1070 = vector.shape_cast %get3A_1069 : vector<1x16xf32> to vector<16xf32>
        %mul3A_1071 = arith.mulf %get3A_1056, %get3A_1070 : vector<16xf32>
        %add3A_1072 = arith.addf %add3A_1051, %mul3A_1071 : vector<16xf32>
        %get3A_1073 = arith.constant 47 : i32
        %get3A_1074 = arith.index_cast %get3A_1073 : i32 to index
        %get3A_1075 = arith.constant 0 : index
        %get3A_1076 = tpu.vector_load %arg12[%get3A_1074, %get3A_1075] {strides = array<i32>} : memref<50x16xf32, #tpu.memory_space<vmem>>, vector<1x16xf32>,
        %get3A_1077 = vector.shape_cast %get3A_1076 : vector<1x16xf32> to vector<16xf32>
        %add3A_1078 = arith.constant 47 : i32
        %add3A_1079 = arith.addi %mul3A_80, %add3A_1078 : i32
        %get3A_1080 = arith.index_cast %add3A_1079 : i32 to index
        %get3A_1081 = arith.constant 0 : index
        %get3A_1082 = tpu.vector_load %arg9[%get3A_1080, %get3A_1081] {strides = array<i32>} : memref<1600x32xf32, #tpu.memory_space<vmem>>, vector<1x16xf32>,
        %get3A_1083 = vector.shape_cast %get3A_1082 : vector<1x16xf32> to vector<16xf32>
        %mul3A_1084 = arith.mulf %get3A_1077, %get3A_1083 : vector<16xf32>
        %add3A_1085 = arith.addf %add3A_1064, %mul3A_1084 : vector<16xf32>
        %add3A_1086 = arith.constant 47 : i32
        %add3A_1087 = arith.addi %mul3A_80, %add3A_1086 : i32
        %get3A_1088 = arith.index_cast %add3A_1087 : i32 to index
        %get3A_1089 = arith.constant 16 : index
        %get3A_1090 = tpu.vector_load %arg9[%get3A_1088, %get3A_1089] {strides = array<i32>} : memref<1600x32xf32, #tpu.memory_space<vmem>>, vector<1x16xf32>,
        %get3A_1091 = vector.shape_cast %get3A_1090 : vector<1x16xf32> to vector<16xf32>
        %mul3A_1092 = arith.mulf %get3A_1077, %get3A_1091 : vector<16xf32>
        %add3A_1093 = arith.addf %add3A_1072, %mul3A_1092 : vector<16xf32>
        %get3A_1094 = arith.constant 48 : i32
        %get3A_1095 = arith.index_cast %get3A_1094 : i32 to index
        %get3A_1096 = arith.constant 0 : index
        %get3A_1097 = tpu.vector_load %arg12[%get3A_1095, %get3A_1096] {strides = array<i32>} : memref<50x16xf32, #tpu.memory_space<vmem>>, vector<1x16xf32>,
        %get3A_1098 = vector.shape_cast %get3A_1097 : vector<1x16xf32> to vector<16xf32>
        %add3A_1099 = arith.constant 48 : i32
        %add3A_1100 = arith.addi %mul3A_80, %add3A_1099 : i32
        %get3A_1101 = arith.index_cast %add3A_1100 : i32 to index
        %get3A_1102 = arith.constant 0 : index
        %get3A_1103 = tpu.vector_load %arg9[%get3A_1101, %get3A_1102] {strides = array<i32>} : memref<1600x32xf32, #tpu.memory_space<vmem>>, vector<1x16xf32>,
        %get3A_1104 = vector.shape_cast %get3A_1103 : vector<1x16xf32> to vector<16xf32>
        %mul3A_1105 = arith.mulf %get3A_1098, %get3A_1104 : vector<16xf32>
        %add3A_1106 = arith.addf %add3A_1085, %mul3A_1105 : vector<16xf32>
        %add3A_1107 = arith.constant 48 : i32
        %add3A_1108 = arith.addi %mul3A_80, %add3A_1107 : i32
        %get3A_1109 = arith.index_cast %add3A_1108 : i32 to index
        %get3A_1110 = arith.constant 16 : index
        %get3A_1111 = tpu.vector_load %arg9[%get3A_1109, %get3A_1110] {strides = array<i32>} : memref<1600x32xf32, #tpu.memory_space<vmem>>, vector<1x16xf32>,
        %get3A_1112 = vector.shape_cast %get3A_1111 : vector<1x16xf32> to vector<16xf32>
        %mul3A_1113 = arith.mulf %get3A_1098, %get3A_1112 : vector<16xf32>
        %add3A_1114 = arith.addf %add3A_1093, %mul3A_1113 : vector<16xf32>
        %get3A_1115 = arith.constant 49 : i32
        %get3A_1116 = arith.index_cast %get3A_1115 : i32 to index
        %get3A_1117 = arith.constant 0 : index
        %get3A_1118 = tpu.vector_load %arg12[%get3A_1116, %get3A_1117] {strides = array<i32>} : memref<50x16xf32, #tpu.memory_space<vmem>>, vector<1x16xf32>,
        %get3A_1119 = vector.shape_cast %get3A_1118 : vector<1x16xf32> to vector<16xf32>
        %add3A_1120 = arith.constant 49 : i32
        %add3A_1121 = arith.addi %mul3A_80, %add3A_1120 : i32
        %get3A_1122 = arith.index_cast %add3A_1121 : i32 to index
        %get3A_1123 = arith.constant 0 : index
        %get3A_1124 = tpu.vector_load %arg9[%get3A_1122, %get3A_1123] {strides = array<i32>} : memref<1600x32xf32, #tpu.memory_space<vmem>>, vector<1x16xf32>,
        %get3A_1125 = vector.shape_cast %get3A_1124 : vector<1x16xf32> to vector<16xf32>
        %mul3A_1126 = arith.mulf %get3A_1119, %get3A_1125 : vector<16xf32>
        %add3A_1127 = arith.addf %add3A_1106, %mul3A_1126 : vector<16xf32>
        %add3A_1128 = arith.constant 49 : i32
        %add3A_1129 = arith.addi %mul3A_80, %add3A_1128 : i32
        %get3A_1130 = arith.index_cast %add3A_1129 : i32 to index
        %get3A_1131 = arith.constant 16 : index
        %get3A_1132 = tpu.vector_load %arg9[%get3A_1130, %get3A_1131] {strides = array<i32>} : memref<1600x32xf32, #tpu.memory_space<vmem>>, vector<1x16xf32>,
        %get3A_1133 = vector.shape_cast %get3A_1132 : vector<1x16xf32> to vector<16xf32>
        %mul3A_1134 = arith.mulf %get3A_1119, %get3A_1133 : vector<16xf32>
        %add3A_1135 = arith.addf %add3A_1114, %mul3A_1134 : vector<16xf32>
        %max3A = arith.constant 0.000000e+00 : f32
        %max3A_1136 = vector.broadcast %max3A : f32 to vector<16xf32>
        %max3A_1137 = arith.maximumf %add3A_1127, %max3A_1136 : vector<16xf32>
        %swap3A = arith.index_cast %scan3A_78 : i32 to index
        %swap3A_1138 = arith.constant 0 : index
        %swap3A_1139 = tpu.vector_load %arg11[%swap3A, %swap3A_1138] {strides = array<i32>} : memref<32x32xf32, #tpu.memory_space<vmem>>, vector<1x16xf32>,
        %swap3A_1140 = vector.shape_cast %swap3A_1139 : vector<1x16xf32> to vector<16xf32>
        %swap3A_1141 = vector.shape_cast %max3A_1137 : vector<16xf32> to vector<1x16xf32>
        tpu.vector_store %arg11[%swap3A, %swap3A_1138], %swap3A_1141 {strides = array<i32>} : memref<32x32xf32, #tpu.memory_space<vmem>>, vector<1x16xf32>,
        %max3A_1142 = arith.constant 0.000000e+00 : f32
        %max3A_1143 = vector.broadcast %max3A_1142 : f32 to vector<16xf32>
        %max3A_1144 = arith.maximumf %add3A_1135, %max3A_1143 : vector<16xf32>
        %swap3A_1145 = arith.index_cast %scan3A_78 : i32 to index
        %swap3A_1146 = arith.constant 16 : index
        %swap3A_1147 = tpu.vector_load %arg11[%swap3A_1145, %swap3A_1146] {strides = array<i32>} : memref<32x32xf32, #tpu.memory_space<vmem>>, vector<1x16xf32>,
        %swap3A_1148 = vector.shape_cast %swap3A_1147 : vector<1x16xf32> to vector<16xf32>
        %swap3A_1149 = vector.shape_cast %max3A_1144 : vector<16xf32> to vector<1x16xf32>
        tpu.vector_store %arg11[%swap3A_1145, %swap3A_1146], %swap3A_1149 {strides = array<i32>} : memref<32x32xf32, #tpu.memory_space<vmem>>, vector<1x16xf32>,
      }
      %scan3A_44 = arith.constant 32 : i32
      %mul3A_45 = arith.constant 32 : i32
      %mul3A_46 = arith.muli %add3A_33, %mul3A_45 : i32
      %add3A_47 = arith.addi %mul3A_2, %mul3A_46 : i32
      "tpu.region"() ({
        %run_scoped3A = tpu.sem_alloc : memref<!tpu.dma_semaphore, #tpu.memory_space<semaphore_mem>>
        %dma_start3A_78 = arith.constant 0 : i32
        %dma_start3A_79 = tpu.memref_slice %arg6[%add3A_47, %dma_start3A_78] : memref<16384x32xf32, #tpu.memory_space<hbm>> -> memref<32x32xf32, #tpu.memory_space<hbm>>
        %dma_start3A_80 = arith.constant 0 : i32
        %dma_start3A_81 = tpu.memref_slice %arg6[%add3A_47, %dma_start3A_80] : memref<16384x32xf32, #tpu.memory_space<hbm>> -> memref<32x32xf32, #tpu.memory_space<hbm>>
        tpu.enqueue_dma source(%arg11 : memref<32x32xf32, #tpu.memory_space<vmem>>) target(%dma_start3A_81 : memref<32x32xf32, #tpu.memory_space<hbm>>) target_semaphore(%run_scoped3A : memref<!tpu.dma_semaphore, #tpu.memory_space<semaphore_mem>>)
        %dma_wait3A_82 = arith.constant 0 : i32
        %dma_wait3A_83 = tpu.memref_slice %arg6[%add3A_47, %dma_wait3A_82] : memref<16384x32xf32, #tpu.memory_space<hbm>> -> memref<32x32xf32, #tpu.memory_space<hbm>>
        %dma_wait3A_84 = arith.constant 0 : i32
        %dma_wait3A_85 = tpu.memref_slice %arg6[%add3A_47, %dma_wait3A_84] : memref<16384x32xf32, #tpu.memory_space<hbm>> -> memref<32x32xf32, #tpu.memory_space<hbm>>
        tpu.wait_dma2 semaphore(%run_scoped3A : memref<!tpu.dma_semaphore, #tpu.memory_space<semaphore_mem>>) src(%arg11 : memref<32x32xf32, #tpu.memory_space<vmem>>) dst(%dma_wait3A_85 : memref<32x32xf32, #tpu.memory_space<hbm>>)
        tpu.yield
      }) : () -> ()
      %add3A_48 = arith.constant 2 : i32
      %add3A_49 = arith.addi %add3A_33, %add3A_48 : i32
      %lt3A = arith.constant 16 : i32
      %lt3A_50 = arith.cmpi slt, %add3A_49, %lt3A : i32
      %convert_element_type3A = arith.extui %lt3A_50 : i1 to i32
      %cond3A = arith.constant 0 : i32
      %cond3A_51 = arith.cmpi ne, %convert_element_type3A, %cond3A : i32
      scf.if %cond3A_51 {
        %add3A_78 = arith.constant 2 : i32
        %add3A_79 = arith.addi %add3A_33, %add3A_78 : i32
        %mul3A_80 = arith.constant 1600 : i32
        %mul3A_81 = arith.muli %add3A_79, %mul3A_80 : i32
        %add3A_82 = arith.addi %mul3A_4, %mul3A_81 : i32
        "tpu.region"() ({
          %run_scoped3A = tpu.sem_alloc : memref<!tpu.dma_semaphore, #tpu.memory_space<semaphore_mem>>
          %dma_start3A_91 = tpu.memref_slice %arg2[%add3A_82] : memref<819200xi32, #tpu.memory_space<hbm>> -> memref<1600xi32, #tpu.memory_space<hbm>>
          %dma_start3A_92 = tpu.memref_slice %arg2[%add3A_82] : memref<819200xi32, #tpu.memory_space<hbm>> -> memref<1600xi32, #tpu.memory_space<hbm>>
          tpu.enqueue_dma source(%dma_start3A_92 : memref<1600xi32, #tpu.memory_space<hbm>>) target(%arg7 : memref<1600xi32, #tpu.memory_space<vmem>>) target_semaphore(%run_scoped3A : memref<!tpu.dma_semaphore, #tpu.memory_space<semaphore_mem>>)
          %dma_wait3A_93 = tpu.memref_slice %arg2[%add3A_82] : memref<819200xi32, #tpu.memory_space<hbm>> -> memref<1600xi32, #tpu.memory_space<hbm>>
          %dma_wait3A_94 = tpu.memref_slice %arg2[%add3A_82] : memref<819200xi32, #tpu.memory_space<hbm>> -> memref<1600xi32, #tpu.memory_space<hbm>>
          tpu.wait_dma2 semaphore(%run_scoped3A : memref<!tpu.dma_semaphore, #tpu.memory_space<semaphore_mem>>) src(%dma_wait3A_94 : memref<1600xi32, #tpu.memory_space<hbm>>) dst(%arg7 : memref<1600xi32, #tpu.memory_space<vmem>>)
          tpu.yield
        }) : () -> ()
        %dma_start3A_83 = arith.constant 0 : i32
        %dma_start3A_84 = arith.constant 0 : i32
        %dma_start3A_85 = tpu.memref_slice %arg9[%dma_start3A_83, %dma_start3A_84] : memref<1600x32xf32, #tpu.memory_space<vmem>> -> memref<1600x32xf32, #tpu.memory_space<vmem>>
        %dma_start3A_86 = arith.constant 0 : i32
        %dma_start3A_87 = tpu.memref_slice %arg7[%dma_start3A_86] : memref<1600xi32, #tpu.memory_space<vmem>> -> memref<1600xi32, #tpu.memory_space<vmem>>
        %dma_start3A_88 = arith.constant 0 : i32
        %dma_start3A_89 = arith.constant 0 : i32
        %dma_start3A_90 = tpu.memref_slice %arg3[%dma_start3A_88, %dma_start3A_89] : memref<1000000x32xf32, #tpu.memory_space<hbm>> -> memref<1000000x32xf32, #tpu.memory_space<hbm>>
        tpu.enqueue_indirect_dma source(%dma_start3A_90 : memref<1000000x32xf32, #tpu.memory_space<hbm>>) target(%dma_start3A_85 : memref<1600x32xf32, #tpu.memory_space<vmem>>) offsets(%dma_start3A_87 : memref<1600xi32, #tpu.memory_space<vmem>>) semaphore(%arg14 : memref<!tpu.dma_semaphore, #tpu.memory_space<semaphore_mem>>)
      } else {
      }
      %mul3A_52 = arith.constant 2 : i32
      %mul3A_53 = arith.muli %mul3A_52, %scan3A_29 : i32
      %add3A_54 = arith.constant 1 : i32
      %add3A_55 = arith.addi %mul3A_53, %add3A_54 : i32
      %dma_wait3A_56 = arith.constant 0 : i32
      %dma_wait3A_57 = arith.constant 0 : i32
      %dma_wait3A_58 = tpu.memref_slice %arg3[%dma_wait3A_56, %dma_wait3A_57] : memref<1000000x32xf32, #tpu.memory_space<hbm>> -> memref<1600x32xf32, #tpu.memory_space<hbm>>
      %dma_wait3A_59 = arith.constant 0 : i32
      %dma_wait3A_60 = arith.constant 0 : i32
      %dma_wait3A_61 = tpu.memref_slice %arg3[%dma_wait3A_59, %dma_wait3A_60] : memref<1000000x32xf32, #tpu.memory_space<hbm>> -> memref<1600x32xf32, #tpu.memory_space<hbm>>
      tpu.wait_dma2 semaphore(%arg15 : memref<!tpu.dma_semaphore, #tpu.memory_space<semaphore_mem>>) src(%dma_wait3A_61 : memref<1600x32xf32, #tpu.memory_space<hbm>>) dst(%arg10 : memref<1600x32xf32, #tpu.memory_space<vmem>>)
      %scan3A_62 = arith.constant 0 : i32
      %scan3A_63 = arith.constant 0 : i32
      %scan3A_64 = arith.constant 32 : i32
      %scan3A_65 = arith.addi %scan3A_63, %scan3A_64 : i32
      %scan3A_66 = arith.constant 1 : i32
      scf.for %scan3A_78 = %scan3A_63 to %scan3A_65 step %scan3A_66  : i32 {
        %mul3A_79 = arith.constant 50 : i32
        %mul3A_80 = arith.muli %scan3A_78, %mul3A_79 : i32
        %get3A = arith.constant 0 : index
        %get3A_81 = tpu.vector_load %arg13[%get3A] {strides = array<i32>} : memref<16xf32, #tpu.memory_space<vmem>>, vector<16xf32>,
        %get3A_82 = vector.shape_cast %get3A_81 : vector<16xf32> to vector<16xf32>
        %get3A_83 = arith.constant 0 : index
        %get3A_84 = tpu.vector_load %arg13[%get3A_83] {strides = array<i32>} : memref<16xf32, #tpu.memory_space<vmem>>, vector<16xf32>,
        %get3A_85 = vector.shape_cast %get3A_84 : vector<16xf32> to vector<16xf32>
        %get3A_86 = arith.constant 0 : i32
        %get3A_87 = arith.index_cast %get3A_86 : i32 to index
        %get3A_88 = arith.constant 0 : index
        %get3A_89 = tpu.vector_load %arg12[%get3A_87, %get3A_88] {strides = array<i32>} : memref<50x16xf32, #tpu.memory_space<vmem>>, vector<1x16xf32>,
        %get3A_90 = vector.shape_cast %get3A_89 : vector<1x16xf32> to vector<16xf32>
        %add3A_91 = arith.constant 0 : i32
        %add3A_92 = arith.addi %mul3A_80, %add3A_91 : i32
        %get3A_93 = arith.index_cast %add3A_92 : i32 to index
        %get3A_94 = arith.constant 0 : index
        %get3A_95 = tpu.vector_load %arg10[%get3A_93, %get3A_94] {strides = array<i32>} : memref<1600x32xf32, #tpu.memory_space<vmem>>, vector<1x16xf32>,
        %get3A_96 = vector.shape_cast %get3A_95 : vector<1x16xf32> to vector<16xf32>
        %mul3A_97 = arith.mulf %get3A_90, %get3A_96 : vector<16xf32>
        %add3A_98 = arith.addf %get3A_82, %mul3A_97 : vector<16xf32>
        %add3A_99 = arith.constant 0 : i32
        %add3A_100 = arith.addi %mul3A_80, %add3A_99 : i32
        %get3A_101 = arith.index_cast %add3A_100 : i32 to index
        %get3A_102 = arith.constant 16 : index
        %get3A_103 = tpu.vector_load %arg10[%get3A_101, %get3A_102] {strides = array<i32>} : memref<1600x32xf32, #tpu.memory_space<vmem>>, vector<1x16xf32>,
        %get3A_104 = vector.shape_cast %get3A_103 : vector<1x16xf32> to vector<16xf32>
        %mul3A_105 = arith.mulf %get3A_90, %get3A_104 : vector<16xf32>
        %add3A_106 = arith.addf %get3A_85, %mul3A_105 : vector<16xf32>
        %get3A_107 = arith.constant 1 : i32
        %get3A_108 = arith.index_cast %get3A_107 : i32 to index
        %get3A_109 = arith.constant 0 : index
        %get3A_110 = tpu.vector_load %arg12[%get3A_108, %get3A_109] {strides = array<i32>} : memref<50x16xf32, #tpu.memory_space<vmem>>, vector<1x16xf32>,
        %get3A_111 = vector.shape_cast %get3A_110 : vector<1x16xf32> to vector<16xf32>
        %add3A_112 = arith.constant 1 : i32
        %add3A_113 = arith.addi %mul3A_80, %add3A_112 : i32
        %get3A_114 = arith.index_cast %add3A_113 : i32 to index
        %get3A_115 = arith.constant 0 : index
        %get3A_116 = tpu.vector_load %arg10[%get3A_114, %get3A_115] {strides = array<i32>} : memref<1600x32xf32, #tpu.memory_space<vmem>>, vector<1x16xf32>,
        %get3A_117 = vector.shape_cast %get3A_116 : vector<1x16xf32> to vector<16xf32>
        %mul3A_118 = arith.mulf %get3A_111, %get3A_117 : vector<16xf32>
        %add3A_119 = arith.addf %add3A_98, %mul3A_118 : vector<16xf32>
        %add3A_120 = arith.constant 1 : i32
        %add3A_121 = arith.addi %mul3A_80, %add3A_120 : i32
        %get3A_122 = arith.index_cast %add3A_121 : i32 to index
        %get3A_123 = arith.constant 16 : index
        %get3A_124 = tpu.vector_load %arg10[%get3A_122, %get3A_123] {strides = array<i32>} : memref<1600x32xf32, #tpu.memory_space<vmem>>, vector<1x16xf32>,
        %get3A_125 = vector.shape_cast %get3A_124 : vector<1x16xf32> to vector<16xf32>
        %mul3A_126 = arith.mulf %get3A_111, %get3A_125 : vector<16xf32>
        %add3A_127 = arith.addf %add3A_106, %mul3A_126 : vector<16xf32>
        %get3A_128 = arith.constant 2 : i32
        %get3A_129 = arith.index_cast %get3A_128 : i32 to index
        %get3A_130 = arith.constant 0 : index
        %get3A_131 = tpu.vector_load %arg12[%get3A_129, %get3A_130] {strides = array<i32>} : memref<50x16xf32, #tpu.memory_space<vmem>>, vector<1x16xf32>,
        %get3A_132 = vector.shape_cast %get3A_131 : vector<1x16xf32> to vector<16xf32>
        %add3A_133 = arith.constant 2 : i32
        %add3A_134 = arith.addi %mul3A_80, %add3A_133 : i32
        %get3A_135 = arith.index_cast %add3A_134 : i32 to index
        %get3A_136 = arith.constant 0 : index
        %get3A_137 = tpu.vector_load %arg10[%get3A_135, %get3A_136] {strides = array<i32>} : memref<1600x32xf32, #tpu.memory_space<vmem>>, vector<1x16xf32>,
        %get3A_138 = vector.shape_cast %get3A_137 : vector<1x16xf32> to vector<16xf32>
        %mul3A_139 = arith.mulf %get3A_132, %get3A_138 : vector<16xf32>
        %add3A_140 = arith.addf %add3A_119, %mul3A_139 : vector<16xf32>
        %add3A_141 = arith.constant 2 : i32
        %add3A_142 = arith.addi %mul3A_80, %add3A_141 : i32
        %get3A_143 = arith.index_cast %add3A_142 : i32 to index
        %get3A_144 = arith.constant 16 : index
        %get3A_145 = tpu.vector_load %arg10[%get3A_143, %get3A_144] {strides = array<i32>} : memref<1600x32xf32, #tpu.memory_space<vmem>>, vector<1x16xf32>,
        %get3A_146 = vector.shape_cast %get3A_145 : vector<1x16xf32> to vector<16xf32>
        %mul3A_147 = arith.mulf %get3A_132, %get3A_146 : vector<16xf32>
        %add3A_148 = arith.addf %add3A_127, %mul3A_147 : vector<16xf32>
        %get3A_149 = arith.constant 3 : i32
        %get3A_150 = arith.index_cast %get3A_149 : i32 to index
        %get3A_151 = arith.constant 0 : index
        %get3A_152 = tpu.vector_load %arg12[%get3A_150, %get3A_151] {strides = array<i32>} : memref<50x16xf32, #tpu.memory_space<vmem>>, vector<1x16xf32>,
        %get3A_153 = vector.shape_cast %get3A_152 : vector<1x16xf32> to vector<16xf32>
        %add3A_154 = arith.constant 3 : i32
        %add3A_155 = arith.addi %mul3A_80, %add3A_154 : i32
        %get3A_156 = arith.index_cast %add3A_155 : i32 to index
        %get3A_157 = arith.constant 0 : index
        %get3A_158 = tpu.vector_load %arg10[%get3A_156, %get3A_157] {strides = array<i32>} : memref<1600x32xf32, #tpu.memory_space<vmem>>, vector<1x16xf32>,
        %get3A_159 = vector.shape_cast %get3A_158 : vector<1x16xf32> to vector<16xf32>
        %mul3A_160 = arith.mulf %get3A_153, %get3A_159 : vector<16xf32>
        %add3A_161 = arith.addf %add3A_140, %mul3A_160 : vector<16xf32>
        %add3A_162 = arith.constant 3 : i32
        %add3A_163 = arith.addi %mul3A_80, %add3A_162 : i32
        %get3A_164 = arith.index_cast %add3A_163 : i32 to index
        %get3A_165 = arith.constant 16 : index
        %get3A_166 = tpu.vector_load %arg10[%get3A_164, %get3A_165] {strides = array<i32>} : memref<1600x32xf32, #tpu.memory_space<vmem>>, vector<1x16xf32>,
        %get3A_167 = vector.shape_cast %get3A_166 : vector<1x16xf32> to vector<16xf32>
        %mul3A_168 = arith.mulf %get3A_153, %get3A_167 : vector<16xf32>
        %add3A_169 = arith.addf %add3A_148, %mul3A_168 : vector<16xf32>
        %get3A_170 = arith.constant 4 : i32
        %get3A_171 = arith.index_cast %get3A_170 : i32 to index
        %get3A_172 = arith.constant 0 : index
        %get3A_173 = tpu.vector_load %arg12[%get3A_171, %get3A_172] {strides = array<i32>} : memref<50x16xf32, #tpu.memory_space<vmem>>, vector<1x16xf32>,
        %get3A_174 = vector.shape_cast %get3A_173 : vector<1x16xf32> to vector<16xf32>
        %add3A_175 = arith.constant 4 : i32
        %add3A_176 = arith.addi %mul3A_80, %add3A_175 : i32
        %get3A_177 = arith.index_cast %add3A_176 : i32 to index
        %get3A_178 = arith.constant 0 : index
        %get3A_179 = tpu.vector_load %arg10[%get3A_177, %get3A_178] {strides = array<i32>} : memref<1600x32xf32, #tpu.memory_space<vmem>>, vector<1x16xf32>,
        %get3A_180 = vector.shape_cast %get3A_179 : vector<1x16xf32> to vector<16xf32>
        %mul3A_181 = arith.mulf %get3A_174, %get3A_180 : vector<16xf32>
        %add3A_182 = arith.addf %add3A_161, %mul3A_181 : vector<16xf32>
        %add3A_183 = arith.constant 4 : i32
        %add3A_184 = arith.addi %mul3A_80, %add3A_183 : i32
        %get3A_185 = arith.index_cast %add3A_184 : i32 to index
        %get3A_186 = arith.constant 16 : index
        %get3A_187 = tpu.vector_load %arg10[%get3A_185, %get3A_186] {strides = array<i32>} : memref<1600x32xf32, #tpu.memory_space<vmem>>, vector<1x16xf32>,
        %get3A_188 = vector.shape_cast %get3A_187 : vector<1x16xf32> to vector<16xf32>
        %mul3A_189 = arith.mulf %get3A_174, %get3A_188 : vector<16xf32>
        %add3A_190 = arith.addf %add3A_169, %mul3A_189 : vector<16xf32>
        %get3A_191 = arith.constant 5 : i32
        %get3A_192 = arith.index_cast %get3A_191 : i32 to index
        %get3A_193 = arith.constant 0 : index
        %get3A_194 = tpu.vector_load %arg12[%get3A_192, %get3A_193] {strides = array<i32>} : memref<50x16xf32, #tpu.memory_space<vmem>>, vector<1x16xf32>,
        %get3A_195 = vector.shape_cast %get3A_194 : vector<1x16xf32> to vector<16xf32>
        %add3A_196 = arith.constant 5 : i32
        %add3A_197 = arith.addi %mul3A_80, %add3A_196 : i32
        %get3A_198 = arith.index_cast %add3A_197 : i32 to index
        %get3A_199 = arith.constant 0 : index
        %get3A_200 = tpu.vector_load %arg10[%get3A_198, %get3A_199] {strides = array<i32>} : memref<1600x32xf32, #tpu.memory_space<vmem>>, vector<1x16xf32>,
        %get3A_201 = vector.shape_cast %get3A_200 : vector<1x16xf32> to vector<16xf32>
        %mul3A_202 = arith.mulf %get3A_195, %get3A_201 : vector<16xf32>
        %add3A_203 = arith.addf %add3A_182, %mul3A_202 : vector<16xf32>
        %add3A_204 = arith.constant 5 : i32
        %add3A_205 = arith.addi %mul3A_80, %add3A_204 : i32
        %get3A_206 = arith.index_cast %add3A_205 : i32 to index
        %get3A_207 = arith.constant 16 : index
        %get3A_208 = tpu.vector_load %arg10[%get3A_206, %get3A_207] {strides = array<i32>} : memref<1600x32xf32, #tpu.memory_space<vmem>>, vector<1x16xf32>,
        %get3A_209 = vector.shape_cast %get3A_208 : vector<1x16xf32> to vector<16xf32>
        %mul3A_210 = arith.mulf %get3A_195, %get3A_209 : vector<16xf32>
        %add3A_211 = arith.addf %add3A_190, %mul3A_210 : vector<16xf32>
        %get3A_212 = arith.constant 6 : i32
        %get3A_213 = arith.index_cast %get3A_212 : i32 to index
        %get3A_214 = arith.constant 0 : index
        %get3A_215 = tpu.vector_load %arg12[%get3A_213, %get3A_214] {strides = array<i32>} : memref<50x16xf32, #tpu.memory_space<vmem>>, vector<1x16xf32>,
        %get3A_216 = vector.shape_cast %get3A_215 : vector<1x16xf32> to vector<16xf32>
        %add3A_217 = arith.constant 6 : i32
        %add3A_218 = arith.addi %mul3A_80, %add3A_217 : i32
        %get3A_219 = arith.index_cast %add3A_218 : i32 to index
        %get3A_220 = arith.constant 0 : index
        %get3A_221 = tpu.vector_load %arg10[%get3A_219, %get3A_220] {strides = array<i32>} : memref<1600x32xf32, #tpu.memory_space<vmem>>, vector<1x16xf32>,
        %get3A_222 = vector.shape_cast %get3A_221 : vector<1x16xf32> to vector<16xf32>
        %mul3A_223 = arith.mulf %get3A_216, %get3A_222 : vector<16xf32>
        %add3A_224 = arith.addf %add3A_203, %mul3A_223 : vector<16xf32>
        %add3A_225 = arith.constant 6 : i32
        %add3A_226 = arith.addi %mul3A_80, %add3A_225 : i32
        %get3A_227 = arith.index_cast %add3A_226 : i32 to index
        %get3A_228 = arith.constant 16 : index
        %get3A_229 = tpu.vector_load %arg10[%get3A_227, %get3A_228] {strides = array<i32>} : memref<1600x32xf32, #tpu.memory_space<vmem>>, vector<1x16xf32>,
        %get3A_230 = vector.shape_cast %get3A_229 : vector<1x16xf32> to vector<16xf32>
        %mul3A_231 = arith.mulf %get3A_216, %get3A_230 : vector<16xf32>
        %add3A_232 = arith.addf %add3A_211, %mul3A_231 : vector<16xf32>
        %get3A_233 = arith.constant 7 : i32
        %get3A_234 = arith.index_cast %get3A_233 : i32 to index
        %get3A_235 = arith.constant 0 : index
        %get3A_236 = tpu.vector_load %arg12[%get3A_234, %get3A_235] {strides = array<i32>} : memref<50x16xf32, #tpu.memory_space<vmem>>, vector<1x16xf32>,
        %get3A_237 = vector.shape_cast %get3A_236 : vector<1x16xf32> to vector<16xf32>
        %add3A_238 = arith.constant 7 : i32
        %add3A_239 = arith.addi %mul3A_80, %add3A_238 : i32
        %get3A_240 = arith.index_cast %add3A_239 : i32 to index
        %get3A_241 = arith.constant 0 : index
        %get3A_242 = tpu.vector_load %arg10[%get3A_240, %get3A_241] {strides = array<i32>} : memref<1600x32xf32, #tpu.memory_space<vmem>>, vector<1x16xf32>,
        %get3A_243 = vector.shape_cast %get3A_242 : vector<1x16xf32> to vector<16xf32>
        %mul3A_244 = arith.mulf %get3A_237, %get3A_243 : vector<16xf32>
        %add3A_245 = arith.addf %add3A_224, %mul3A_244 : vector<16xf32>
        %add3A_246 = arith.constant 7 : i32
        %add3A_247 = arith.addi %mul3A_80, %add3A_246 : i32
        %get3A_248 = arith.index_cast %add3A_247 : i32 to index
        %get3A_249 = arith.constant 16 : index
        %get3A_250 = tpu.vector_load %arg10[%get3A_248, %get3A_249] {strides = array<i32>} : memref<1600x32xf32, #tpu.memory_space<vmem>>, vector<1x16xf32>,
        %get3A_251 = vector.shape_cast %get3A_250 : vector<1x16xf32> to vector<16xf32>
        %mul3A_252 = arith.mulf %get3A_237, %get3A_251 : vector<16xf32>
        %add3A_253 = arith.addf %add3A_232, %mul3A_252 : vector<16xf32>
        %get3A_254 = arith.constant 8 : i32
        %get3A_255 = arith.index_cast %get3A_254 : i32 to index
        %get3A_256 = arith.constant 0 : index
        %get3A_257 = tpu.vector_load %arg12[%get3A_255, %get3A_256] {strides = array<i32>} : memref<50x16xf32, #tpu.memory_space<vmem>>, vector<1x16xf32>,
        %get3A_258 = vector.shape_cast %get3A_257 : vector<1x16xf32> to vector<16xf32>
        %add3A_259 = arith.constant 8 : i32
        %add3A_260 = arith.addi %mul3A_80, %add3A_259 : i32
        %get3A_261 = arith.index_cast %add3A_260 : i32 to index
        %get3A_262 = arith.constant 0 : index
        %get3A_263 = tpu.vector_load %arg10[%get3A_261, %get3A_262] {strides = array<i32>} : memref<1600x32xf32, #tpu.memory_space<vmem>>, vector<1x16xf32>,
        %get3A_264 = vector.shape_cast %get3A_263 : vector<1x16xf32> to vector<16xf32>
        %mul3A_265 = arith.mulf %get3A_258, %get3A_264 : vector<16xf32>
        %add3A_266 = arith.addf %add3A_245, %mul3A_265 : vector<16xf32>
        %add3A_267 = arith.constant 8 : i32
        %add3A_268 = arith.addi %mul3A_80, %add3A_267 : i32
        %get3A_269 = arith.index_cast %add3A_268 : i32 to index
        %get3A_270 = arith.constant 16 : index
        %get3A_271 = tpu.vector_load %arg10[%get3A_269, %get3A_270] {strides = array<i32>} : memref<1600x32xf32, #tpu.memory_space<vmem>>, vector<1x16xf32>,
        %get3A_272 = vector.shape_cast %get3A_271 : vector<1x16xf32> to vector<16xf32>
        %mul3A_273 = arith.mulf %get3A_258, %get3A_272 : vector<16xf32>
        %add3A_274 = arith.addf %add3A_253, %mul3A_273 : vector<16xf32>
        %get3A_275 = arith.constant 9 : i32
        %get3A_276 = arith.index_cast %get3A_275 : i32 to index
        %get3A_277 = arith.constant 0 : index
        %get3A_278 = tpu.vector_load %arg12[%get3A_276, %get3A_277] {strides = array<i32>} : memref<50x16xf32, #tpu.memory_space<vmem>>, vector<1x16xf32>,
        %get3A_279 = vector.shape_cast %get3A_278 : vector<1x16xf32> to vector<16xf32>
        %add3A_280 = arith.constant 9 : i32
        %add3A_281 = arith.addi %mul3A_80, %add3A_280 : i32
        %get3A_282 = arith.index_cast %add3A_281 : i32 to index
        %get3A_283 = arith.constant 0 : index
        %get3A_284 = tpu.vector_load %arg10[%get3A_282, %get3A_283] {strides = array<i32>} : memref<1600x32xf32, #tpu.memory_space<vmem>>, vector<1x16xf32>,
        %get3A_285 = vector.shape_cast %get3A_284 : vector<1x16xf32> to vector<16xf32>
        %mul3A_286 = arith.mulf %get3A_279, %get3A_285 : vector<16xf32>
        %add3A_287 = arith.addf %add3A_266, %mul3A_286 : vector<16xf32>
        %add3A_288 = arith.constant 9 : i32
        %add3A_289 = arith.addi %mul3A_80, %add3A_288 : i32
        %get3A_290 = arith.index_cast %add3A_289 : i32 to index
        %get3A_291 = arith.constant 16 : index
        %get3A_292 = tpu.vector_load %arg10[%get3A_290, %get3A_291] {strides = array<i32>} : memref<1600x32xf32, #tpu.memory_space<vmem>>, vector<1x16xf32>,
        %get3A_293 = vector.shape_cast %get3A_292 : vector<1x16xf32> to vector<16xf32>
        %mul3A_294 = arith.mulf %get3A_279, %get3A_293 : vector<16xf32>
        %add3A_295 = arith.addf %add3A_274, %mul3A_294 : vector<16xf32>
        %get3A_296 = arith.constant 10 : i32
        %get3A_297 = arith.index_cast %get3A_296 : i32 to index
        %get3A_298 = arith.constant 0 : index
        %get3A_299 = tpu.vector_load %arg12[%get3A_297, %get3A_298] {strides = array<i32>} : memref<50x16xf32, #tpu.memory_space<vmem>>, vector<1x16xf32>,
        %get3A_300 = vector.shape_cast %get3A_299 : vector<1x16xf32> to vector<16xf32>
        %add3A_301 = arith.constant 10 : i32
        %add3A_302 = arith.addi %mul3A_80, %add3A_301 : i32
        %get3A_303 = arith.index_cast %add3A_302 : i32 to index
        %get3A_304 = arith.constant 0 : index
        %get3A_305 = tpu.vector_load %arg10[%get3A_303, %get3A_304] {strides = array<i32>} : memref<1600x32xf32, #tpu.memory_space<vmem>>, vector<1x16xf32>,
        %get3A_306 = vector.shape_cast %get3A_305 : vector<1x16xf32> to vector<16xf32>
        %mul3A_307 = arith.mulf %get3A_300, %get3A_306 : vector<16xf32>
        %add3A_308 = arith.addf %add3A_287, %mul3A_307 : vector<16xf32>
        %add3A_309 = arith.constant 10 : i32
        %add3A_310 = arith.addi %mul3A_80, %add3A_309 : i32
        %get3A_311 = arith.index_cast %add3A_310 : i32 to index
        %get3A_312 = arith.constant 16 : index
        %get3A_313 = tpu.vector_load %arg10[%get3A_311, %get3A_312] {strides = array<i32>} : memref<1600x32xf32, #tpu.memory_space<vmem>>, vector<1x16xf32>,
        %get3A_314 = vector.shape_cast %get3A_313 : vector<1x16xf32> to vector<16xf32>
        %mul3A_315 = arith.mulf %get3A_300, %get3A_314 : vector<16xf32>
        %add3A_316 = arith.addf %add3A_295, %mul3A_315 : vector<16xf32>
        %get3A_317 = arith.constant 11 : i32
        %get3A_318 = arith.index_cast %get3A_317 : i32 to index
        %get3A_319 = arith.constant 0 : index
        %get3A_320 = tpu.vector_load %arg12[%get3A_318, %get3A_319] {strides = array<i32>} : memref<50x16xf32, #tpu.memory_space<vmem>>, vector<1x16xf32>,
        %get3A_321 = vector.shape_cast %get3A_320 : vector<1x16xf32> to vector<16xf32>
        %add3A_322 = arith.constant 11 : i32
        %add3A_323 = arith.addi %mul3A_80, %add3A_322 : i32
        %get3A_324 = arith.index_cast %add3A_323 : i32 to index
        %get3A_325 = arith.constant 0 : index
        %get3A_326 = tpu.vector_load %arg10[%get3A_324, %get3A_325] {strides = array<i32>} : memref<1600x32xf32, #tpu.memory_space<vmem>>, vector<1x16xf32>,
        %get3A_327 = vector.shape_cast %get3A_326 : vector<1x16xf32> to vector<16xf32>
        %mul3A_328 = arith.mulf %get3A_321, %get3A_327 : vector<16xf32>
        %add3A_329 = arith.addf %add3A_308, %mul3A_328 : vector<16xf32>
        %add3A_330 = arith.constant 11 : i32
        %add3A_331 = arith.addi %mul3A_80, %add3A_330 : i32
        %get3A_332 = arith.index_cast %add3A_331 : i32 to index
        %get3A_333 = arith.constant 16 : index
        %get3A_334 = tpu.vector_load %arg10[%get3A_332, %get3A_333] {strides = array<i32>} : memref<1600x32xf32, #tpu.memory_space<vmem>>, vector<1x16xf32>,
        %get3A_335 = vector.shape_cast %get3A_334 : vector<1x16xf32> to vector<16xf32>
        %mul3A_336 = arith.mulf %get3A_321, %get3A_335 : vector<16xf32>
        %add3A_337 = arith.addf %add3A_316, %mul3A_336 : vector<16xf32>
        %get3A_338 = arith.constant 12 : i32
        %get3A_339 = arith.index_cast %get3A_338 : i32 to index
        %get3A_340 = arith.constant 0 : index
        %get3A_341 = tpu.vector_load %arg12[%get3A_339, %get3A_340] {strides = array<i32>} : memref<50x16xf32, #tpu.memory_space<vmem>>, vector<1x16xf32>,
        %get3A_342 = vector.shape_cast %get3A_341 : vector<1x16xf32> to vector<16xf32>
        %add3A_343 = arith.constant 12 : i32
        %add3A_344 = arith.addi %mul3A_80, %add3A_343 : i32
        %get3A_345 = arith.index_cast %add3A_344 : i32 to index
        %get3A_346 = arith.constant 0 : index
        %get3A_347 = tpu.vector_load %arg10[%get3A_345, %get3A_346] {strides = array<i32>} : memref<1600x32xf32, #tpu.memory_space<vmem>>, vector<1x16xf32>,
        %get3A_348 = vector.shape_cast %get3A_347 : vector<1x16xf32> to vector<16xf32>
        %mul3A_349 = arith.mulf %get3A_342, %get3A_348 : vector<16xf32>
        %add3A_350 = arith.addf %add3A_329, %mul3A_349 : vector<16xf32>
        %add3A_351 = arith.constant 12 : i32
        %add3A_352 = arith.addi %mul3A_80, %add3A_351 : i32
        %get3A_353 = arith.index_cast %add3A_352 : i32 to index
        %get3A_354 = arith.constant 16 : index
        %get3A_355 = tpu.vector_load %arg10[%get3A_353, %get3A_354] {strides = array<i32>} : memref<1600x32xf32, #tpu.memory_space<vmem>>, vector<1x16xf32>,
        %get3A_356 = vector.shape_cast %get3A_355 : vector<1x16xf32> to vector<16xf32>
        %mul3A_357 = arith.mulf %get3A_342, %get3A_356 : vector<16xf32>
        %add3A_358 = arith.addf %add3A_337, %mul3A_357 : vector<16xf32>
        %get3A_359 = arith.constant 13 : i32
        %get3A_360 = arith.index_cast %get3A_359 : i32 to index
        %get3A_361 = arith.constant 0 : index
        %get3A_362 = tpu.vector_load %arg12[%get3A_360, %get3A_361] {strides = array<i32>} : memref<50x16xf32, #tpu.memory_space<vmem>>, vector<1x16xf32>,
        %get3A_363 = vector.shape_cast %get3A_362 : vector<1x16xf32> to vector<16xf32>
        %add3A_364 = arith.constant 13 : i32
        %add3A_365 = arith.addi %mul3A_80, %add3A_364 : i32
        %get3A_366 = arith.index_cast %add3A_365 : i32 to index
        %get3A_367 = arith.constant 0 : index
        %get3A_368 = tpu.vector_load %arg10[%get3A_366, %get3A_367] {strides = array<i32>} : memref<1600x32xf32, #tpu.memory_space<vmem>>, vector<1x16xf32>,
        %get3A_369 = vector.shape_cast %get3A_368 : vector<1x16xf32> to vector<16xf32>
        %mul3A_370 = arith.mulf %get3A_363, %get3A_369 : vector<16xf32>
        %add3A_371 = arith.addf %add3A_350, %mul3A_370 : vector<16xf32>
        %add3A_372 = arith.constant 13 : i32
        %add3A_373 = arith.addi %mul3A_80, %add3A_372 : i32
        %get3A_374 = arith.index_cast %add3A_373 : i32 to index
        %get3A_375 = arith.constant 16 : index
        %get3A_376 = tpu.vector_load %arg10[%get3A_374, %get3A_375] {strides = array<i32>} : memref<1600x32xf32, #tpu.memory_space<vmem>>, vector<1x16xf32>,
        %get3A_377 = vector.shape_cast %get3A_376 : vector<1x16xf32> to vector<16xf32>
        %mul3A_378 = arith.mulf %get3A_363, %get3A_377 : vector<16xf32>
        %add3A_379 = arith.addf %add3A_358, %mul3A_378 : vector<16xf32>
        %get3A_380 = arith.constant 14 : i32
        %get3A_381 = arith.index_cast %get3A_380 : i32 to index
        %get3A_382 = arith.constant 0 : index
        %get3A_383 = tpu.vector_load %arg12[%get3A_381, %get3A_382] {strides = array<i32>} : memref<50x16xf32, #tpu.memory_space<vmem>>, vector<1x16xf32>,
        %get3A_384 = vector.shape_cast %get3A_383 : vector<1x16xf32> to vector<16xf32>
        %add3A_385 = arith.constant 14 : i32
        %add3A_386 = arith.addi %mul3A_80, %add3A_385 : i32
        %get3A_387 = arith.index_cast %add3A_386 : i32 to index
        %get3A_388 = arith.constant 0 : index
        %get3A_389 = tpu.vector_load %arg10[%get3A_387, %get3A_388] {strides = array<i32>} : memref<1600x32xf32, #tpu.memory_space<vmem>>, vector<1x16xf32>,
        %get3A_390 = vector.shape_cast %get3A_389 : vector<1x16xf32> to vector<16xf32>
        %mul3A_391 = arith.mulf %get3A_384, %get3A_390 : vector<16xf32>
        %add3A_392 = arith.addf %add3A_371, %mul3A_391 : vector<16xf32>
        %add3A_393 = arith.constant 14 : i32
        %add3A_394 = arith.addi %mul3A_80, %add3A_393 : i32
        %get3A_395 = arith.index_cast %add3A_394 : i32 to index
        %get3A_396 = arith.constant 16 : index
        %get3A_397 = tpu.vector_load %arg10[%get3A_395, %get3A_396] {strides = array<i32>} : memref<1600x32xf32, #tpu.memory_space<vmem>>, vector<1x16xf32>,
        %get3A_398 = vector.shape_cast %get3A_397 : vector<1x16xf32> to vector<16xf32>
        %mul3A_399 = arith.mulf %get3A_384, %get3A_398 : vector<16xf32>
        %add3A_400 = arith.addf %add3A_379, %mul3A_399 : vector<16xf32>
        %get3A_401 = arith.constant 15 : i32
        %get3A_402 = arith.index_cast %get3A_401 : i32 to index
        %get3A_403 = arith.constant 0 : index
        %get3A_404 = tpu.vector_load %arg12[%get3A_402, %get3A_403] {strides = array<i32>} : memref<50x16xf32, #tpu.memory_space<vmem>>, vector<1x16xf32>,
        %get3A_405 = vector.shape_cast %get3A_404 : vector<1x16xf32> to vector<16xf32>
        %add3A_406 = arith.constant 15 : i32
        %add3A_407 = arith.addi %mul3A_80, %add3A_406 : i32
        %get3A_408 = arith.index_cast %add3A_407 : i32 to index
        %get3A_409 = arith.constant 0 : index
        %get3A_410 = tpu.vector_load %arg10[%get3A_408, %get3A_409] {strides = array<i32>} : memref<1600x32xf32, #tpu.memory_space<vmem>>, vector<1x16xf32>,
        %get3A_411 = vector.shape_cast %get3A_410 : vector<1x16xf32> to vector<16xf32>
        %mul3A_412 = arith.mulf %get3A_405, %get3A_411 : vector<16xf32>
        %add3A_413 = arith.addf %add3A_392, %mul3A_412 : vector<16xf32>
        %add3A_414 = arith.constant 15 : i32
        %add3A_415 = arith.addi %mul3A_80, %add3A_414 : i32
        %get3A_416 = arith.index_cast %add3A_415 : i32 to index
        %get3A_417 = arith.constant 16 : index
        %get3A_418 = tpu.vector_load %arg10[%get3A_416, %get3A_417] {strides = array<i32>} : memref<1600x32xf32, #tpu.memory_space<vmem>>, vector<1x16xf32>,
        %get3A_419 = vector.shape_cast %get3A_418 : vector<1x16xf32> to vector<16xf32>
        %mul3A_420 = arith.mulf %get3A_405, %get3A_419 : vector<16xf32>
        %add3A_421 = arith.addf %add3A_400, %mul3A_420 : vector<16xf32>
        %get3A_422 = arith.constant 16 : i32
        %get3A_423 = arith.index_cast %get3A_422 : i32 to index
        %get3A_424 = arith.constant 0 : index
        %get3A_425 = tpu.vector_load %arg12[%get3A_423, %get3A_424] {strides = array<i32>} : memref<50x16xf32, #tpu.memory_space<vmem>>, vector<1x16xf32>,
        %get3A_426 = vector.shape_cast %get3A_425 : vector<1x16xf32> to vector<16xf32>
        %add3A_427 = arith.constant 16 : i32
        %add3A_428 = arith.addi %mul3A_80, %add3A_427 : i32
        %get3A_429 = arith.index_cast %add3A_428 : i32 to index
        %get3A_430 = arith.constant 0 : index
        %get3A_431 = tpu.vector_load %arg10[%get3A_429, %get3A_430] {strides = array<i32>} : memref<1600x32xf32, #tpu.memory_space<vmem>>, vector<1x16xf32>,
        %get3A_432 = vector.shape_cast %get3A_431 : vector<1x16xf32> to vector<16xf32>
        %mul3A_433 = arith.mulf %get3A_426, %get3A_432 : vector<16xf32>
        %add3A_434 = arith.addf %add3A_413, %mul3A_433 : vector<16xf32>
        %add3A_435 = arith.constant 16 : i32
        %add3A_436 = arith.addi %mul3A_80, %add3A_435 : i32
        %get3A_437 = arith.index_cast %add3A_436 : i32 to index
        %get3A_438 = arith.constant 16 : index
        %get3A_439 = tpu.vector_load %arg10[%get3A_437, %get3A_438] {strides = array<i32>} : memref<1600x32xf32, #tpu.memory_space<vmem>>, vector<1x16xf32>,
        %get3A_440 = vector.shape_cast %get3A_439 : vector<1x16xf32> to vector<16xf32>
        %mul3A_441 = arith.mulf %get3A_426, %get3A_440 : vector<16xf32>
        %add3A_442 = arith.addf %add3A_421, %mul3A_441 : vector<16xf32>
        %get3A_443 = arith.constant 17 : i32
        %get3A_444 = arith.index_cast %get3A_443 : i32 to index
        %get3A_445 = arith.constant 0 : index
        %get3A_446 = tpu.vector_load %arg12[%get3A_444, %get3A_445] {strides = array<i32>} : memref<50x16xf32, #tpu.memory_space<vmem>>, vector<1x16xf32>,
        %get3A_447 = vector.shape_cast %get3A_446 : vector<1x16xf32> to vector<16xf32>
        %add3A_448 = arith.constant 17 : i32
        %add3A_449 = arith.addi %mul3A_80, %add3A_448 : i32
        %get3A_450 = arith.index_cast %add3A_449 : i32 to index
        %get3A_451 = arith.constant 0 : index
        %get3A_452 = tpu.vector_load %arg10[%get3A_450, %get3A_451] {strides = array<i32>} : memref<1600x32xf32, #tpu.memory_space<vmem>>, vector<1x16xf32>,
        %get3A_453 = vector.shape_cast %get3A_452 : vector<1x16xf32> to vector<16xf32>
        %mul3A_454 = arith.mulf %get3A_447, %get3A_453 : vector<16xf32>
        %add3A_455 = arith.addf %add3A_434, %mul3A_454 : vector<16xf32>
        %add3A_456 = arith.constant 17 : i32
        %add3A_457 = arith.addi %mul3A_80, %add3A_456 : i32
        %get3A_458 = arith.index_cast %add3A_457 : i32 to index
        %get3A_459 = arith.constant 16 : index
        %get3A_460 = tpu.vector_load %arg10[%get3A_458, %get3A_459] {strides = array<i32>} : memref<1600x32xf32, #tpu.memory_space<vmem>>, vector<1x16xf32>,
        %get3A_461 = vector.shape_cast %get3A_460 : vector<1x16xf32> to vector<16xf32>
        %mul3A_462 = arith.mulf %get3A_447, %get3A_461 : vector<16xf32>
        %add3A_463 = arith.addf %add3A_442, %mul3A_462 : vector<16xf32>
        %get3A_464 = arith.constant 18 : i32
        %get3A_465 = arith.index_cast %get3A_464 : i32 to index
        %get3A_466 = arith.constant 0 : index
        %get3A_467 = tpu.vector_load %arg12[%get3A_465, %get3A_466] {strides = array<i32>} : memref<50x16xf32, #tpu.memory_space<vmem>>, vector<1x16xf32>,
        %get3A_468 = vector.shape_cast %get3A_467 : vector<1x16xf32> to vector<16xf32>
        %add3A_469 = arith.constant 18 : i32
        %add3A_470 = arith.addi %mul3A_80, %add3A_469 : i32
        %get3A_471 = arith.index_cast %add3A_470 : i32 to index
        %get3A_472 = arith.constant 0 : index
        %get3A_473 = tpu.vector_load %arg10[%get3A_471, %get3A_472] {strides = array<i32>} : memref<1600x32xf32, #tpu.memory_space<vmem>>, vector<1x16xf32>,
        %get3A_474 = vector.shape_cast %get3A_473 : vector<1x16xf32> to vector<16xf32>
        %mul3A_475 = arith.mulf %get3A_468, %get3A_474 : vector<16xf32>
        %add3A_476 = arith.addf %add3A_455, %mul3A_475 : vector<16xf32>
        %add3A_477 = arith.constant 18 : i32
        %add3A_478 = arith.addi %mul3A_80, %add3A_477 : i32
        %get3A_479 = arith.index_cast %add3A_478 : i32 to index
        %get3A_480 = arith.constant 16 : index
        %get3A_481 = tpu.vector_load %arg10[%get3A_479, %get3A_480] {strides = array<i32>} : memref<1600x32xf32, #tpu.memory_space<vmem>>, vector<1x16xf32>,
        %get3A_482 = vector.shape_cast %get3A_481 : vector<1x16xf32> to vector<16xf32>
        %mul3A_483 = arith.mulf %get3A_468, %get3A_482 : vector<16xf32>
        %add3A_484 = arith.addf %add3A_463, %mul3A_483 : vector<16xf32>
        %get3A_485 = arith.constant 19 : i32
        %get3A_486 = arith.index_cast %get3A_485 : i32 to index
        %get3A_487 = arith.constant 0 : index
        %get3A_488 = tpu.vector_load %arg12[%get3A_486, %get3A_487] {strides = array<i32>} : memref<50x16xf32, #tpu.memory_space<vmem>>, vector<1x16xf32>,
        %get3A_489 = vector.shape_cast %get3A_488 : vector<1x16xf32> to vector<16xf32>
        %add3A_490 = arith.constant 19 : i32
        %add3A_491 = arith.addi %mul3A_80, %add3A_490 : i32
        %get3A_492 = arith.index_cast %add3A_491 : i32 to index
        %get3A_493 = arith.constant 0 : index
        %get3A_494 = tpu.vector_load %arg10[%get3A_492, %get3A_493] {strides = array<i32>} : memref<1600x32xf32, #tpu.memory_space<vmem>>, vector<1x16xf32>,
        %get3A_495 = vector.shape_cast %get3A_494 : vector<1x16xf32> to vector<16xf32>
        %mul3A_496 = arith.mulf %get3A_489, %get3A_495 : vector<16xf32>
        %add3A_497 = arith.addf %add3A_476, %mul3A_496 : vector<16xf32>
        %add3A_498 = arith.constant 19 : i32
        %add3A_499 = arith.addi %mul3A_80, %add3A_498 : i32
        %get3A_500 = arith.index_cast %add3A_499 : i32 to index
        %get3A_501 = arith.constant 16 : index
        %get3A_502 = tpu.vector_load %arg10[%get3A_500, %get3A_501] {strides = array<i32>} : memref<1600x32xf32, #tpu.memory_space<vmem>>, vector<1x16xf32>,
        %get3A_503 = vector.shape_cast %get3A_502 : vector<1x16xf32> to vector<16xf32>
        %mul3A_504 = arith.mulf %get3A_489, %get3A_503 : vector<16xf32>
        %add3A_505 = arith.addf %add3A_484, %mul3A_504 : vector<16xf32>
        %get3A_506 = arith.constant 20 : i32
        %get3A_507 = arith.index_cast %get3A_506 : i32 to index
        %get3A_508 = arith.constant 0 : index
        %get3A_509 = tpu.vector_load %arg12[%get3A_507, %get3A_508] {strides = array<i32>} : memref<50x16xf32, #tpu.memory_space<vmem>>, vector<1x16xf32>,
        %get3A_510 = vector.shape_cast %get3A_509 : vector<1x16xf32> to vector<16xf32>
        %add3A_511 = arith.constant 20 : i32
        %add3A_512 = arith.addi %mul3A_80, %add3A_511 : i32
        %get3A_513 = arith.index_cast %add3A_512 : i32 to index
        %get3A_514 = arith.constant 0 : index
        %get3A_515 = tpu.vector_load %arg10[%get3A_513, %get3A_514] {strides = array<i32>} : memref<1600x32xf32, #tpu.memory_space<vmem>>, vector<1x16xf32>,
        %get3A_516 = vector.shape_cast %get3A_515 : vector<1x16xf32> to vector<16xf32>
        %mul3A_517 = arith.mulf %get3A_510, %get3A_516 : vector<16xf32>
        %add3A_518 = arith.addf %add3A_497, %mul3A_517 : vector<16xf32>
        %add3A_519 = arith.constant 20 : i32
        %add3A_520 = arith.addi %mul3A_80, %add3A_519 : i32
        %get3A_521 = arith.index_cast %add3A_520 : i32 to index
        %get3A_522 = arith.constant 16 : index
        %get3A_523 = tpu.vector_load %arg10[%get3A_521, %get3A_522] {strides = array<i32>} : memref<1600x32xf32, #tpu.memory_space<vmem>>, vector<1x16xf32>,
        %get3A_524 = vector.shape_cast %get3A_523 : vector<1x16xf32> to vector<16xf32>
        %mul3A_525 = arith.mulf %get3A_510, %get3A_524 : vector<16xf32>
        %add3A_526 = arith.addf %add3A_505, %mul3A_525 : vector<16xf32>
        %get3A_527 = arith.constant 21 : i32
        %get3A_528 = arith.index_cast %get3A_527 : i32 to index
        %get3A_529 = arith.constant 0 : index
        %get3A_530 = tpu.vector_load %arg12[%get3A_528, %get3A_529] {strides = array<i32>} : memref<50x16xf32, #tpu.memory_space<vmem>>, vector<1x16xf32>,
        %get3A_531 = vector.shape_cast %get3A_530 : vector<1x16xf32> to vector<16xf32>
        %add3A_532 = arith.constant 21 : i32
        %add3A_533 = arith.addi %mul3A_80, %add3A_532 : i32
        %get3A_534 = arith.index_cast %add3A_533 : i32 to index
        %get3A_535 = arith.constant 0 : index
        %get3A_536 = tpu.vector_load %arg10[%get3A_534, %get3A_535] {strides = array<i32>} : memref<1600x32xf32, #tpu.memory_space<vmem>>, vector<1x16xf32>,
        %get3A_537 = vector.shape_cast %get3A_536 : vector<1x16xf32> to vector<16xf32>
        %mul3A_538 = arith.mulf %get3A_531, %get3A_537 : vector<16xf32>
        %add3A_539 = arith.addf %add3A_518, %mul3A_538 : vector<16xf32>
        %add3A_540 = arith.constant 21 : i32
        %add3A_541 = arith.addi %mul3A_80, %add3A_540 : i32
        %get3A_542 = arith.index_cast %add3A_541 : i32 to index
        %get3A_543 = arith.constant 16 : index
        %get3A_544 = tpu.vector_load %arg10[%get3A_542, %get3A_543] {strides = array<i32>} : memref<1600x32xf32, #tpu.memory_space<vmem>>, vector<1x16xf32>,
        %get3A_545 = vector.shape_cast %get3A_544 : vector<1x16xf32> to vector<16xf32>
        %mul3A_546 = arith.mulf %get3A_531, %get3A_545 : vector<16xf32>
        %add3A_547 = arith.addf %add3A_526, %mul3A_546 : vector<16xf32>
        %get3A_548 = arith.constant 22 : i32
        %get3A_549 = arith.index_cast %get3A_548 : i32 to index
        %get3A_550 = arith.constant 0 : index
        %get3A_551 = tpu.vector_load %arg12[%get3A_549, %get3A_550] {strides = array<i32>} : memref<50x16xf32, #tpu.memory_space<vmem>>, vector<1x16xf32>,
        %get3A_552 = vector.shape_cast %get3A_551 : vector<1x16xf32> to vector<16xf32>
        %add3A_553 = arith.constant 22 : i32
        %add3A_554 = arith.addi %mul3A_80, %add3A_553 : i32
        %get3A_555 = arith.index_cast %add3A_554 : i32 to index
        %get3A_556 = arith.constant 0 : index
        %get3A_557 = tpu.vector_load %arg10[%get3A_555, %get3A_556] {strides = array<i32>} : memref<1600x32xf32, #tpu.memory_space<vmem>>, vector<1x16xf32>,
        %get3A_558 = vector.shape_cast %get3A_557 : vector<1x16xf32> to vector<16xf32>
        %mul3A_559 = arith.mulf %get3A_552, %get3A_558 : vector<16xf32>
        %add3A_560 = arith.addf %add3A_539, %mul3A_559 : vector<16xf32>
        %add3A_561 = arith.constant 22 : i32
        %add3A_562 = arith.addi %mul3A_80, %add3A_561 : i32
        %get3A_563 = arith.index_cast %add3A_562 : i32 to index
        %get3A_564 = arith.constant 16 : index
        %get3A_565 = tpu.vector_load %arg10[%get3A_563, %get3A_564] {strides = array<i32>} : memref<1600x32xf32, #tpu.memory_space<vmem>>, vector<1x16xf32>,
        %get3A_566 = vector.shape_cast %get3A_565 : vector<1x16xf32> to vector<16xf32>
        %mul3A_567 = arith.mulf %get3A_552, %get3A_566 : vector<16xf32>
        %add3A_568 = arith.addf %add3A_547, %mul3A_567 : vector<16xf32>
        %get3A_569 = arith.constant 23 : i32
        %get3A_570 = arith.index_cast %get3A_569 : i32 to index
        %get3A_571 = arith.constant 0 : index
        %get3A_572 = tpu.vector_load %arg12[%get3A_570, %get3A_571] {strides = array<i32>} : memref<50x16xf32, #tpu.memory_space<vmem>>, vector<1x16xf32>,
        %get3A_573 = vector.shape_cast %get3A_572 : vector<1x16xf32> to vector<16xf32>
        %add3A_574 = arith.constant 23 : i32
        %add3A_575 = arith.addi %mul3A_80, %add3A_574 : i32
        %get3A_576 = arith.index_cast %add3A_575 : i32 to index
        %get3A_577 = arith.constant 0 : index
        %get3A_578 = tpu.vector_load %arg10[%get3A_576, %get3A_577] {strides = array<i32>} : memref<1600x32xf32, #tpu.memory_space<vmem>>, vector<1x16xf32>,
        %get3A_579 = vector.shape_cast %get3A_578 : vector<1x16xf32> to vector<16xf32>
        %mul3A_580 = arith.mulf %get3A_573, %get3A_579 : vector<16xf32>
        %add3A_581 = arith.addf %add3A_560, %mul3A_580 : vector<16xf32>
        %add3A_582 = arith.constant 23 : i32
        %add3A_583 = arith.addi %mul3A_80, %add3A_582 : i32
        %get3A_584 = arith.index_cast %add3A_583 : i32 to index
        %get3A_585 = arith.constant 16 : index
        %get3A_586 = tpu.vector_load %arg10[%get3A_584, %get3A_585] {strides = array<i32>} : memref<1600x32xf32, #tpu.memory_space<vmem>>, vector<1x16xf32>,
        %get3A_587 = vector.shape_cast %get3A_586 : vector<1x16xf32> to vector<16xf32>
        %mul3A_588 = arith.mulf %get3A_573, %get3A_587 : vector<16xf32>
        %add3A_589 = arith.addf %add3A_568, %mul3A_588 : vector<16xf32>
        %get3A_590 = arith.constant 24 : i32
        %get3A_591 = arith.index_cast %get3A_590 : i32 to index
        %get3A_592 = arith.constant 0 : index
        %get3A_593 = tpu.vector_load %arg12[%get3A_591, %get3A_592] {strides = array<i32>} : memref<50x16xf32, #tpu.memory_space<vmem>>, vector<1x16xf32>,
        %get3A_594 = vector.shape_cast %get3A_593 : vector<1x16xf32> to vector<16xf32>
        %add3A_595 = arith.constant 24 : i32
        %add3A_596 = arith.addi %mul3A_80, %add3A_595 : i32
        %get3A_597 = arith.index_cast %add3A_596 : i32 to index
        %get3A_598 = arith.constant 0 : index
        %get3A_599 = tpu.vector_load %arg10[%get3A_597, %get3A_598] {strides = array<i32>} : memref<1600x32xf32, #tpu.memory_space<vmem>>, vector<1x16xf32>,
        %get3A_600 = vector.shape_cast %get3A_599 : vector<1x16xf32> to vector<16xf32>
        %mul3A_601 = arith.mulf %get3A_594, %get3A_600 : vector<16xf32>
        %add3A_602 = arith.addf %add3A_581, %mul3A_601 : vector<16xf32>
        %add3A_603 = arith.constant 24 : i32
        %add3A_604 = arith.addi %mul3A_80, %add3A_603 : i32
        %get3A_605 = arith.index_cast %add3A_604 : i32 to index
        %get3A_606 = arith.constant 16 : index
        %get3A_607 = tpu.vector_load %arg10[%get3A_605, %get3A_606] {strides = array<i32>} : memref<1600x32xf32, #tpu.memory_space<vmem>>, vector<1x16xf32>,
        %get3A_608 = vector.shape_cast %get3A_607 : vector<1x16xf32> to vector<16xf32>
        %mul3A_609 = arith.mulf %get3A_594, %get3A_608 : vector<16xf32>
        %add3A_610 = arith.addf %add3A_589, %mul3A_609 : vector<16xf32>
        %get3A_611 = arith.constant 25 : i32
        %get3A_612 = arith.index_cast %get3A_611 : i32 to index
        %get3A_613 = arith.constant 0 : index
        %get3A_614 = tpu.vector_load %arg12[%get3A_612, %get3A_613] {strides = array<i32>} : memref<50x16xf32, #tpu.memory_space<vmem>>, vector<1x16xf32>,
        %get3A_615 = vector.shape_cast %get3A_614 : vector<1x16xf32> to vector<16xf32>
        %add3A_616 = arith.constant 25 : i32
        %add3A_617 = arith.addi %mul3A_80, %add3A_616 : i32
        %get3A_618 = arith.index_cast %add3A_617 : i32 to index
        %get3A_619 = arith.constant 0 : index
        %get3A_620 = tpu.vector_load %arg10[%get3A_618, %get3A_619] {strides = array<i32>} : memref<1600x32xf32, #tpu.memory_space<vmem>>, vector<1x16xf32>,
        %get3A_621 = vector.shape_cast %get3A_620 : vector<1x16xf32> to vector<16xf32>
        %mul3A_622 = arith.mulf %get3A_615, %get3A_621 : vector<16xf32>
        %add3A_623 = arith.addf %add3A_602, %mul3A_622 : vector<16xf32>
        %add3A_624 = arith.constant 25 : i32
        %add3A_625 = arith.addi %mul3A_80, %add3A_624 : i32
        %get3A_626 = arith.index_cast %add3A_625 : i32 to index
        %get3A_627 = arith.constant 16 : index
        %get3A_628 = tpu.vector_load %arg10[%get3A_626, %get3A_627] {strides = array<i32>} : memref<1600x32xf32, #tpu.memory_space<vmem>>, vector<1x16xf32>,
        %get3A_629 = vector.shape_cast %get3A_628 : vector<1x16xf32> to vector<16xf32>
        %mul3A_630 = arith.mulf %get3A_615, %get3A_629 : vector<16xf32>
        %add3A_631 = arith.addf %add3A_610, %mul3A_630 : vector<16xf32>
        %get3A_632 = arith.constant 26 : i32
        %get3A_633 = arith.index_cast %get3A_632 : i32 to index
        %get3A_634 = arith.constant 0 : index
        %get3A_635 = tpu.vector_load %arg12[%get3A_633, %get3A_634] {strides = array<i32>} : memref<50x16xf32, #tpu.memory_space<vmem>>, vector<1x16xf32>,
        %get3A_636 = vector.shape_cast %get3A_635 : vector<1x16xf32> to vector<16xf32>
        %add3A_637 = arith.constant 26 : i32
        %add3A_638 = arith.addi %mul3A_80, %add3A_637 : i32
        %get3A_639 = arith.index_cast %add3A_638 : i32 to index
        %get3A_640 = arith.constant 0 : index
        %get3A_641 = tpu.vector_load %arg10[%get3A_639, %get3A_640] {strides = array<i32>} : memref<1600x32xf32, #tpu.memory_space<vmem>>, vector<1x16xf32>,
        %get3A_642 = vector.shape_cast %get3A_641 : vector<1x16xf32> to vector<16xf32>
        %mul3A_643 = arith.mulf %get3A_636, %get3A_642 : vector<16xf32>
        %add3A_644 = arith.addf %add3A_623, %mul3A_643 : vector<16xf32>
        %add3A_645 = arith.constant 26 : i32
        %add3A_646 = arith.addi %mul3A_80, %add3A_645 : i32
        %get3A_647 = arith.index_cast %add3A_646 : i32 to index
        %get3A_648 = arith.constant 16 : index
        %get3A_649 = tpu.vector_load %arg10[%get3A_647, %get3A_648] {strides = array<i32>} : memref<1600x32xf32, #tpu.memory_space<vmem>>, vector<1x16xf32>,
        %get3A_650 = vector.shape_cast %get3A_649 : vector<1x16xf32> to vector<16xf32>
        %mul3A_651 = arith.mulf %get3A_636, %get3A_650 : vector<16xf32>
        %add3A_652 = arith.addf %add3A_631, %mul3A_651 : vector<16xf32>
        %get3A_653 = arith.constant 27 : i32
        %get3A_654 = arith.index_cast %get3A_653 : i32 to index
        %get3A_655 = arith.constant 0 : index
        %get3A_656 = tpu.vector_load %arg12[%get3A_654, %get3A_655] {strides = array<i32>} : memref<50x16xf32, #tpu.memory_space<vmem>>, vector<1x16xf32>,
        %get3A_657 = vector.shape_cast %get3A_656 : vector<1x16xf32> to vector<16xf32>
        %add3A_658 = arith.constant 27 : i32
        %add3A_659 = arith.addi %mul3A_80, %add3A_658 : i32
        %get3A_660 = arith.index_cast %add3A_659 : i32 to index
        %get3A_661 = arith.constant 0 : index
        %get3A_662 = tpu.vector_load %arg10[%get3A_660, %get3A_661] {strides = array<i32>} : memref<1600x32xf32, #tpu.memory_space<vmem>>, vector<1x16xf32>,
        %get3A_663 = vector.shape_cast %get3A_662 : vector<1x16xf32> to vector<16xf32>
        %mul3A_664 = arith.mulf %get3A_657, %get3A_663 : vector<16xf32>
        %add3A_665 = arith.addf %add3A_644, %mul3A_664 : vector<16xf32>
        %add3A_666 = arith.constant 27 : i32
        %add3A_667 = arith.addi %mul3A_80, %add3A_666 : i32
        %get3A_668 = arith.index_cast %add3A_667 : i32 to index
        %get3A_669 = arith.constant 16 : index
        %get3A_670 = tpu.vector_load %arg10[%get3A_668, %get3A_669] {strides = array<i32>} : memref<1600x32xf32, #tpu.memory_space<vmem>>, vector<1x16xf32>,
        %get3A_671 = vector.shape_cast %get3A_670 : vector<1x16xf32> to vector<16xf32>
        %mul3A_672 = arith.mulf %get3A_657, %get3A_671 : vector<16xf32>
        %add3A_673 = arith.addf %add3A_652, %mul3A_672 : vector<16xf32>
        %get3A_674 = arith.constant 28 : i32
        %get3A_675 = arith.index_cast %get3A_674 : i32 to index
        %get3A_676 = arith.constant 0 : index
        %get3A_677 = tpu.vector_load %arg12[%get3A_675, %get3A_676] {strides = array<i32>} : memref<50x16xf32, #tpu.memory_space<vmem>>, vector<1x16xf32>,
        %get3A_678 = vector.shape_cast %get3A_677 : vector<1x16xf32> to vector<16xf32>
        %add3A_679 = arith.constant 28 : i32
        %add3A_680 = arith.addi %mul3A_80, %add3A_679 : i32
        %get3A_681 = arith.index_cast %add3A_680 : i32 to index
        %get3A_682 = arith.constant 0 : index
        %get3A_683 = tpu.vector_load %arg10[%get3A_681, %get3A_682] {strides = array<i32>} : memref<1600x32xf32, #tpu.memory_space<vmem>>, vector<1x16xf32>,
        %get3A_684 = vector.shape_cast %get3A_683 : vector<1x16xf32> to vector<16xf32>
        %mul3A_685 = arith.mulf %get3A_678, %get3A_684 : vector<16xf32>
        %add3A_686 = arith.addf %add3A_665, %mul3A_685 : vector<16xf32>
        %add3A_687 = arith.constant 28 : i32
        %add3A_688 = arith.addi %mul3A_80, %add3A_687 : i32
        %get3A_689 = arith.index_cast %add3A_688 : i32 to index
        %get3A_690 = arith.constant 16 : index
        %get3A_691 = tpu.vector_load %arg10[%get3A_689, %get3A_690] {strides = array<i32>} : memref<1600x32xf32, #tpu.memory_space<vmem>>, vector<1x16xf32>,
        %get3A_692 = vector.shape_cast %get3A_691 : vector<1x16xf32> to vector<16xf32>
        %mul3A_693 = arith.mulf %get3A_678, %get3A_692 : vector<16xf32>
        %add3A_694 = arith.addf %add3A_673, %mul3A_693 : vector<16xf32>
        %get3A_695 = arith.constant 29 : i32
        %get3A_696 = arith.index_cast %get3A_695 : i32 to index
        %get3A_697 = arith.constant 0 : index
        %get3A_698 = tpu.vector_load %arg12[%get3A_696, %get3A_697] {strides = array<i32>} : memref<50x16xf32, #tpu.memory_space<vmem>>, vector<1x16xf32>,
        %get3A_699 = vector.shape_cast %get3A_698 : vector<1x16xf32> to vector<16xf32>
        %add3A_700 = arith.constant 29 : i32
        %add3A_701 = arith.addi %mul3A_80, %add3A_700 : i32
        %get3A_702 = arith.index_cast %add3A_701 : i32 to index
        %get3A_703 = arith.constant 0 : index
        %get3A_704 = tpu.vector_load %arg10[%get3A_702, %get3A_703] {strides = array<i32>} : memref<1600x32xf32, #tpu.memory_space<vmem>>, vector<1x16xf32>,
        %get3A_705 = vector.shape_cast %get3A_704 : vector<1x16xf32> to vector<16xf32>
        %mul3A_706 = arith.mulf %get3A_699, %get3A_705 : vector<16xf32>
        %add3A_707 = arith.addf %add3A_686, %mul3A_706 : vector<16xf32>
        %add3A_708 = arith.constant 29 : i32
        %add3A_709 = arith.addi %mul3A_80, %add3A_708 : i32
        %get3A_710 = arith.index_cast %add3A_709 : i32 to index
        %get3A_711 = arith.constant 16 : index
        %get3A_712 = tpu.vector_load %arg10[%get3A_710, %get3A_711] {strides = array<i32>} : memref<1600x32xf32, #tpu.memory_space<vmem>>, vector<1x16xf32>,
        %get3A_713 = vector.shape_cast %get3A_712 : vector<1x16xf32> to vector<16xf32>
        %mul3A_714 = arith.mulf %get3A_699, %get3A_713 : vector<16xf32>
        %add3A_715 = arith.addf %add3A_694, %mul3A_714 : vector<16xf32>
        %get3A_716 = arith.constant 30 : i32
        %get3A_717 = arith.index_cast %get3A_716 : i32 to index
        %get3A_718 = arith.constant 0 : index
        %get3A_719 = tpu.vector_load %arg12[%get3A_717, %get3A_718] {strides = array<i32>} : memref<50x16xf32, #tpu.memory_space<vmem>>, vector<1x16xf32>,
        %get3A_720 = vector.shape_cast %get3A_719 : vector<1x16xf32> to vector<16xf32>
        %add3A_721 = arith.constant 30 : i32
        %add3A_722 = arith.addi %mul3A_80, %add3A_721 : i32
        %get3A_723 = arith.index_cast %add3A_722 : i32 to index
        %get3A_724 = arith.constant 0 : index
        %get3A_725 = tpu.vector_load %arg10[%get3A_723, %get3A_724] {strides = array<i32>} : memref<1600x32xf32, #tpu.memory_space<vmem>>, vector<1x16xf32>,
        %get3A_726 = vector.shape_cast %get3A_725 : vector<1x16xf32> to vector<16xf32>
        %mul3A_727 = arith.mulf %get3A_720, %get3A_726 : vector<16xf32>
        %add3A_728 = arith.addf %add3A_707, %mul3A_727 : vector<16xf32>
        %add3A_729 = arith.constant 30 : i32
        %add3A_730 = arith.addi %mul3A_80, %add3A_729 : i32
        %get3A_731 = arith.index_cast %add3A_730 : i32 to index
        %get3A_732 = arith.constant 16 : index
        %get3A_733 = tpu.vector_load %arg10[%get3A_731, %get3A_732] {strides = array<i32>} : memref<1600x32xf32, #tpu.memory_space<vmem>>, vector<1x16xf32>,
        %get3A_734 = vector.shape_cast %get3A_733 : vector<1x16xf32> to vector<16xf32>
        %mul3A_735 = arith.mulf %get3A_720, %get3A_734 : vector<16xf32>
        %add3A_736 = arith.addf %add3A_715, %mul3A_735 : vector<16xf32>
        %get3A_737 = arith.constant 31 : i32
        %get3A_738 = arith.index_cast %get3A_737 : i32 to index
        %get3A_739 = arith.constant 0 : index
        %get3A_740 = tpu.vector_load %arg12[%get3A_738, %get3A_739] {strides = array<i32>} : memref<50x16xf32, #tpu.memory_space<vmem>>, vector<1x16xf32>,
        %get3A_741 = vector.shape_cast %get3A_740 : vector<1x16xf32> to vector<16xf32>
        %add3A_742 = arith.constant 31 : i32
        %add3A_743 = arith.addi %mul3A_80, %add3A_742 : i32
        %get3A_744 = arith.index_cast %add3A_743 : i32 to index
        %get3A_745 = arith.constant 0 : index
        %get3A_746 = tpu.vector_load %arg10[%get3A_744, %get3A_745] {strides = array<i32>} : memref<1600x32xf32, #tpu.memory_space<vmem>>, vector<1x16xf32>,
        %get3A_747 = vector.shape_cast %get3A_746 : vector<1x16xf32> to vector<16xf32>
        %mul3A_748 = arith.mulf %get3A_741, %get3A_747 : vector<16xf32>
        %add3A_749 = arith.addf %add3A_728, %mul3A_748 : vector<16xf32>
        %add3A_750 = arith.constant 31 : i32
        %add3A_751 = arith.addi %mul3A_80, %add3A_750 : i32
        %get3A_752 = arith.index_cast %add3A_751 : i32 to index
        %get3A_753 = arith.constant 16 : index
        %get3A_754 = tpu.vector_load %arg10[%get3A_752, %get3A_753] {strides = array<i32>} : memref<1600x32xf32, #tpu.memory_space<vmem>>, vector<1x16xf32>,
        %get3A_755 = vector.shape_cast %get3A_754 : vector<1x16xf32> to vector<16xf32>
        %mul3A_756 = arith.mulf %get3A_741, %get3A_755 : vector<16xf32>
        %add3A_757 = arith.addf %add3A_736, %mul3A_756 : vector<16xf32>
        %get3A_758 = arith.constant 32 : i32
        %get3A_759 = arith.index_cast %get3A_758 : i32 to index
        %get3A_760 = arith.constant 0 : index
        %get3A_761 = tpu.vector_load %arg12[%get3A_759, %get3A_760] {strides = array<i32>} : memref<50x16xf32, #tpu.memory_space<vmem>>, vector<1x16xf32>,
        %get3A_762 = vector.shape_cast %get3A_761 : vector<1x16xf32> to vector<16xf32>
        %add3A_763 = arith.constant 32 : i32
        %add3A_764 = arith.addi %mul3A_80, %add3A_763 : i32
        %get3A_765 = arith.index_cast %add3A_764 : i32 to index
        %get3A_766 = arith.constant 0 : index
        %get3A_767 = tpu.vector_load %arg10[%get3A_765, %get3A_766] {strides = array<i32>} : memref<1600x32xf32, #tpu.memory_space<vmem>>, vector<1x16xf32>,
        %get3A_768 = vector.shape_cast %get3A_767 : vector<1x16xf32> to vector<16xf32>
        %mul3A_769 = arith.mulf %get3A_762, %get3A_768 : vector<16xf32>
        %add3A_770 = arith.addf %add3A_749, %mul3A_769 : vector<16xf32>
        %add3A_771 = arith.constant 32 : i32
        %add3A_772 = arith.addi %mul3A_80, %add3A_771 : i32
        %get3A_773 = arith.index_cast %add3A_772 : i32 to index
        %get3A_774 = arith.constant 16 : index
        %get3A_775 = tpu.vector_load %arg10[%get3A_773, %get3A_774] {strides = array<i32>} : memref<1600x32xf32, #tpu.memory_space<vmem>>, vector<1x16xf32>,
        %get3A_776 = vector.shape_cast %get3A_775 : vector<1x16xf32> to vector<16xf32>
        %mul3A_777 = arith.mulf %get3A_762, %get3A_776 : vector<16xf32>
        %add3A_778 = arith.addf %add3A_757, %mul3A_777 : vector<16xf32>
        %get3A_779 = arith.constant 33 : i32
        %get3A_780 = arith.index_cast %get3A_779 : i32 to index
        %get3A_781 = arith.constant 0 : index
        %get3A_782 = tpu.vector_load %arg12[%get3A_780, %get3A_781] {strides = array<i32>} : memref<50x16xf32, #tpu.memory_space<vmem>>, vector<1x16xf32>,
        %get3A_783 = vector.shape_cast %get3A_782 : vector<1x16xf32> to vector<16xf32>
        %add3A_784 = arith.constant 33 : i32
        %add3A_785 = arith.addi %mul3A_80, %add3A_784 : i32
        %get3A_786 = arith.index_cast %add3A_785 : i32 to index
        %get3A_787 = arith.constant 0 : index
        %get3A_788 = tpu.vector_load %arg10[%get3A_786, %get3A_787] {strides = array<i32>} : memref<1600x32xf32, #tpu.memory_space<vmem>>, vector<1x16xf32>,
        %get3A_789 = vector.shape_cast %get3A_788 : vector<1x16xf32> to vector<16xf32>
        %mul3A_790 = arith.mulf %get3A_783, %get3A_789 : vector<16xf32>
        %add3A_791 = arith.addf %add3A_770, %mul3A_790 : vector<16xf32>
        %add3A_792 = arith.constant 33 : i32
        %add3A_793 = arith.addi %mul3A_80, %add3A_792 : i32
        %get3A_794 = arith.index_cast %add3A_793 : i32 to index
        %get3A_795 = arith.constant 16 : index
        %get3A_796 = tpu.vector_load %arg10[%get3A_794, %get3A_795] {strides = array<i32>} : memref<1600x32xf32, #tpu.memory_space<vmem>>, vector<1x16xf32>,
        %get3A_797 = vector.shape_cast %get3A_796 : vector<1x16xf32> to vector<16xf32>
        %mul3A_798 = arith.mulf %get3A_783, %get3A_797 : vector<16xf32>
        %add3A_799 = arith.addf %add3A_778, %mul3A_798 : vector<16xf32>
        %get3A_800 = arith.constant 34 : i32
        %get3A_801 = arith.index_cast %get3A_800 : i32 to index
        %get3A_802 = arith.constant 0 : index
        %get3A_803 = tpu.vector_load %arg12[%get3A_801, %get3A_802] {strides = array<i32>} : memref<50x16xf32, #tpu.memory_space<vmem>>, vector<1x16xf32>,
        %get3A_804 = vector.shape_cast %get3A_803 : vector<1x16xf32> to vector<16xf32>
        %add3A_805 = arith.constant 34 : i32
        %add3A_806 = arith.addi %mul3A_80, %add3A_805 : i32
        %get3A_807 = arith.index_cast %add3A_806 : i32 to index
        %get3A_808 = arith.constant 0 : index
        %get3A_809 = tpu.vector_load %arg10[%get3A_807, %get3A_808] {strides = array<i32>} : memref<1600x32xf32, #tpu.memory_space<vmem>>, vector<1x16xf32>,
        %get3A_810 = vector.shape_cast %get3A_809 : vector<1x16xf32> to vector<16xf32>
        %mul3A_811 = arith.mulf %get3A_804, %get3A_810 : vector<16xf32>
        %add3A_812 = arith.addf %add3A_791, %mul3A_811 : vector<16xf32>
        %add3A_813 = arith.constant 34 : i32
        %add3A_814 = arith.addi %mul3A_80, %add3A_813 : i32
        %get3A_815 = arith.index_cast %add3A_814 : i32 to index
        %get3A_816 = arith.constant 16 : index
        %get3A_817 = tpu.vector_load %arg10[%get3A_815, %get3A_816] {strides = array<i32>} : memref<1600x32xf32, #tpu.memory_space<vmem>>, vector<1x16xf32>,
        %get3A_818 = vector.shape_cast %get3A_817 : vector<1x16xf32> to vector<16xf32>
        %mul3A_819 = arith.mulf %get3A_804, %get3A_818 : vector<16xf32>
        %add3A_820 = arith.addf %add3A_799, %mul3A_819 : vector<16xf32>
        %get3A_821 = arith.constant 35 : i32
        %get3A_822 = arith.index_cast %get3A_821 : i32 to index
        %get3A_823 = arith.constant 0 : index
        %get3A_824 = tpu.vector_load %arg12[%get3A_822, %get3A_823] {strides = array<i32>} : memref<50x16xf32, #tpu.memory_space<vmem>>, vector<1x16xf32>,
        %get3A_825 = vector.shape_cast %get3A_824 : vector<1x16xf32> to vector<16xf32>
        %add3A_826 = arith.constant 35 : i32
        %add3A_827 = arith.addi %mul3A_80, %add3A_826 : i32
        %get3A_828 = arith.index_cast %add3A_827 : i32 to index
        %get3A_829 = arith.constant 0 : index
        %get3A_830 = tpu.vector_load %arg10[%get3A_828, %get3A_829] {strides = array<i32>} : memref<1600x32xf32, #tpu.memory_space<vmem>>, vector<1x16xf32>,
        %get3A_831 = vector.shape_cast %get3A_830 : vector<1x16xf32> to vector<16xf32>
        %mul3A_832 = arith.mulf %get3A_825, %get3A_831 : vector<16xf32>
        %add3A_833 = arith.addf %add3A_812, %mul3A_832 : vector<16xf32>
        %add3A_834 = arith.constant 35 : i32
        %add3A_835 = arith.addi %mul3A_80, %add3A_834 : i32
        %get3A_836 = arith.index_cast %add3A_835 : i32 to index
        %get3A_837 = arith.constant 16 : index
        %get3A_838 = tpu.vector_load %arg10[%get3A_836, %get3A_837] {strides = array<i32>} : memref<1600x32xf32, #tpu.memory_space<vmem>>, vector<1x16xf32>,
        %get3A_839 = vector.shape_cast %get3A_838 : vector<1x16xf32> to vector<16xf32>
        %mul3A_840 = arith.mulf %get3A_825, %get3A_839 : vector<16xf32>
        %add3A_841 = arith.addf %add3A_820, %mul3A_840 : vector<16xf32>
        %get3A_842 = arith.constant 36 : i32
        %get3A_843 = arith.index_cast %get3A_842 : i32 to index
        %get3A_844 = arith.constant 0 : index
        %get3A_845 = tpu.vector_load %arg12[%get3A_843, %get3A_844] {strides = array<i32>} : memref<50x16xf32, #tpu.memory_space<vmem>>, vector<1x16xf32>,
        %get3A_846 = vector.shape_cast %get3A_845 : vector<1x16xf32> to vector<16xf32>
        %add3A_847 = arith.constant 36 : i32
        %add3A_848 = arith.addi %mul3A_80, %add3A_847 : i32
        %get3A_849 = arith.index_cast %add3A_848 : i32 to index
        %get3A_850 = arith.constant 0 : index
        %get3A_851 = tpu.vector_load %arg10[%get3A_849, %get3A_850] {strides = array<i32>} : memref<1600x32xf32, #tpu.memory_space<vmem>>, vector<1x16xf32>,
        %get3A_852 = vector.shape_cast %get3A_851 : vector<1x16xf32> to vector<16xf32>
        %mul3A_853 = arith.mulf %get3A_846, %get3A_852 : vector<16xf32>
        %add3A_854 = arith.addf %add3A_833, %mul3A_853 : vector<16xf32>
        %add3A_855 = arith.constant 36 : i32
        %add3A_856 = arith.addi %mul3A_80, %add3A_855 : i32
        %get3A_857 = arith.index_cast %add3A_856 : i32 to index
        %get3A_858 = arith.constant 16 : index
        %get3A_859 = tpu.vector_load %arg10[%get3A_857, %get3A_858] {strides = array<i32>} : memref<1600x32xf32, #tpu.memory_space<vmem>>, vector<1x16xf32>,
        %get3A_860 = vector.shape_cast %get3A_859 : vector<1x16xf32> to vector<16xf32>
        %mul3A_861 = arith.mulf %get3A_846, %get3A_860 : vector<16xf32>
        %add3A_862 = arith.addf %add3A_841, %mul3A_861 : vector<16xf32>
        %get3A_863 = arith.constant 37 : i32
        %get3A_864 = arith.index_cast %get3A_863 : i32 to index
        %get3A_865 = arith.constant 0 : index
        %get3A_866 = tpu.vector_load %arg12[%get3A_864, %get3A_865] {strides = array<i32>} : memref<50x16xf32, #tpu.memory_space<vmem>>, vector<1x16xf32>,
        %get3A_867 = vector.shape_cast %get3A_866 : vector<1x16xf32> to vector<16xf32>
        %add3A_868 = arith.constant 37 : i32
        %add3A_869 = arith.addi %mul3A_80, %add3A_868 : i32
        %get3A_870 = arith.index_cast %add3A_869 : i32 to index
        %get3A_871 = arith.constant 0 : index
        %get3A_872 = tpu.vector_load %arg10[%get3A_870, %get3A_871] {strides = array<i32>} : memref<1600x32xf32, #tpu.memory_space<vmem>>, vector<1x16xf32>,
        %get3A_873 = vector.shape_cast %get3A_872 : vector<1x16xf32> to vector<16xf32>
        %mul3A_874 = arith.mulf %get3A_867, %get3A_873 : vector<16xf32>
        %add3A_875 = arith.addf %add3A_854, %mul3A_874 : vector<16xf32>
        %add3A_876 = arith.constant 37 : i32
        %add3A_877 = arith.addi %mul3A_80, %add3A_876 : i32
        %get3A_878 = arith.index_cast %add3A_877 : i32 to index
        %get3A_879 = arith.constant 16 : index
        %get3A_880 = tpu.vector_load %arg10[%get3A_878, %get3A_879] {strides = array<i32>} : memref<1600x32xf32, #tpu.memory_space<vmem>>, vector<1x16xf32>,
        %get3A_881 = vector.shape_cast %get3A_880 : vector<1x16xf32> to vector<16xf32>
        %mul3A_882 = arith.mulf %get3A_867, %get3A_881 : vector<16xf32>
        %add3A_883 = arith.addf %add3A_862, %mul3A_882 : vector<16xf32>
        %get3A_884 = arith.constant 38 : i32
        %get3A_885 = arith.index_cast %get3A_884 : i32 to index
        %get3A_886 = arith.constant 0 : index
        %get3A_887 = tpu.vector_load %arg12[%get3A_885, %get3A_886] {strides = array<i32>} : memref<50x16xf32, #tpu.memory_space<vmem>>, vector<1x16xf32>,
        %get3A_888 = vector.shape_cast %get3A_887 : vector<1x16xf32> to vector<16xf32>
        %add3A_889 = arith.constant 38 : i32
        %add3A_890 = arith.addi %mul3A_80, %add3A_889 : i32
        %get3A_891 = arith.index_cast %add3A_890 : i32 to index
        %get3A_892 = arith.constant 0 : index
        %get3A_893 = tpu.vector_load %arg10[%get3A_891, %get3A_892] {strides = array<i32>} : memref<1600x32xf32, #tpu.memory_space<vmem>>, vector<1x16xf32>,
        %get3A_894 = vector.shape_cast %get3A_893 : vector<1x16xf32> to vector<16xf32>
        %mul3A_895 = arith.mulf %get3A_888, %get3A_894 : vector<16xf32>
        %add3A_896 = arith.addf %add3A_875, %mul3A_895 : vector<16xf32>
        %add3A_897 = arith.constant 38 : i32
        %add3A_898 = arith.addi %mul3A_80, %add3A_897 : i32
        %get3A_899 = arith.index_cast %add3A_898 : i32 to index
        %get3A_900 = arith.constant 16 : index
        %get3A_901 = tpu.vector_load %arg10[%get3A_899, %get3A_900] {strides = array<i32>} : memref<1600x32xf32, #tpu.memory_space<vmem>>, vector<1x16xf32>,
        %get3A_902 = vector.shape_cast %get3A_901 : vector<1x16xf32> to vector<16xf32>
        %mul3A_903 = arith.mulf %get3A_888, %get3A_902 : vector<16xf32>
        %add3A_904 = arith.addf %add3A_883, %mul3A_903 : vector<16xf32>
        %get3A_905 = arith.constant 39 : i32
        %get3A_906 = arith.index_cast %get3A_905 : i32 to index
        %get3A_907 = arith.constant 0 : index
        %get3A_908 = tpu.vector_load %arg12[%get3A_906, %get3A_907] {strides = array<i32>} : memref<50x16xf32, #tpu.memory_space<vmem>>, vector<1x16xf32>,
        %get3A_909 = vector.shape_cast %get3A_908 : vector<1x16xf32> to vector<16xf32>
        %add3A_910 = arith.constant 39 : i32
        %add3A_911 = arith.addi %mul3A_80, %add3A_910 : i32
        %get3A_912 = arith.index_cast %add3A_911 : i32 to index
        %get3A_913 = arith.constant 0 : index
        %get3A_914 = tpu.vector_load %arg10[%get3A_912, %get3A_913] {strides = array<i32>} : memref<1600x32xf32, #tpu.memory_space<vmem>>, vector<1x16xf32>,
        %get3A_915 = vector.shape_cast %get3A_914 : vector<1x16xf32> to vector<16xf32>
        %mul3A_916 = arith.mulf %get3A_909, %get3A_915 : vector<16xf32>
        %add3A_917 = arith.addf %add3A_896, %mul3A_916 : vector<16xf32>
        %add3A_918 = arith.constant 39 : i32
        %add3A_919 = arith.addi %mul3A_80, %add3A_918 : i32
        %get3A_920 = arith.index_cast %add3A_919 : i32 to index
        %get3A_921 = arith.constant 16 : index
        %get3A_922 = tpu.vector_load %arg10[%get3A_920, %get3A_921] {strides = array<i32>} : memref<1600x32xf32, #tpu.memory_space<vmem>>, vector<1x16xf32>,
        %get3A_923 = vector.shape_cast %get3A_922 : vector<1x16xf32> to vector<16xf32>
        %mul3A_924 = arith.mulf %get3A_909, %get3A_923 : vector<16xf32>
        %add3A_925 = arith.addf %add3A_904, %mul3A_924 : vector<16xf32>
        %get3A_926 = arith.constant 40 : i32
        %get3A_927 = arith.index_cast %get3A_926 : i32 to index
        %get3A_928 = arith.constant 0 : index
        %get3A_929 = tpu.vector_load %arg12[%get3A_927, %get3A_928] {strides = array<i32>} : memref<50x16xf32, #tpu.memory_space<vmem>>, vector<1x16xf32>,
        %get3A_930 = vector.shape_cast %get3A_929 : vector<1x16xf32> to vector<16xf32>
        %add3A_931 = arith.constant 40 : i32
        %add3A_932 = arith.addi %mul3A_80, %add3A_931 : i32
        %get3A_933 = arith.index_cast %add3A_932 : i32 to index
        %get3A_934 = arith.constant 0 : index
        %get3A_935 = tpu.vector_load %arg10[%get3A_933, %get3A_934] {strides = array<i32>} : memref<1600x32xf32, #tpu.memory_space<vmem>>, vector<1x16xf32>,
        %get3A_936 = vector.shape_cast %get3A_935 : vector<1x16xf32> to vector<16xf32>
        %mul3A_937 = arith.mulf %get3A_930, %get3A_936 : vector<16xf32>
        %add3A_938 = arith.addf %add3A_917, %mul3A_937 : vector<16xf32>
        %add3A_939 = arith.constant 40 : i32
        %add3A_940 = arith.addi %mul3A_80, %add3A_939 : i32
        %get3A_941 = arith.index_cast %add3A_940 : i32 to index
        %get3A_942 = arith.constant 16 : index
        %get3A_943 = tpu.vector_load %arg10[%get3A_941, %get3A_942] {strides = array<i32>} : memref<1600x32xf32, #tpu.memory_space<vmem>>, vector<1x16xf32>,
        %get3A_944 = vector.shape_cast %get3A_943 : vector<1x16xf32> to vector<16xf32>
        %mul3A_945 = arith.mulf %get3A_930, %get3A_944 : vector<16xf32>
        %add3A_946 = arith.addf %add3A_925, %mul3A_945 : vector<16xf32>
        %get3A_947 = arith.constant 41 : i32
        %get3A_948 = arith.index_cast %get3A_947 : i32 to index
        %get3A_949 = arith.constant 0 : index
        %get3A_950 = tpu.vector_load %arg12[%get3A_948, %get3A_949] {strides = array<i32>} : memref<50x16xf32, #tpu.memory_space<vmem>>, vector<1x16xf32>,
        %get3A_951 = vector.shape_cast %get3A_950 : vector<1x16xf32> to vector<16xf32>
        %add3A_952 = arith.constant 41 : i32
        %add3A_953 = arith.addi %mul3A_80, %add3A_952 : i32
        %get3A_954 = arith.index_cast %add3A_953 : i32 to index
        %get3A_955 = arith.constant 0 : index
        %get3A_956 = tpu.vector_load %arg10[%get3A_954, %get3A_955] {strides = array<i32>} : memref<1600x32xf32, #tpu.memory_space<vmem>>, vector<1x16xf32>,
        %get3A_957 = vector.shape_cast %get3A_956 : vector<1x16xf32> to vector<16xf32>
        %mul3A_958 = arith.mulf %get3A_951, %get3A_957 : vector<16xf32>
        %add3A_959 = arith.addf %add3A_938, %mul3A_958 : vector<16xf32>
        %add3A_960 = arith.constant 41 : i32
        %add3A_961 = arith.addi %mul3A_80, %add3A_960 : i32
        %get3A_962 = arith.index_cast %add3A_961 : i32 to index
        %get3A_963 = arith.constant 16 : index
        %get3A_964 = tpu.vector_load %arg10[%get3A_962, %get3A_963] {strides = array<i32>} : memref<1600x32xf32, #tpu.memory_space<vmem>>, vector<1x16xf32>,
        %get3A_965 = vector.shape_cast %get3A_964 : vector<1x16xf32> to vector<16xf32>
        %mul3A_966 = arith.mulf %get3A_951, %get3A_965 : vector<16xf32>
        %add3A_967 = arith.addf %add3A_946, %mul3A_966 : vector<16xf32>
        %get3A_968 = arith.constant 42 : i32
        %get3A_969 = arith.index_cast %get3A_968 : i32 to index
        %get3A_970 = arith.constant 0 : index
        %get3A_971 = tpu.vector_load %arg12[%get3A_969, %get3A_970] {strides = array<i32>} : memref<50x16xf32, #tpu.memory_space<vmem>>, vector<1x16xf32>,
        %get3A_972 = vector.shape_cast %get3A_971 : vector<1x16xf32> to vector<16xf32>
        %add3A_973 = arith.constant 42 : i32
        %add3A_974 = arith.addi %mul3A_80, %add3A_973 : i32
        %get3A_975 = arith.index_cast %add3A_974 : i32 to index
        %get3A_976 = arith.constant 0 : index
        %get3A_977 = tpu.vector_load %arg10[%get3A_975, %get3A_976] {strides = array<i32>} : memref<1600x32xf32, #tpu.memory_space<vmem>>, vector<1x16xf32>,
        %get3A_978 = vector.shape_cast %get3A_977 : vector<1x16xf32> to vector<16xf32>
        %mul3A_979 = arith.mulf %get3A_972, %get3A_978 : vector<16xf32>
        %add3A_980 = arith.addf %add3A_959, %mul3A_979 : vector<16xf32>
        %add3A_981 = arith.constant 42 : i32
        %add3A_982 = arith.addi %mul3A_80, %add3A_981 : i32
        %get3A_983 = arith.index_cast %add3A_982 : i32 to index
        %get3A_984 = arith.constant 16 : index
        %get3A_985 = tpu.vector_load %arg10[%get3A_983, %get3A_984] {strides = array<i32>} : memref<1600x32xf32, #tpu.memory_space<vmem>>, vector<1x16xf32>,
        %get3A_986 = vector.shape_cast %get3A_985 : vector<1x16xf32> to vector<16xf32>
        %mul3A_987 = arith.mulf %get3A_972, %get3A_986 : vector<16xf32>
        %add3A_988 = arith.addf %add3A_967, %mul3A_987 : vector<16xf32>
        %get3A_989 = arith.constant 43 : i32
        %get3A_990 = arith.index_cast %get3A_989 : i32 to index
        %get3A_991 = arith.constant 0 : index
        %get3A_992 = tpu.vector_load %arg12[%get3A_990, %get3A_991] {strides = array<i32>} : memref<50x16xf32, #tpu.memory_space<vmem>>, vector<1x16xf32>,
        %get3A_993 = vector.shape_cast %get3A_992 : vector<1x16xf32> to vector<16xf32>
        %add3A_994 = arith.constant 43 : i32
        %add3A_995 = arith.addi %mul3A_80, %add3A_994 : i32
        %get3A_996 = arith.index_cast %add3A_995 : i32 to index
        %get3A_997 = arith.constant 0 : index
        %get3A_998 = tpu.vector_load %arg10[%get3A_996, %get3A_997] {strides = array<i32>} : memref<1600x32xf32, #tpu.memory_space<vmem>>, vector<1x16xf32>,
        %get3A_999 = vector.shape_cast %get3A_998 : vector<1x16xf32> to vector<16xf32>
        %mul3A_1000 = arith.mulf %get3A_993, %get3A_999 : vector<16xf32>
        %add3A_1001 = arith.addf %add3A_980, %mul3A_1000 : vector<16xf32>
        %add3A_1002 = arith.constant 43 : i32
        %add3A_1003 = arith.addi %mul3A_80, %add3A_1002 : i32
        %get3A_1004 = arith.index_cast %add3A_1003 : i32 to index
        %get3A_1005 = arith.constant 16 : index
        %get3A_1006 = tpu.vector_load %arg10[%get3A_1004, %get3A_1005] {strides = array<i32>} : memref<1600x32xf32, #tpu.memory_space<vmem>>, vector<1x16xf32>,
        %get3A_1007 = vector.shape_cast %get3A_1006 : vector<1x16xf32> to vector<16xf32>
        %mul3A_1008 = arith.mulf %get3A_993, %get3A_1007 : vector<16xf32>
        %add3A_1009 = arith.addf %add3A_988, %mul3A_1008 : vector<16xf32>
        %get3A_1010 = arith.constant 44 : i32
        %get3A_1011 = arith.index_cast %get3A_1010 : i32 to index
        %get3A_1012 = arith.constant 0 : index
        %get3A_1013 = tpu.vector_load %arg12[%get3A_1011, %get3A_1012] {strides = array<i32>} : memref<50x16xf32, #tpu.memory_space<vmem>>, vector<1x16xf32>,
        %get3A_1014 = vector.shape_cast %get3A_1013 : vector<1x16xf32> to vector<16xf32>
        %add3A_1015 = arith.constant 44 : i32
        %add3A_1016 = arith.addi %mul3A_80, %add3A_1015 : i32
        %get3A_1017 = arith.index_cast %add3A_1016 : i32 to index
        %get3A_1018 = arith.constant 0 : index
        %get3A_1019 = tpu.vector_load %arg10[%get3A_1017, %get3A_1018] {strides = array<i32>} : memref<1600x32xf32, #tpu.memory_space<vmem>>, vector<1x16xf32>,
        %get3A_1020 = vector.shape_cast %get3A_1019 : vector<1x16xf32> to vector<16xf32>
        %mul3A_1021 = arith.mulf %get3A_1014, %get3A_1020 : vector<16xf32>
        %add3A_1022 = arith.addf %add3A_1001, %mul3A_1021 : vector<16xf32>
        %add3A_1023 = arith.constant 44 : i32
        %add3A_1024 = arith.addi %mul3A_80, %add3A_1023 : i32
        %get3A_1025 = arith.index_cast %add3A_1024 : i32 to index
        %get3A_1026 = arith.constant 16 : index
        %get3A_1027 = tpu.vector_load %arg10[%get3A_1025, %get3A_1026] {strides = array<i32>} : memref<1600x32xf32, #tpu.memory_space<vmem>>, vector<1x16xf32>,
        %get3A_1028 = vector.shape_cast %get3A_1027 : vector<1x16xf32> to vector<16xf32>
        %mul3A_1029 = arith.mulf %get3A_1014, %get3A_1028 : vector<16xf32>
        %add3A_1030 = arith.addf %add3A_1009, %mul3A_1029 : vector<16xf32>
        %get3A_1031 = arith.constant 45 : i32
        %get3A_1032 = arith.index_cast %get3A_1031 : i32 to index
        %get3A_1033 = arith.constant 0 : index
        %get3A_1034 = tpu.vector_load %arg12[%get3A_1032, %get3A_1033] {strides = array<i32>} : memref<50x16xf32, #tpu.memory_space<vmem>>, vector<1x16xf32>,
        %get3A_1035 = vector.shape_cast %get3A_1034 : vector<1x16xf32> to vector<16xf32>
        %add3A_1036 = arith.constant 45 : i32
        %add3A_1037 = arith.addi %mul3A_80, %add3A_1036 : i32
        %get3A_1038 = arith.index_cast %add3A_1037 : i32 to index
        %get3A_1039 = arith.constant 0 : index
        %get3A_1040 = tpu.vector_load %arg10[%get3A_1038, %get3A_1039] {strides = array<i32>} : memref<1600x32xf32, #tpu.memory_space<vmem>>, vector<1x16xf32>,
        %get3A_1041 = vector.shape_cast %get3A_1040 : vector<1x16xf32> to vector<16xf32>
        %mul3A_1042 = arith.mulf %get3A_1035, %get3A_1041 : vector<16xf32>
        %add3A_1043 = arith.addf %add3A_1022, %mul3A_1042 : vector<16xf32>
        %add3A_1044 = arith.constant 45 : i32
        %add3A_1045 = arith.addi %mul3A_80, %add3A_1044 : i32
        %get3A_1046 = arith.index_cast %add3A_1045 : i32 to index
        %get3A_1047 = arith.constant 16 : index
        %get3A_1048 = tpu.vector_load %arg10[%get3A_1046, %get3A_1047] {strides = array<i32>} : memref<1600x32xf32, #tpu.memory_space<vmem>>, vector<1x16xf32>,
        %get3A_1049 = vector.shape_cast %get3A_1048 : vector<1x16xf32> to vector<16xf32>
        %mul3A_1050 = arith.mulf %get3A_1035, %get3A_1049 : vector<16xf32>
        %add3A_1051 = arith.addf %add3A_1030, %mul3A_1050 : vector<16xf32>
        %get3A_1052 = arith.constant 46 : i32
        %get3A_1053 = arith.index_cast %get3A_1052 : i32 to index
        %get3A_1054 = arith.constant 0 : index
        %get3A_1055 = tpu.vector_load %arg12[%get3A_1053, %get3A_1054] {strides = array<i32>} : memref<50x16xf32, #tpu.memory_space<vmem>>, vector<1x16xf32>,
        %get3A_1056 = vector.shape_cast %get3A_1055 : vector<1x16xf32> to vector<16xf32>
        %add3A_1057 = arith.constant 46 : i32
        %add3A_1058 = arith.addi %mul3A_80, %add3A_1057 : i32
        %get3A_1059 = arith.index_cast %add3A_1058 : i32 to index
        %get3A_1060 = arith.constant 0 : index
        %get3A_1061 = tpu.vector_load %arg10[%get3A_1059, %get3A_1060] {strides = array<i32>} : memref<1600x32xf32, #tpu.memory_space<vmem>>, vector<1x16xf32>,
        %get3A_1062 = vector.shape_cast %get3A_1061 : vector<1x16xf32> to vector<16xf32>
        %mul3A_1063 = arith.mulf %get3A_1056, %get3A_1062 : vector<16xf32>
        %add3A_1064 = arith.addf %add3A_1043, %mul3A_1063 : vector<16xf32>
        %add3A_1065 = arith.constant 46 : i32
        %add3A_1066 = arith.addi %mul3A_80, %add3A_1065 : i32
        %get3A_1067 = arith.index_cast %add3A_1066 : i32 to index
        %get3A_1068 = arith.constant 16 : index
        %get3A_1069 = tpu.vector_load %arg10[%get3A_1067, %get3A_1068] {strides = array<i32>} : memref<1600x32xf32, #tpu.memory_space<vmem>>, vector<1x16xf32>,
        %get3A_1070 = vector.shape_cast %get3A_1069 : vector<1x16xf32> to vector<16xf32>
        %mul3A_1071 = arith.mulf %get3A_1056, %get3A_1070 : vector<16xf32>
        %add3A_1072 = arith.addf %add3A_1051, %mul3A_1071 : vector<16xf32>
        %get3A_1073 = arith.constant 47 : i32
        %get3A_1074 = arith.index_cast %get3A_1073 : i32 to index
        %get3A_1075 = arith.constant 0 : index
        %get3A_1076 = tpu.vector_load %arg12[%get3A_1074, %get3A_1075] {strides = array<i32>} : memref<50x16xf32, #tpu.memory_space<vmem>>, vector<1x16xf32>,
        %get3A_1077 = vector.shape_cast %get3A_1076 : vector<1x16xf32> to vector<16xf32>
        %add3A_1078 = arith.constant 47 : i32
        %add3A_1079 = arith.addi %mul3A_80, %add3A_1078 : i32
        %get3A_1080 = arith.index_cast %add3A_1079 : i32 to index
        %get3A_1081 = arith.constant 0 : index
        %get3A_1082 = tpu.vector_load %arg10[%get3A_1080, %get3A_1081] {strides = array<i32>} : memref<1600x32xf32, #tpu.memory_space<vmem>>, vector<1x16xf32>,
        %get3A_1083 = vector.shape_cast %get3A_1082 : vector<1x16xf32> to vector<16xf32>
        %mul3A_1084 = arith.mulf %get3A_1077, %get3A_1083 : vector<16xf32>
        %add3A_1085 = arith.addf %add3A_1064, %mul3A_1084 : vector<16xf32>
        %add3A_1086 = arith.constant 47 : i32
        %add3A_1087 = arith.addi %mul3A_80, %add3A_1086 : i32
        %get3A_1088 = arith.index_cast %add3A_1087 : i32 to index
        %get3A_1089 = arith.constant 16 : index
        %get3A_1090 = tpu.vector_load %arg10[%get3A_1088, %get3A_1089] {strides = array<i32>} : memref<1600x32xf32, #tpu.memory_space<vmem>>, vector<1x16xf32>,
        %get3A_1091 = vector.shape_cast %get3A_1090 : vector<1x16xf32> to vector<16xf32>
        %mul3A_1092 = arith.mulf %get3A_1077, %get3A_1091 : vector<16xf32>
        %add3A_1093 = arith.addf %add3A_1072, %mul3A_1092 : vector<16xf32>
        %get3A_1094 = arith.constant 48 : i32
        %get3A_1095 = arith.index_cast %get3A_1094 : i32 to index
        %get3A_1096 = arith.constant 0 : index
        %get3A_1097 = tpu.vector_load %arg12[%get3A_1095, %get3A_1096] {strides = array<i32>} : memref<50x16xf32, #tpu.memory_space<vmem>>, vector<1x16xf32>,
        %get3A_1098 = vector.shape_cast %get3A_1097 : vector<1x16xf32> to vector<16xf32>
        %add3A_1099 = arith.constant 48 : i32
        %add3A_1100 = arith.addi %mul3A_80, %add3A_1099 : i32
        %get3A_1101 = arith.index_cast %add3A_1100 : i32 to index
        %get3A_1102 = arith.constant 0 : index
        %get3A_1103 = tpu.vector_load %arg10[%get3A_1101, %get3A_1102] {strides = array<i32>} : memref<1600x32xf32, #tpu.memory_space<vmem>>, vector<1x16xf32>,
        %get3A_1104 = vector.shape_cast %get3A_1103 : vector<1x16xf32> to vector<16xf32>
        %mul3A_1105 = arith.mulf %get3A_1098, %get3A_1104 : vector<16xf32>
        %add3A_1106 = arith.addf %add3A_1085, %mul3A_1105 : vector<16xf32>
        %add3A_1107 = arith.constant 48 : i32
        %add3A_1108 = arith.addi %mul3A_80, %add3A_1107 : i32
        %get3A_1109 = arith.index_cast %add3A_1108 : i32 to index
        %get3A_1110 = arith.constant 16 : index
        %get3A_1111 = tpu.vector_load %arg10[%get3A_1109, %get3A_1110] {strides = array<i32>} : memref<1600x32xf32, #tpu.memory_space<vmem>>, vector<1x16xf32>,
        %get3A_1112 = vector.shape_cast %get3A_1111 : vector<1x16xf32> to vector<16xf32>
        %mul3A_1113 = arith.mulf %get3A_1098, %get3A_1112 : vector<16xf32>
        %add3A_1114 = arith.addf %add3A_1093, %mul3A_1113 : vector<16xf32>
        %get3A_1115 = arith.constant 49 : i32
        %get3A_1116 = arith.index_cast %get3A_1115 : i32 to index
        %get3A_1117 = arith.constant 0 : index
        %get3A_1118 = tpu.vector_load %arg12[%get3A_1116, %get3A_1117] {strides = array<i32>} : memref<50x16xf32, #tpu.memory_space<vmem>>, vector<1x16xf32>,
        %get3A_1119 = vector.shape_cast %get3A_1118 : vector<1x16xf32> to vector<16xf32>
        %add3A_1120 = arith.constant 49 : i32
        %add3A_1121 = arith.addi %mul3A_80, %add3A_1120 : i32
        %get3A_1122 = arith.index_cast %add3A_1121 : i32 to index
        %get3A_1123 = arith.constant 0 : index
        %get3A_1124 = tpu.vector_load %arg10[%get3A_1122, %get3A_1123] {strides = array<i32>} : memref<1600x32xf32, #tpu.memory_space<vmem>>, vector<1x16xf32>,
        %get3A_1125 = vector.shape_cast %get3A_1124 : vector<1x16xf32> to vector<16xf32>
        %mul3A_1126 = arith.mulf %get3A_1119, %get3A_1125 : vector<16xf32>
        %add3A_1127 = arith.addf %add3A_1106, %mul3A_1126 : vector<16xf32>
        %add3A_1128 = arith.constant 49 : i32
        %add3A_1129 = arith.addi %mul3A_80, %add3A_1128 : i32
        %get3A_1130 = arith.index_cast %add3A_1129 : i32 to index
        %get3A_1131 = arith.constant 16 : index
        %get3A_1132 = tpu.vector_load %arg10[%get3A_1130, %get3A_1131] {strides = array<i32>} : memref<1600x32xf32, #tpu.memory_space<vmem>>, vector<1x16xf32>,
        %get3A_1133 = vector.shape_cast %get3A_1132 : vector<1x16xf32> to vector<16xf32>
        %mul3A_1134 = arith.mulf %get3A_1119, %get3A_1133 : vector<16xf32>
        %add3A_1135 = arith.addf %add3A_1114, %mul3A_1134 : vector<16xf32>
        %max3A = arith.constant 0.000000e+00 : f32
        %max3A_1136 = vector.broadcast %max3A : f32 to vector<16xf32>
        %max3A_1137 = arith.maximumf %add3A_1127, %max3A_1136 : vector<16xf32>
        %swap3A = arith.index_cast %scan3A_78 : i32 to index
        %swap3A_1138 = arith.constant 0 : index
        %swap3A_1139 = tpu.vector_load %arg11[%swap3A, %swap3A_1138] {strides = array<i32>} : memref<32x32xf32, #tpu.memory_space<vmem>>, vector<1x16xf32>,
        %swap3A_1140 = vector.shape_cast %swap3A_1139 : vector<1x16xf32> to vector<16xf32>
        %swap3A_1141 = vector.shape_cast %max3A_1137 : vector<16xf32> to vector<1x16xf32>
        tpu.vector_store %arg11[%swap3A, %swap3A_1138], %swap3A_1141 {strides = array<i32>} : memref<32x32xf32, #tpu.memory_space<vmem>>, vector<1x16xf32>,
        %max3A_1142 = arith.constant 0.000000e+00 : f32
        %max3A_1143 = vector.broadcast %max3A_1142 : f32 to vector<16xf32>
        %max3A_1144 = arith.maximumf %add3A_1135, %max3A_1143 : vector<16xf32>
        %swap3A_1145 = arith.index_cast %scan3A_78 : i32 to index
        %swap3A_1146 = arith.constant 16 : index
        %swap3A_1147 = tpu.vector_load %arg11[%swap3A_1145, %swap3A_1146] {strides = array<i32>} : memref<32x32xf32, #tpu.memory_space<vmem>>, vector<1x16xf32>,
        %swap3A_1148 = vector.shape_cast %swap3A_1147 : vector<1x16xf32> to vector<16xf32>
        %swap3A_1149 = vector.shape_cast %max3A_1144 : vector<16xf32> to vector<1x16xf32>
        tpu.vector_store %arg11[%swap3A_1145, %swap3A_1146], %swap3A_1149 {strides = array<i32>} : memref<32x32xf32, #tpu.memory_space<vmem>>, vector<1x16xf32>,
      }
      %scan3A_67 = arith.constant 32 : i32
      %mul3A_68 = arith.constant 32 : i32
      %mul3A_69 = arith.muli %add3A_55, %mul3A_68 : i32
      %add3A_70 = arith.addi %mul3A_2, %mul3A_69 : i32
      "tpu.region"() ({
        %run_scoped3A = tpu.sem_alloc : memref<!tpu.dma_semaphore, #tpu.memory_space<semaphore_mem>>
        %dma_start3A_78 = arith.constant 0 : i32
        %dma_start3A_79 = tpu.memref_slice %arg6[%add3A_70, %dma_start3A_78] : memref<16384x32xf32, #tpu.memory_space<hbm>> -> memref<32x32xf32, #tpu.memory_space<hbm>>
        %dma_start3A_80 = arith.constant 0 : i32
        %dma_start3A_81 = tpu.memref_slice %arg6[%add3A_70, %dma_start3A_80] : memref<16384x32xf32, #tpu.memory_space<hbm>> -> memref<32x32xf32, #tpu.memory_space<hbm>>
        tpu.enqueue_dma source(%arg11 : memref<32x32xf32, #tpu.memory_space<vmem>>) target(%dma_start3A_81 : memref<32x32xf32, #tpu.memory_space<hbm>>) target_semaphore(%run_scoped3A : memref<!tpu.dma_semaphore, #tpu.memory_space<semaphore_mem>>)
        %dma_wait3A_82 = arith.constant 0 : i32
        %dma_wait3A_83 = tpu.memref_slice %arg6[%add3A_70, %dma_wait3A_82] : memref<16384x32xf32, #tpu.memory_space<hbm>> -> memref<32x32xf32, #tpu.memory_space<hbm>>
        %dma_wait3A_84 = arith.constant 0 : i32
        %dma_wait3A_85 = tpu.memref_slice %arg6[%add3A_70, %dma_wait3A_84] : memref<16384x32xf32, #tpu.memory_space<hbm>> -> memref<32x32xf32, #tpu.memory_space<hbm>>
        tpu.wait_dma2 semaphore(%run_scoped3A : memref<!tpu.dma_semaphore, #tpu.memory_space<semaphore_mem>>) src(%arg11 : memref<32x32xf32, #tpu.memory_space<vmem>>) dst(%dma_wait3A_85 : memref<32x32xf32, #tpu.memory_space<hbm>>)
        tpu.yield
      }) : () -> ()
      %add3A_71 = arith.constant 2 : i32
      %add3A_72 = arith.addi %add3A_55, %add3A_71 : i32
      %lt3A_73 = arith.constant 16 : i32
      %lt3A_74 = arith.cmpi slt, %add3A_72, %lt3A_73 : i32
      %convert_element_type3A_75 = arith.extui %lt3A_74 : i1 to i32
      %cond3A_76 = arith.constant 0 : i32
      %cond3A_77 = arith.cmpi ne, %convert_element_type3A_75, %cond3A_76 : i32
      scf.if %cond3A_77 {
        %add3A_78 = arith.constant 2 : i32
        %add3A_79 = arith.addi %add3A_55, %add3A_78 : i32
        %mul3A_80 = arith.constant 1600 : i32
        %mul3A_81 = arith.muli %add3A_79, %mul3A_80 : i32
        %add3A_82 = arith.addi %mul3A_4, %mul3A_81 : i32
        "tpu.region"() ({
          %run_scoped3A = tpu.sem_alloc : memref<!tpu.dma_semaphore, #tpu.memory_space<semaphore_mem>>
          %dma_start3A_91 = tpu.memref_slice %arg2[%add3A_82] : memref<819200xi32, #tpu.memory_space<hbm>> -> memref<1600xi32, #tpu.memory_space<hbm>>
          %dma_start3A_92 = tpu.memref_slice %arg2[%add3A_82] : memref<819200xi32, #tpu.memory_space<hbm>> -> memref<1600xi32, #tpu.memory_space<hbm>>
          tpu.enqueue_dma source(%dma_start3A_92 : memref<1600xi32, #tpu.memory_space<hbm>>) target(%arg8 : memref<1600xi32, #tpu.memory_space<vmem>>) target_semaphore(%run_scoped3A : memref<!tpu.dma_semaphore, #tpu.memory_space<semaphore_mem>>)
          %dma_wait3A_93 = tpu.memref_slice %arg2[%add3A_82] : memref<819200xi32, #tpu.memory_space<hbm>> -> memref<1600xi32, #tpu.memory_space<hbm>>
          %dma_wait3A_94 = tpu.memref_slice %arg2[%add3A_82] : memref<819200xi32, #tpu.memory_space<hbm>> -> memref<1600xi32, #tpu.memory_space<hbm>>
          tpu.wait_dma2 semaphore(%run_scoped3A : memref<!tpu.dma_semaphore, #tpu.memory_space<semaphore_mem>>) src(%dma_wait3A_94 : memref<1600xi32, #tpu.memory_space<hbm>>) dst(%arg8 : memref<1600xi32, #tpu.memory_space<vmem>>)
          tpu.yield
        }) : () -> ()
        %dma_start3A_83 = arith.constant 0 : i32
        %dma_start3A_84 = arith.constant 0 : i32
        %dma_start3A_85 = tpu.memref_slice %arg10[%dma_start3A_83, %dma_start3A_84] : memref<1600x32xf32, #tpu.memory_space<vmem>> -> memref<1600x32xf32, #tpu.memory_space<vmem>>
        %dma_start3A_86 = arith.constant 0 : i32
        %dma_start3A_87 = tpu.memref_slice %arg8[%dma_start3A_86] : memref<1600xi32, #tpu.memory_space<vmem>> -> memref<1600xi32, #tpu.memory_space<vmem>>
        %dma_start3A_88 = arith.constant 0 : i32
        %dma_start3A_89 = arith.constant 0 : i32
        %dma_start3A_90 = tpu.memref_slice %arg3[%dma_start3A_88, %dma_start3A_89] : memref<1000000x32xf32, #tpu.memory_space<hbm>> -> memref<1000000x32xf32, #tpu.memory_space<hbm>>
        tpu.enqueue_indirect_dma source(%dma_start3A_90 : memref<1000000x32xf32, #tpu.memory_space<hbm>>) target(%dma_start3A_85 : memref<1600x32xf32, #tpu.memory_space<vmem>>) offsets(%dma_start3A_87 : memref<1600xi32, #tpu.memory_space<vmem>>) semaphore(%arg15 : memref<!tpu.dma_semaphore, #tpu.memory_space<semaphore_mem>>)
      } else {
      }
    }
    %scan3A_28 = arith.constant 8 : i32
    return
  }
}

</mosaic_0001>

<sc_bundles>
// kernel: _run.3.cloned.1.call-start
scs
__scs_entry_jumppad:
0x0: {  	(pc) =	sbr.rel $0x88, $3  }
0x1: {  	(tag) =	ssettag $0x0;
	lr =	simm.s32 $0x1  }
0x2: {  	[smem:$0x3F9D] =	sst lr;
	_ =	strace $0xD0000000  }
0x3: {  	_ = 	snop  }
0x4: {  	_ = 	snop  }
0x5: {  	_ = 	snop  }
0x6: {  	_ = 	snop  }
0x7: {  	_ = 	snop  }
__scs_overlays_trampoline_lowered:
0x8: {  	[smem:$0x3FAC] =	sst s0  }
0x9: {  	[smem:$0x3FAD] =	sst s1  }
0xa: {  	[smem:$0x3FAE] =	sst s2  }
0xb: {  	[smem:$0x3FAF] =	sst s3  }
0xc: {  	[smem:$0x3FB0] =	sst s4  }
0xd: {  	[smem:$0x3FB1] =	sst s5  }
0xe: {  	[smem:$0x3FB2] =	sst s6  }
0xf: {  	[smem:$0x3FB3] =	sst s7  }
0x10: {  	[smem:$0x3FB4] =	sst s8  }
0x11: {  	[smem:$0x3FB5] =	sst s9;
	s0 =	simm.s32 @!p0 $0x0  }
0x12: {  	s1 =	sld [smem:$0x3F9B];
	s0 =	simm.s32 @p0 $0x1  }
0x13: {  	[smem:$0x3FB6] =	sst s0;
	s0 =	simm.s32 @!p1 $0x0  }
0x14: {  	s2 =	sld [smem:$0x3F9A];
	s0 =	simm.s32 @p1 $0x1  }
0x15: {  	[smem:$0x3FB7] =	sst s0;
	s0 =	simm.s32 @!p2 $0x0  }
0x16: {  	s3 =	sld [smem:$0x3FDB];
	s0 =	simm.s32 @p2 $0x1  }
0x17: {  	s4 =	simm.s32 $0x1BF5;
	[smem:$0x3FB9] =	sst s0  }
0x18: {  	s0 =	sld [smem:$0x3F9C];
	_ =	swait.ge [sflag:s4], $0x0  }
0x19: {  	s7 =	sld [smem:$0x3F9D]  }
0x1a: {  	s8 =	sadd.s32 $0xFFFFE003, lr  }
0x1b: {  	s9 =	sadd.s32 $0xFFFFFEF7, lr;
	s5 =	simm.s32 $0xFFFFFFFF;
	p2 =	slt.u32 s8, $0xFFFFF086  }
0x1c: {  	p1 =	slt.u32 s9, $0xF7A;
	s5 =	simm.s32 @!p2 $0x0  }
0x1d: {  	s5 =	simm.s32 @p1 $0x1;
	p0 =	seq.s32 s7, s2  }
0x1e: {  	s7 =	smul.u32 @!p0 $0xF7A, s2;
	p2 =	seq.s32 @!p0 s5, $0x0  }
0x1f: {  	s9 =	smul.u32 $0xF7A, s1;
	s8 =	simm.s32 @!p0 $0x1BF5;
	p2 =	por !p2, p0  }
0x20: {  	[sflag:s8] =	ssyncset.s32 @!p0 $0xFFFFF086;
	s6 =	sadd.s32 @!p0 s3, s7;
	s7 =	simm.s32 @!p0 $0x108  }
0x21: {  	s3 =	sadd.s32 s3, s9;
	s6 =	sadd.s32 @!p0 $0x88, s6;
	s7 =	simm.s32 @p2 $0x1082  }
0x22: {  	[simem:s7], [sflag:s8] =	dma.local @!p0 [hbm:s6], $0xF7A  }
0x23: {  	s9 =	sor.u32 $0xD0000000, s2;
	s6 =	simm.s32 $0x108;
	_ =	swait.ge @!p0 [sflag:s8], $0x0  }
0x24: {  	s3 =	sadd.s32 $0x88, s3;
	s6 =	simm.s32 @!p1 $0x1082;
	[sflag:s4] =	ssyncset.s32 $0xFFFFF086  }
0x25: {  	[simem:s6], [sflag:s4] =	dma.local [hbm:s3], $0xF7A  }
0x26: {  	[smem:$0x3F9D] =	sst s1;
	(tag) =	ssettag s2;
	_ =	strace s9  }
0x27: {  	s1 =	sld [smem:$0x3FAD]  }
0x28: {  	s2 =	sld [smem:$0x3FAE]  }
0x29: {  	s4 =	sld [smem:$0x3FB0]  }
0x2a: {  	p0 =	seq.s32 s5, $0x0;
	s5 =	sld [smem:$0x3FB1]  }
0x2b: {  	s6 =	sld [smem:$0x3FB2]  }
0x2c: {  	s7 =	sld [smem:$0x3FB3]  }
0x2d: {  	s3 =	simm.s32 $0x108;
	s8 =	sld [smem:$0x3FB4]  }
0x2e: {  	s3 =	simm.s32 @!p0 $0x1082;
	s9 =	sld [smem:$0x3FB5]  }
0x2f: {  	lr =	sadd.s32 s0, s3;
	s0 =	sld [smem:$0x3FAC]  }
0x30: {  	s3 =	sld [smem:$0x3FAF]  }
0x31: {  	[smem:$0x3FB8] =	sst s10  }
0x32: {  	s10 =	sld [smem:$0x3FB6];
	_ =	sdelay $0x3  }
0x33: {  	p0 =	seq.s32 s10, $0x1;
	s10 =	sld [smem:$0x3FB8];
	_ =	sdelay $0x3  }
0x34: {  	[smem:$0x3FB8] =	sst s10  }
0x35: {  	s10 =	sld [smem:$0x3FB7];
	_ =	sdelay $0x3  }
0x36: {  	p1 =	seq.s32 s10, $0x1;
	s10 =	sld [smem:$0x3FB8];
	_ =	sdelay $0x3  }
0x37: {  	[smem:$0x3FB8] =	sst s10  }
0x38: {  	s10 =	sld [smem:$0x3FB9]  }
0x39: {  	_ = 	snop;
	(pc) =	sbr.ind lr, $3  }
0x3a: {  	_ = 	snop  }
0x3b: {  	_ = 	snop  }
0x3c: {  	p2 =	seq.s32 s10, $0x1;
	s10 =	sld [smem:$0x3FB8]  }
0x3d: {  	_ =	shalt  }
0x3e: {  	_ =	shalt  }
0x3f: {  	_ =	shalt  }
0x40: {  	_ =	shalt  }
0x41: {  	_ =	shalt  }
0x42: {  	_ =	shalt  }
0x43: {  	_ =	shalt  }
0x44: {  	_ =	shalt  }
0x45: {  	_ =	shalt  }
0x46: {  	_ =	shalt  }
0x47: {  	_ =	shalt  }
0x48: {  	_ =	shalt  }
0x49: {  	_ =	shalt  }
0x4a: {  	_ =	shalt  }
0x4b: {  	_ =	shalt  }
0x4c: {  	_ =	shalt  }
0x4d: {  	_ =	shalt  }
0x4e: {  	_ =	shalt  }
0x4f: {  	_ =	shalt  }
0x50: {  	_ =	shalt  }
0x51: {  	_ =	shalt  }
0x52: {  	_ =	shalt  }
0x53: {  	_ =	shalt  }
0x54: {  	_ =	shalt  }
0x55: {  	_ =	shalt  }
0x56: {  	_ =	shalt  }
0x57: {  	_ =	shalt  }
0x58: {  	_ =	shalt  }
0x59: {  	_ =	shalt  }
0x5a: {  	_ =	shalt  }
0x5b: {  	_ =	shalt  }
0x5c: {  	_ =	shalt  }
0x5d: {  	_ =	shalt  }
0x5e: {  	_ =	shalt  }
0x5f: {  	_ =	shalt  }
0x60: {  	_ =	shalt  }
0x61: {  	_ =	shalt  }
0x62: {  	_ =	shalt  }
0x63: {  	_ =	shalt  }
0x64: {  	_ =	shalt  }
0x65: {  	_ =	shalt  }
0x66: {  	_ =	shalt  }
0x67: {  	_ =	shalt  }
0x68: {  	_ =	shalt  }
0x69: {  	_ =	shalt  }
0x6a: {  	_ =	shalt  }
0x6b: {  	_ =	shalt  }
0x6c: {  	_ =	shalt  }
0x6d: {  	_ =	shalt  }
0x6e: {  	_ =	shalt  }
0x6f: {  	_ =	shalt  }
0x70: {  	_ =	shalt  }
0x71: {  	_ =	shalt  }
0x72: {  	_ =	shalt  }
0x73: {  	_ =	shalt  }
0x74: {  	_ =	shalt  }
0x75: {  	_ =	shalt  }
0x76: {  	_ =	shalt  }
0x77: {  	_ =	shalt  }
0x78: {  	_ =	shalt  }
0x79: {  	_ =	shalt  }
0x7a: {  	_ =	shalt  }
0x7b: {  	_ =	shalt  }
0x7c: {  	_ =	shalt  }
0x7d: {  	_ =	shalt  }
0x7e: {  	_ =	shalt  }
0x7f: {  	_ =	shalt  }
0x80: {  	_ =	shalt  }
0x81: {  	_ =	shalt  }
0x82: {  	_ =	shalt  }
0x83: {  	_ =	shalt  }
0x84: {  	_ =	shalt  }
0x85: {  	_ =	shalt  }
0x86: {  	_ =	shalt  }
0x87: {  	_ =	shalt  }
.Lfunc_end0:
.L_simem_size_0:
called_computation_lowered:
.L_overlay_start_0:
0x88: {  	s2 =	sld [smem:$0x3FD9]  }
0x89: {  	s3 =	sld [smem:$0x3FFE];
	_ =	sdelay $0x1  }
0x8a: {  	s1 =	srdreg.scid  }
0x8b: {  	s0 =	sand.u32 $0x1, s1  }
0x8c: {  	s17 =	sshll.u32 s0, $0xA;
	s2 =	sadd.s32 s3, s2  }
0x8d: {  	s2 =	sadd.s32 s2, s17  }
0x8e: {  	[smem:$0x3FC4] =	sst s2  }
0x8f: {  	_ = 	snop  }
0x90: {  	s2 =	sld [smem:$0x3FC9]  }
0x91: {  	s18 =	sld [smem:$0x3FC6]  }
0x92: {  	s4 =	sld [smem:$0x3FD0];
	(tm) =	ssettm $0x1  }
0x93: {  	s5 =	sld [smem:$0x3FFB];
	_ =	sdelay $0x3  }
0x94: {  	_ =	strace s5  }
0x95: {  	s5 =	sld [smem:$0x3FFC];
	_ =	sdelay $0x3  }
0x96: {  	_ =	strace s5  }
0x97: {  	s5 =	sld [smem:$0x3FFD];
	_ =	sdelay $0x3  }
0x98: {  	_ =	strace s5  }
0x99: {  	_ =	strace $0x8FFFFFFF  }
0x9a: {  	s19 =	sld [smem:$0x3FDB];
	_ =	sdelay $0x1  }
0x9b: {  	s6 =	simm.s32 $_scs_section_size  }
0x9c: {  	s7 =	simm.s32 $_size__tile_overlayer_lowered;
	s8 =	simm.s32 $_tile_overlayer_lowered  }
0x9d: {  	s22 =	simm.s32 $0x1BFF;
	s21 =	sshll.u32 s8, $0x1;
	s5 =	sadd.s32 s6, s19  }
0x9e: {  	s9 =	simm.s32 $0x0;
	s20 =	sshll.u32 s7, $0x1;
	s7 =	sadd.s32 s21, s5  }
0x9f: {  	[timem:s9], [sflag:s22] =	dma.local [hbm:s7], s20  }
0xa0: {  	_ =	swait.ge [sflag:s22], s20  }
0xa1: {  	s6 =	ssub.s32 $0x0, s20;
	[sflag:s22] =	ssyncset.done $0x0  }
0xa2: {  	[sflag:s22] =	ssyncadd.s32 s6;
	_ =	sdelay $0x1  }
0xa3: {  	s23 =	simm.s32 $0x1B8B  }
0xa4: {  	_ =	swait.ge [sflag:s23], $0x1  }
0xa5: {  	[sflag:s23] =	ssyncset.done $0x0  }
0xa6: {  	s25 =	simm.s32 $0x1B8E;
	s24 =	sld [smem:$0x3FFE];
	[sflag:s23] =	ssyncadd.s32 $0xFFFFFFFF  }
0xa7: {  	s26 =	simm.s32 $execute0_lowered;
	[smem:$0x3FD2] =	sst s25  }
0xa8: {  	s7 =	sshll.u32 s26, $0x1;
	_ =	strace $0x80000046;
	[dreg:$0x1] =	wrdreg $0xFFFFFFFF  }
0xa9: {  	s28 =	simm.s32 $_size_execute0_lowered;
	s5 =	sadd.s32 s5, s7;
	[dreg:$0x0] =	wrdreg $0x0  }
0xaa: {  	s7 =	sshll.u32 s28, $0x1;
	[dreg:$0x2] =	wrdreg s5  }
0xab: {  	[dreg:$0x3] =	wrdreg s7  }
0xac: {  	[dreg:$0x4] =	wrdreg $0xC0  }
0xad: {  	_ =	task [dreg:s9], $0x5FFFF  }
0xae: {  	[dreg:$0x1] =	wrdreg $0xFFFFFFFF  }
0xaf: {  	[dreg:$0x0] =	wrdreg $0x60  }
0xb0: {  	[dreg:$0x2] =	wrdreg s2  }
0xb1: {  	[dreg:$0x3] =	wrdreg s24  }
0xb2: {  	[dreg:$0x4] =	wrdreg s18  }
0xb3: {  	[dreg:$0x5] =	wrdreg s4  }
0xb4: {  	[dreg:$0x6] =	wrdreg $0x9  }
0xb5: {  	_ =	task.clear_ibuf [dreg:s9], $0x7FFFF;
	_ =	strace $0x90000046  }
0xb6: {  	s29 =	simm.s32 $0x9;
	_ =	strace $0x80000048  }
0xb7: {  	_ =	swait.ge [sflag:s29], $0x1  }
0xb8: {  	[sflag:s29] =	ssyncadd.s32 $0xFFFFFFFF  }
0xb9: {  	_ =	strace $0x90000048  }
0xba: {  	_ =	sfence  }
0xbb: {  	s30 =	sld [smem:$0x0];
	_ =	sdelay $0x2  }
0xbc: {  	s31 =	sshll.u32 s1, $0xD;
	s1 =	sshrl.u32 s1, $0x2  }
0xbd: {  	s3 =	sand.u32 $0x4000, s31;
	s1 =	sadd.s32 s1, s30  }
0xbe: {  	s0 =	sor.u32 s3, s0;
	s1 =	sshll.u32 s1, $0x11  }
0xbf: {  	s0 =	sor.u32 s1, s0  }
0xc0: {  	s0 =	sadd.s32 $0x8F2B, s0  }
0xc1: {  	[sflag:s0] =	ssyncadd.remote.s32 $0x1  }
0xc2: {  	_ =	sfence.sel $0xFFFF  }
0xc3: {  	[dreg:$0x0] =	wrdreg $0xFFFFFFFF;
	(pc) =	sbr.abs _section_cstart, $3  }
0xc4: {  	[dreg:$0x1] =	wrdreg $0xFFFFFFFF  }
0xc5: {  	_ =	task.clear_ibuf [dreg:s9], $0x2FFFF;
	_ =	strace $0x9FFFFFFF  }
0xc6: {  	(tm) =	ssettm $0x7FFFFFFF  }
0xc7: {  	_ =	shalt  }
tec
execute0_lowered:
.L_overlay_start_1:
0x0: {  	(tag) =	ssettag $0x1  }
0x1: {  	s1 =	rddreg [dreg:$0x0]  }
0x2: {  	s6 =	rddreg [dreg:$0x1]  }
0x3: {  	s3 =	rddreg [dreg:$0x2]  }
0x4: {  	s2 =	srdreg.scid;
	s0 =	stileid.u32  }
0x5: {  	s9 =	rddreg [dreg:$0x3];
	s4 =	simm.s32 $0x0;
	s14 =	simm.s32 $0x3  }
0x6: {  	s15 =	simm.s32 $0x1A3A0;
	s16 =	simm.s32 $0x640;
	s17 =	simm.s32 $0xC80  }
0x7: {  	s18 =	simm.s32 $0xD480;
	s19 =	simm.s32 $0x1;
	s20 =	simm.s32 $0x19C80  }
0x8: {  	s21 =	simm.s32 $0x2;
	s7 =	sand.u32 $0x1, s2;
	s5 =	sshll.u32 s0, $0x1  }
0x9: {  	s22 =	simm.s32 $0x0;
	[smem:$0x7FF] =	sst s4;
	s8 =	sor.u32 s7, s5  }
0xa: {  	s2 =	rddreg [dreg:$0x4];
	_ =	strace $0x80000047;
	s11 =	smul.u32 $0x6400, s8  }
.Ltmp0:
0xb: {  	s5 =	sadd.s32 $0xF42A00, s6;
	s7 =	ssub.s32 $0x2, s7;
	(pc) =	sbr.rel .LBB2_1-.Ltmp0, $4  }
0xc: {  	s6 =	sadd.s32 $0x600, s6;
	s10 =	sshrl.u32 s7, $0x1;
	s31 =	sshll.u32 s8, $0xB  }
0xd: {  	s13 =	ssub.s32 s7, s10;
	s9 =	sadd.s32 s9, s31;
	s12 =	sshrl.u32 s11, $0x3  }
0xe: {  	s10 =	sadd.s32 $0xC80, s11;
	s11 =	sadd.s32 $0x12C0, s11;
	s7 =	sadd.s32 s1, s12  }
0xf: {  	s12 =	smax.u32 s13, $0x1;
	s13 =	simm.s32 $0x1A080;
	s8 =	sadd.s32 $0xC8, s7  }
.LBB2_8:
0x10: {  	s22 =	sadd.s32 $0x1, s22  }
0x11: {  	p0 =	sne.s32 s22, s12  }
.Ltmp1:
0x12: {  	_ = 	snop;
	(pc) =	sbr.rel @!p0 .LBB2_9-.Ltmp1, $1  }
0x13: {  	_ =	sdelay $0x3  }
.LBB2_1:
0x14: {  	[tilespmem:s13], [sflag:$0x3] =	stream.linear.gather [hbm4b:s6+s4], $0x320, $0x38;
	[tilespmem:$0x1A3B0] =	vst v63  }
0x15: {  	_ =	swait.ge [sflag:s14], $0x320  }
0x16: {  	[sflag:s14] =	ssyncset.done $0x0  }
0x17: {  	[sflag:s14] =	ssyncadd.s32 $0xFFFFFCE0  }
0x18: {  	[tilespmem:s15], [sflag:$0x3] =	stream.linear.gather [hbm4b:s3+s4], $0x10, $0x38;
	[tilespmem:$0x1A3B0] =	vst v63  }
0x19: {  	_ =	swait.ge [sflag:s14], $0x10  }
0x1a: {  	[sflag:s14] =	ssyncset.done $0x0  }
0x1b: {  	[sflag:s14] =	ssyncadd.s32 $0xFFFFFFF0  }
0x1c: {  	[tilespmem:s4], [sflag:$0x3] =	stream.linear.gather [hbm4b:s7+s4], $0x640, $0x38;
	[tilespmem:$0x1A3B0] =	vst v63  }
0x1d: {  	_ =	swait.ge [sflag:s14], $0x640  }
0x1e: {  	[sflag:s14] =	ssyncset.done $0x0  }
0x1f: {  	[sflag:s14] =	ssyncadd.s32 $0xFFFFF9C0  }
0x20: {  	[tilespmem:s17], [sflag:$0x1] =	stream.indirect.gather [hbm4b:s5+s16], $0x20, s4, s16, $0xb8;
	[tilespmem:$0x1A3B0] =	vst v63  }
0x21: {  	_ = 	snop  }
0x22: {  	[tilespmem:s16], [sflag:$0x3] =	stream.linear.gather [hbm4b:s8+s4], $0x640, $0x38;
	[tilespmem:$0x1A3B0] =	vst v63  }
0x23: {  	_ =	swait.ge [sflag:s14], $0x640  }
0x24: {  	[sflag:s14] =	ssyncset.done $0x0  }
0x25: {  	s23 =	simm.s32 $0x0;
	[sflag:s14] =	ssyncadd.s32 $0xFFFFF9C0  }
0x26: {  	[tilespmem:s18], [sflag:$0x2] =	stream.indirect.gather [hbm4b:s5+s16], $0x20, s16, s16, $0xb8;
	[tilespmem:$0x1A3B0] =	vst v63  }
.LBB2_2:
0x27: {  	_ =	swait.ge [sflag:s19], $0xC800  }
0x28: {  	[sflag:s19] =	ssyncset.done $0x0  }
0x29: {  	s24 =	simm.s32 $0xFA0;
	[sflag:s19] =	ssyncadd.s32 $0xFFFF3800  }
0x2a: {  	v8 =	vld [tilespmem:s24+$0xFFFFFCF0]  }
0x2b: {  	v10 =	vld [tilespmem:$0x1A090]  }
0x2c: {  	v11 =	vld [tilespmem:s24+$0xFFFFFD00]  }
0x2d: {  	v9 =	vld [tilespmem:s24+$0xFFFFFD10]  }
0x2e: {  	v12 =	vld [tilespmem:$0x1A3A0]  }
0x2f: {  	v13 =	vld [tilespmem:$0x1A0A0]  }
0x30: {  	v14 =	vld [tilespmem:s24+$0xFFFFFD20]  }
0x31: {  	v15 =	vld [tilespmem:s24+$0xFFFFFD30]  }
0x32: {  	v16 =	vld [tilespmem:$0x1A0B0]  }
0x33: {  	v17 =	vld [tilespmem:s24+$0xFFFFFD40]  }
0x34: {  	v18 =	vld [tilespmem:s24+$0xFFFFFD50]  }
0x35: {  	v19 =	vld [tilespmem:$0x1A0C0]  }
0x36: {  	v20 =	vld [tilespmem:s24+$0xFFFFFD60]  }
0x37: {  	v21 =	vld [tilespmem:s24+$0xFFFFFD70]  }
0x38: {  	v22 =	vld [tilespmem:$0x1A0D0]  }
0x39: {  	v23 =	vld [tilespmem:s24+$0xFFFFFD80]  }
0x3a: {  	v24 =	vld [tilespmem:s24+$0xFFFFFD90]  }
0x3b: {  	v25 =	vld [tilespmem:$0x1A0E0]  }
0x3c: {  	v26 =	vld [tilespmem:s24+$0xFFFFFDA0]  }
0x3d: {  	v27 =	vld [tilespmem:s24+$0xFFFFFDB0]  }
0x3e: {  	v28 =	vld [tilespmem:$0x1A0F0]  }
0x3f: {  	v29 =	vld [tilespmem:s24+$0xFFFFFDC0]  }
0x40: {  	v30 =	vld [tilespmem:s24+$0xFFFFFDD0]  }
0x41: {  	v31 =	vld [tilespmem:$0x1A100]  }
0x42: {  	v32 =	vld [tilespmem:s24+$0xFFFFFDE0]  }
0x43: {  	v33 =	vld [tilespmem:s24+$0xFFFFFDF0]  }
0x44: {  	v34 =	vld [tilespmem:$0x1A110]  }
0x45: {  	v35 =	vld [tilespmem:s24+$0xFFFFFE00]  }
0x46: {  	v36 =	vld [tilespmem:s24+$0xFFFFFE10]  }
0x47: {  	v37 =	vld [tilespmem:$0x1A120]  }
0x48: {  	v38 =	vld [tilespmem:s24+$0xFFFFFE20]  }
0x49: {  	v39 =	vld [tilespmem:s24+$0xFFFFFE30]  }
0x4a: {  	v40 =	vld [tilespmem:$0x1A130]  }
0x4b: {  	v41 =	vld [tilespmem:s24+$0xFFFFFE40]  }
0x4c: {  	v42 =	vld [tilespmem:s24+$0xFFFFFE50]  }
0x4d: {  	v43 =	vld [tilespmem:$0x1A140]  }
0x4e: {  	v44 =	vld [tilespmem:s24+$0xFFFFFE60]  }
0x4f: {  	v45 =	vld [tilespmem:s24+$0xFFFFFE70]  }
0x50: {  	v46 =	vld [tilespmem:$0x1A150]  }
0x51: {  	v47 =	vld [tilespmem:s24+$0xFFFFFE80]  }
0x52: {  	v48 =	vld [tilespmem:s24+$0xFFFFFE90]  }
0x53: {  	v49 =	vld [tilespmem:$0x1A160]  }
0x54: {  	v50 =	vld [tilespmem:s24+$0xFFFFFEA0]  }
0x55: {  	v51 =	vld [tilespmem:s24+$0xFFFFFEB0]  }
0x56: {  	v52 =	vld [tilespmem:$0x1A170]  }
0x57: {  	v53 =	vld [tilespmem:s24+$0xFFFFFEC0]  }
0x58: {  	v54 =	vld [tilespmem:s24+$0xFFFFFED0]  }
0x59: {  	v0 =	vld [tilespmem:s24+$0x310]  }
0x5a: {  	v1 =	vld [tilespmem:s24+$0x2F0]  }
0x5b: {  	v2 =	vld [tilespmem:s24+$0x2D0]  }
0x5c: {  	v3 =	vld [tilespmem:s24+$0x2B0]  }
0x5d: {  	v55 =	vld [tilespmem:$0x1A080]  }
0x5e: {  	v56 =	vld [tilespmem:s24+$0xFFFFFCE0]  }
0x5f: {  	v4 =	vld [tilespmem:s24+$0x290]  }
0x60: {  	v5 =	vld [tilespmem:s24+$0x270]  }
0x61: {  	v6 =	vld [tilespmem:s24+$0x250]  }
0x62: {  	v7 =	vld [tilespmem:s24+$0x230];
	v57 =	vmul.f32 v8, v55  }
0x63: {  	v8 =	vld [tilespmem:s24+$0x210]  }
0x64: {  	v55 =	vmul.f32 v56, v55;
	v61 =	vmul.f32 v9, v10;
	v9 =	vld [tilespmem:s24+$0x1F0];
	v57 =	vadd.f32 v57, v12  }
0x65: {  	v58 =	vmul.f32 v11, v10;
	v10 =	vld [tilespmem:s24+$0x1D0];
	v15 =	vmul.f32 v15, v13  }
0x66: {  	v11 =	vld [tilespmem:s24+$0x1B0];
	v14 =	vmul.f32 v14, v13;
	v12 =	vadd.f32 v55, v12;
	v62 =	vadd.f32 v61, v57  }
0x67: {  	v18 =	vmul.f32 v18, v16;
	v13 =	vld [tilespmem:s24+$0x170];
	v16 =	vmul.f32 v17, v16  }
0x68: {  	v21 =	vmul.f32 v21, v19;
	v17 =	vld [tilespmem:s24+$0xF0];
	v63 =	vadd.f32 v58, v12;
	v15 =	vadd.f32 v15, v62  }
0x69: {  	v24 =	vmul.f32 v24, v22;
	v22 =	vmul.f32 v23, v22;
	v23 =	vld [tilespmem:s24+$0x70]  }
0x6a: {  	v59 =	vmul.f32 v26, v25;
	v26 =	vld [tilespmem:s24+$0x10];
	v56 =	vadd.f32 v14, v63;
	v18 =	vadd.f32 v18, v15  }
0x6b: {  	v19 =	vmul.f32 v20, v19;
	v60 =	vmul.f32 v30, v28;
	v30 =	vld [tilespmem:s24+$0xFFFFFF90]  }
0x6c: {  	v55 =	vmul.f32 v39, v37;
	v39 =	vld [tilespmem:$0x1A250];
	v57 =	vadd.f32 v16, v56;
	v21 =	vadd.f32 v21, v18  }
0x6d: {  	v12 =	vld [tilespmem:s24+$0x190]  }
0x6e: {  	v58 =	vmul.f32 v27, v25;
	v25 =	vld [tilespmem:s24+$0x30];
	v20 =	vadd.f32 v19, v57;
	v21 =	vadd.f32 v24, v21  }
0x6f: {  	v27 =	vld [tilespmem:s24+$0xFFFFFFF0]  }
0x70: {  	v61 =	vmul.f32 v29, v28;
	v28 =	vld [tilespmem:s24+$0xFFFFFFD0];
	v22 =	vadd.f32 v22, v20;
	v21 =	vadd.f32 v58, v21  }
0x71: {  	v29 =	vld [tilespmem:s24+$0xFFFFFFB0]  }
0x72: {  	v14 =	vld [tilespmem:s24+$0x150];
	v62 =	vmul.f32 v33, v31;
	v22 =	vadd.f32 v59, v22;
	v21 =	vadd.f32 v60, v21  }
0x73: {  	v63 =	vmul.f32 v32, v31;
	v31 =	vld [tilespmem:s24+$0xFFFFFF70]  }
0x74: {  	v33 =	vmul.f32 v36, v34;
	v32 =	vld [tilespmem:s24+$0xFFFFFF50];
	v22 =	vadd.f32 v61, v22;
	v21 =	vadd.f32 v62, v21  }
0x75: {  	v15 =	vld [tilespmem:s24+$0x130]  }
0x76: {  	v36 =	vmul.f32 v35, v34;
	v16 =	vld [tilespmem:s24+$0x110];
	v22 =	vadd.f32 v63, v22;
	v21 =	vadd.f32 v33, v21  }
0x77: {  	v56 =	vmul.f32 v38, v37;
	v37 =	vld [tilespmem:s24+$0x60]  }
0x78: {  	v18 =	vld [tilespmem:s24+$0xD0];
	v57 =	vmul.f32 v42, v40;
	v22 =	vadd.f32 v36, v22;
	v21 =	vadd.f32 v55, v21  }
0x79: {  	v24 =	vld [tilespmem:s24+$0x50];
	v58 =	vmul.f32 v41, v40  }
0x7a: {  	v59 =	vmul.f32 v45, v43;
	v45 =	vld [tilespmem:$0x1A180];
	v22 =	vadd.f32 v56, v22;
	v21 =	vadd.f32 v57, v21  }
0x7b: {  	v60 =	vmul.f32 v44, v43;
	v61 =	vld [tilespmem:s24+$0xFFFFFF10];
	v44 =	vmul.f32 v47, v46  }
0x7c: {  	v47 =	vld [tilespmem:s24+$0xFFFFFEE0];
	v62 =	vmul.f32 v48, v46;
	v22 =	vadd.f32 v58, v22;
	v21 =	vadd.f32 v59, v21  }
0x7d: {  	v63 =	vld [tilespmem:s24+$0xFFFFFEF0];
	v46 =	vmul.f32 v51, v49  }
0x7e: {  	v48 =	vmul.f32 v50, v49;
	v49 =	vld [tilespmem:$0x1A190];
	v22 =	vadd.f32 v60, v22;
	v21 =	vadd.f32 v62, v21  }
0x7f: {  	v51 =	vld [tilespmem:s24+$0xFFFFFF00]  }
0x80: {  	v50 =	vmul.f32 v54, v52;
	v33 =	vld [tilespmem:s24+$0xFFFFFF30];
	v22 =	vadd.f32 v44, v22;
	v21 =	vadd.f32 v46, v21  }
0x81: {  	v54 =	vmul.f32 v53, v52;
	v55 =	vld [tilespmem:$0x1A1A0]  }
0x82: {  	v56 =	vld [tilespmem:s24+$0xFFFFFF20];
	v35 =	vmul.f32 v63, v45;
	v22 =	vadd.f32 v48, v22;
	v21 =	vadd.f32 v50, v21  }
0x83: {  	v36 =	vmul.f32 v47, v45;
	v57 =	vld [tilespmem:$0x1A1B0]  }
0x84: {  	v34 =	vmul.f32 v61, v49;
	v58 =	vld [tilespmem:s24+$0xFFFFFF40];
	v22 =	vadd.f32 v54, v22;
	v21 =	vadd.f32 v35, v21  }
0x85: {  	v59 =	vmul.f32 v51, v49;
	v60 =	vld [tilespmem:$0x1A1C0]  }
0x86: {  	v63 =	vld [tilespmem:$0x1A1D0];
	v33 =	vmul.f32 v33, v55;
	v22 =	vadd.f32 v36, v22;
	v21 =	vadd.f32 v34, v21  }
0x87: {  	v61 =	vld [tilespmem:s24+$0xFFFFFF60];
	v62 =	vmul.f32 v56, v55  }
0x88: {  	v44 =	vld [tilespmem:s24+$0xFFFFFF80];
	v32 =	vmul.f32 v32, v57;
	v22 =	vadd.f32 v59, v22;
	v21 =	vadd.f32 v33, v21  }
0x89: {  	v45 =	vmul.f32 v58, v57;
	v46 =	vld [tilespmem:$0x1A1E0]  }
0x8a: {  	v49 =	vld [tilespmem:$0x1A1F0];
	v31 =	vmul.f32 v31, v60;
	v22 =	vadd.f32 v62, v22;
	v21 =	vadd.f32 v32, v21  }
0x8b: {  	v47 =	vld [tilespmem:s24+$0xFFFFFFA0];
	v30 =	vmul.f32 v30, v63  }
0x8c: {  	v52 =	vld [tilespmem:$0x1A200];
	v48 =	vmul.f32 v61, v60;
	v22 =	vadd.f32 v45, v22;
	v21 =	vadd.f32 v31, v21  }
0x8d: {  	v50 =	vld [tilespmem:s24+$0xFFFFFFC0];
	v51 =	vmul.f32 v44, v63  }
0x8e: {  	v53 =	vld [tilespmem:s24+$0xFFFFFFE0];
	v29 =	vmul.f32 v29, v46;
	v22 =	vadd.f32 v48, v22;
	v21 =	vadd.f32 v30, v21  }
0x8f: {  	v55 =	vld [tilespmem:$0x1A210];
	v28 =	vmul.f32 v28, v49  }
0x90: {  	v56 =	vld [tilespmem:s24+$0x0];
	v54 =	vmul.f32 v47, v46;
	v22 =	vadd.f32 v51, v22;
	v21 =	vadd.f32 v29, v21  }
0x91: {  	v27 =	vmul.f32 v27, v52;
	v58 =	vld [tilespmem:$0x1A220]  }
0x92: {  	v61 =	vld [tilespmem:$0x1A230];
	v57 =	vmul.f32 v50, v49;
	v22 =	vadd.f32 v54, v22;
	v21 =	vadd.f32 v28, v21  }
0x93: {  	v60 =	vmul.f32 v53, v52;
	v59 =	vld [tilespmem:s24+$0x20]  }
0x94: {  	v26 =	vmul.f32 v26, v55;
	v36 =	vld [tilespmem:$0x1A240];
	v22 =	vadd.f32 v57, v22;
	v21 =	vadd.f32 v27, v21  }
0x95: {  	v63 =	vmul.f32 v56, v55;
	v62 =	vld [tilespmem:s24+$0x40]  }
0x96: {  	v20 =	vld [tilespmem:s24+$0x90];
	v25 =	vmul.f32 v25, v58;
	v22 =	vadd.f32 v60, v22;
	v21 =	vadd.f32 v26, v21  }
0x97: {  	v19 =	vld [tilespmem:s24+$0xB0];
	v24 =	vmul.f32 v24, v61  }
0x98: {  	v42 =	vld [tilespmem:$0x1A260];
	v38 =	vmul.f32 v59, v58;
	v22 =	vadd.f32 v63, v22;
	v21 =	vadd.f32 v25, v21  }
0x99: {  	v40 =	vld [tilespmem:s24+$0x80];
	v23 =	vmul.f32 v23, v36  }
0x9a: {  	v43 =	vld [tilespmem:s24+$0xA0];
	v41 =	vmul.f32 v62, v61;
	v22 =	vadd.f32 v38, v22;
	v21 =	vadd.f32 v24, v21  }
0x9b: {  	v20 =	vmul.f32 v20, v39;
	v45 =	vld [tilespmem:$0x1A270]  }
0x9c: {  	v46 =	vld [tilespmem:s24+$0xC0];
	v44 =	vmul.f32 v37, v36;
	v22 =	vadd.f32 v41, v22;
	v21 =	vadd.f32 v23, v21  }
0x9d: {  	v19 =	vmul.f32 v19, v42;
	v48 =	vld [tilespmem:$0x1A280]  }
0x9e: {  	v47 =	vmul.f32 v40, v39;
	v49 =	vld [tilespmem:s24+$0xE0];
	v22 =	vadd.f32 v44, v22;
	v20 =	vadd.f32 v20, v21  }
0x9f: {  	v50 =	vmul.f32 v43, v42;
	v51 =	vld [tilespmem:$0x1A290]  }
0xa0: {  	v52 =	vld [tilespmem:s24+$0x100];
	v18 =	vmul.f32 v18, v45;
	v22 =	vadd.f32 v47, v22;
	v19 =	vadd.f32 v19, v20  }
0xa1: {  	v53 =	vmul.f32 v46, v45;
	v54 =	vld [tilespmem:$0x1A2A0]  }
0xa2: {  	v55 =	vld [tilespmem:s24+$0x120];
	v17 =	vmul.f32 v17, v48;
	v21 =	vadd.f32 v50, v22;
	v18 =	vadd.f32 v18, v19  }
0xa3: {  	v56 =	vmul.f32 v49, v48;
	v57 =	vld [tilespmem:$0x1A2B0]  }
0xa4: {  	v58 =	vld [tilespmem:s24+$0x140];
	v16 =	vmul.f32 v16, v51;
	v20 =	vadd.f32 v53, v21;
	v17 =	vadd.f32 v17, v18  }
0xa5: {  	v59 =	vmul.f32 v52, v51;
	v60 =	vld [tilespmem:$0x1A2C0]  }
0xa6: {  	v61 =	vld [tilespmem:s24+$0x160];
	v15 =	vmul.f32 v15, v54;
	v19 =	vadd.f32 v56, v20;
	v16 =	vadd.f32 v16, v17  }
0xa7: {  	v62 =	vmul.f32 v55, v54;
	v63 =	vld [tilespmem:$0x1A2D0]  }
0xa8: {  	v28 =	vld [tilespmem:$0x1A2E0];
	v14 =	vmul.f32 v14, v57;
	v18 =	vadd.f32 v59, v19;
	v15 =	vadd.f32 v15, v16  }
0xa9: {  	v26 =	vld [tilespmem:s24+$0x180];
	v27 =	vmul.f32 v58, v57  }
0xaa: {  	v31 =	vld [tilespmem:$0x1A2F0];
	v13 =	vmul.f32 v13, v60;
	v17 =	vadd.f32 v62, v18;
	v14 =	vadd.f32 v14, v15  }
0xab: {  	v29 =	vld [tilespmem:s24+$0x1A0];
	v30 =	vmul.f32 v61, v60  }
0xac: {  	v34 =	vld [tilespmem:$0x1A300];
	v12 =	vmul.f32 v12, v63;
	v16 =	vadd.f32 v27, v17;
	v13 =	vadd.f32 v13, v14  }
0xad: {  	v32 =	vld [tilespmem:s24+$0x1C0];
	v11 =	vmul.f32 v11, v28  }
0xae: {  	v35 =	vld [tilespmem:s24+$0x1E0];
	v33 =	vmul.f32 v26, v63;
	v15 =	vadd.f32 v30, v16;
	v12 =	vadd.f32 v12, v13  }
0xaf: {  	v37 =	vld [tilespmem:$0x1A310];
	v10 =	vmul.f32 v10, v31  }
0xb0: {  	v40 =	vld [tilespmem:$0x1A320];
	v36 =	vmul.f32 v29, v28;
	v14 =	vadd.f32 v33, v15;
	v11 =	vadd.f32 v11, v12  }
0xb1: {  	v9 =	vmul.f32 v9, v34;
	v38 =	vld [tilespmem:s24+$0x200]  }
0xb2: {  	v43 =	vld [tilespmem:$0x1A330];
	v39 =	vmul.f32 v32, v31;
	v13 =	vadd.f32 v36, v14;
	v10 =	vadd.f32 v10, v11  }
0xb3: {  	v42 =	vmul.f32 v35, v34;
	v41 =	vld [tilespmem:s24+$0x220]  }
0xb4: {  	v8 =	vmul.f32 v8, v37;
	v46 =	vld [tilespmem:$0x1A340];
	v12 =	vadd.f32 v39, v13;
	v9 =	vadd.f32 v9, v10  }
0xb5: {  	v7 =	vmul.f32 v7, v40;
	v44 =	vld [tilespmem:s24+$0x240]  }
0xb6: {  	v49 =	vld [tilespmem:$0x1A350];
	v45 =	vmul.f32 v38, v37;
	v11 =	vadd.f32 v42, v12;
	v8 =	vadd.f32 v8, v9  }
0xb7: {  	v6 =	vmul.f32 v6, v43;
	v47 =	vld [tilespmem:s24+$0x260]  }
0xb8: {  	v52 =	vld [tilespmem:$0x1A360];
	v48 =	vmul.f32 v41, v40;
	v10 =	vadd.f32 v45, v11;
	v7 =	vadd.f32 v7, v8  }
0xb9: {  	v5 =	vmul.f32 v5, v46;
	v50 =	vld [tilespmem:s24+$0x280]  }
0xba: {  	v55 =	vld [tilespmem:$0x1A370];
	v51 =	vmul.f32 v44, v43;
	v9 =	vadd.f32 v48, v10;
	v6 =	vadd.f32 v6, v7  }
0xbb: {  	v4 =	vmul.f32 v4, v49;
	v53 =	vld [tilespmem:s24+$0x2A0]  }
0xbc: {  	v58 =	vld [tilespmem:$0x1A380];
	v54 =	vmul.f32 v47, v46;
	v8 =	vadd.f32 v51, v9;
	v5 =	vadd.f32 v5, v6  }
0xbd: {  	v3 =	vmul.f32 v3, v52;
	v56 =	vld [tilespmem:s24+$0x2C0]  }
0xbe: {  	v61 =	vld [tilespmem:$0x1A390];
	v57 =	vmul.f32 v50, v49;
	v7 =	vadd.f32 v54, v8;
	v4 =	vadd.f32 v4, v5  }
0xbf: {  	v2 =	vmul.f32 v2, v55;
	v59 =	vld [tilespmem:s24+$0x2E0]  }
0xc0: {  	v60 =	vmul.f32 v53, v52;
	v6 =	vadd.f32 v57, v7;
	v3 =	vadd.f32 v3, v4  }
0xc1: {  	v1 =	vmul.f32 v1, v58;
	v62 =	vld [tilespmem:s24+$0x300]  }
0xc2: {  	v63 =	vmul.f32 v56, v55;
	v5 =	vadd.f32 v60, v6;
	v2 =	vadd.f32 v2, v3  }
0xc3: {  	v0 =	vmul.f32 v0, v61  }
0xc4: {  	v3 =	vmul.f32 v59, v58;
	v5 =	vadd.f32 v63, v5;
	v1 =	vadd.f32 v1, v2;
	_ =	sdelay $0x1  }
0xc5: {  	v2 =	vmul.f32 v62, v61;
	v3 =	vadd.f32 v3, v5;
	v1 =	vadd.f32 v0, v1;
	_ =	sdelay $0x1  }
0xc6: {  	s25 =	simm.s32 $0x80;
	s28 =	simm.s32 $0x0;
	v0 =	vadd.f32 v2, v3;
	v1 =	vmax.f32 v1, $0.0e+00  }
.LBB2_3:
0xc7: {  	p0 =	sne.s32 s25, $0xF80  }
0xc8: {  	v0 =	vmax.f32 v0, $0.0e+00;
	[tilespmem:s28+$0x19C90] =	vst v1;
	s24 =	sadd.s32 $0x640, s24;
	s26 =	smov.u32 s25;
	s25 =	sadd.s32 $0x80, s25  }
0xc9: {  	[tilespmem:s28+$0x19C80] =	vst v0  }
0xca: {  	v8 =	vld [tilespmem:s24+$0xFFFFFCF0]  }
0xcb: {  	v0 =	vld [tilespmem:$0x1A090]  }
0xcc: {  	v1 =	vld [tilespmem:s24+$0xFFFFFD00]  }
0xcd: {  	v2 =	vld [tilespmem:s24+$0xFFFFFD10]  }
0xce: {  	v10 =	vld [tilespmem:$0x1A3A0]  }
0xcf: {  	v3 =	vld [tilespmem:$0x1A0A0]  }
0xd0: {  	v4 =	vld [tilespmem:s24+$0xFFFFFD20]  }
0xd1: {  	v12 =	vmul.f32 v1, v0;
	v1 =	vld [tilespmem:s24+$0xFFFFFD30]  }
0xd2: {  	v13 =	vmul.f32 v2, v0;
	v0 =	vld [tilespmem:$0x1A0B0]  }
0xd3: {  	v2 =	vld [tilespmem:s24+$0xFFFFFD40]  }
0xd4: {  	v5 =	vld [tilespmem:s24+$0xFFFFFD50]  }
0xd5: {  	v14 =	vmul.f32 v4, v3;
	v4 =	vld [tilespmem:$0x1A0C0]  }
0xd6: {  	v15 =	vmul.f32 v1, v3;
	v1 =	vld [tilespmem:s24+$0xFFFFFD60]  }
0xd7: {  	v3 =	vld [tilespmem:s24+$0xFFFFFD70]  }
0xd8: {  	v16 =	vmul.f32 v2, v0;
	v2 =	vld [tilespmem:$0x1A0D0]  }
0xd9: {  	v17 =	vmul.f32 v5, v0;
	v0 =	vld [tilespmem:s24+$0xFFFFFD80]  }
0xda: {  	v5 =	vld [tilespmem:s24+$0xFFFFFD90]  }
0xdb: {  	v18 =	vmul.f32 v1, v4;
	v1 =	vld [tilespmem:$0x1A0E0]  }
0xdc: {  	v19 =	vmul.f32 v3, v4;
	v3 =	vld [tilespmem:s24+$0xFFFFFDA0]  }
0xdd: {  	v4 =	vld [tilespmem:s24+$0xFFFFFDB0]  }
0xde: {  	v20 =	vmul.f32 v0, v2;
	v0 =	vld [tilespmem:$0x1A0F0]  }
0xdf: {  	v21 =	vmul.f32 v5, v2;
	v2 =	vld [tilespmem:s24+$0xFFFFFDC0]  }
0xe0: {  	v5 =	vld [tilespmem:s24+$0xFFFFFDD0]  }
0xe1: {  	v22 =	vmul.f32 v3, v1;
	v3 =	vld [tilespmem:$0x1A100]  }
0xe2: {  	v23 =	vmul.f32 v4, v1;
	v1 =	vld [tilespmem:s24+$0xFFFFFDE0]  }
0xe3: {  	v4 =	vld [tilespmem:s24+$0xFFFFFDF0]  }
0xe4: {  	v24 =	vmul.f32 v2, v0;
	v2 =	vld [tilespmem:$0x1A110]  }
0xe5: {  	v25 =	vmul.f32 v5, v0;
	v0 =	vld [tilespmem:s24+$0xFFFFFE00]  }
0xe6: {  	v5 =	vld [tilespmem:s24+$0xFFFFFE10]  }
0xe7: {  	v26 =	vmul.f32 v1, v3;
	v1 =	vld [tilespmem:$0x1A120]  }
0xe8: {  	v27 =	vmul.f32 v4, v3;
	v3 =	vld [tilespmem:s24+$0xFFFFFE20]  }
0xe9: {  	v4 =	vld [tilespmem:s24+$0xFFFFFE30]  }
0xea: {  	v28 =	vmul.f32 v0, v2;
	v0 =	vld [tilespmem:$0x1A130]  }
0xeb: {  	v29 =	vmul.f32 v5, v2;
	v2 =	vld [tilespmem:s24+$0xFFFFFE40]  }
0xec: {  	v5 =	vld [tilespmem:s24+$0xFFFFFE50]  }
0xed: {  	v30 =	vmul.f32 v3, v1;
	v3 =	vld [tilespmem:$0x1A140]  }
0xee: {  	v31 =	vmul.f32 v4, v1;
	v1 =	vld [tilespmem:s24+$0xFFFFFE60]  }
0xef: {  	v4 =	vld [tilespmem:s24+$0xFFFFFE70]  }
0xf0: {  	v32 =	vmul.f32 v2, v0;
	v2 =	vld [tilespmem:$0x1A150]  }
0xf1: {  	v33 =	vmul.f32 v5, v0;
	v0 =	vld [tilespmem:s24+$0xFFFFFE80]  }
0xf2: {  	v5 =	vld [tilespmem:s24+$0xFFFFFE90]  }
0xf3: {  	v34 =	vmul.f32 v1, v3;
	v1 =	vld [tilespmem:$0x1A160]  }
0xf4: {  	v35 =	vmul.f32 v4, v3;
	v3 =	vld [tilespmem:s24+$0xFFFFFEA0]  }
0xf5: {  	v4 =	vld [tilespmem:s24+$0xFFFFFEB0]  }
0xf6: {  	v36 =	vmul.f32 v0, v2;
	v6 =	vld [tilespmem:$0x1A170]  }
0xf7: {  	v37 =	vmul.f32 v5, v2;
	v5 =	vld [tilespmem:s24+$0xFFFFFEC0]  }
0xf8: {  	v7 =	vld [tilespmem:s24+$0xFFFFFED0]  }
0xf9: {  	v38 =	vmul.f32 v3, v1;
	v0 =	vld [tilespmem:s24+$0x310]  }
0xfa: {  	v39 =	vmul.f32 v4, v1;
	v1 =	vld [tilespmem:s24+$0x2F0]  }
0xfb: {  	v2 =	vld [tilespmem:s24+$0x2D0]  }
0xfc: {  	v40 =	vmul.f32 v5, v6;
	v3 =	vld [tilespmem:s24+$0x2B0]  }
0xfd: {  	v9 =	vld [tilespmem:s24+$0xFFFFFCE0];
	v41 =	vmul.f32 v7, v6  }
0xfe: {  	v11 =	vld [tilespmem:$0x1A080]  }
0xff: {  	v4 =	vld [tilespmem:s24+$0x290]  }
0x100: {  	v5 =	vld [tilespmem:s24+$0x270]  }
0x101: {  	v6 =	vld [tilespmem:s24+$0x250]  }
0x102: {  	v7 =	vld [tilespmem:s24+$0x230]  }
0x103: {  	v42 =	vmul.f32 v9, v11;
	v11 =	vmul.f32 v8, v11;
	v8 =	vld [tilespmem:s24+$0x210]  }
0x104: {  	v9 =	vld [tilespmem:s24+$0x1F0]  }
0x105: {  	v42 =	vadd.f32 v42, v10;
	v43 =	vadd.f32 v11, v10;
	v10 =	vld [tilespmem:s24+$0x1D0]  }
0x106: {  	v11 =	vld [tilespmem:s24+$0x1B0]  }
0x107: {  	v42 =	vadd.f32 v12, v42;
	v43 =	vadd.f32 v13, v43;
	v12 =	vld [tilespmem:s24+$0x190]  }
0x108: {  	v13 =	vld [tilespmem:s24+$0x170]  }
0x109: {  	v42 =	vadd.f32 v14, v42;
	v43 =	vadd.f32 v15, v43;
	v14 =	vld [tilespmem:s24+$0x150]  }
0x10a: {  	v15 =	vld [tilespmem:s24+$0x130]  }
0x10b: {  	v42 =	vadd.f32 v16, v42;
	v43 =	vadd.f32 v17, v43;
	v16 =	vld [tilespmem:s24+$0x110]  }
0x10c: {  	v17 =	vld [tilespmem:s24+$0xF0]  }
0x10d: {  	v42 =	vadd.f32 v18, v42;
	v43 =	vadd.f32 v19, v43;
	v18 =	vld [tilespmem:s24+$0xD0]  }
0x10e: {  	v19 =	vld [tilespmem:s24+$0xB0]  }
0x10f: {  	v42 =	vadd.f32 v20, v42;
	v43 =	vadd.f32 v21, v43;
	v20 =	vld [tilespmem:s24+$0x90]  }
0x110: {  	v21 =	vld [tilespmem:s24+$0x70]  }
0x111: {  	v42 =	vadd.f32 v22, v42;
	v43 =	vadd.f32 v23, v43;
	v22 =	vld [tilespmem:s24+$0x50]  }
0x112: {  	v23 =	vld [tilespmem:s24+$0x30]  }
0x113: {  	v24 =	vadd.f32 v24, v42;
	v25 =	vadd.f32 v25, v43;
	v42 =	vld [tilespmem:s24+$0x10]  }
0x114: {  	v43 =	vld [tilespmem:s24+$0xFFFFFFF0]  }
0x115: {  	v24 =	vadd.f32 v26, v24;
	v25 =	vadd.f32 v27, v25;
	v26 =	vld [tilespmem:s24+$0xFFFFFFD0]  }
0x116: {  	v27 =	vld [tilespmem:s24+$0xFFFFFFB0]  }
0x117: {  	v24 =	vadd.f32 v28, v24;
	v25 =	vadd.f32 v29, v25;
	v28 =	vld [tilespmem:s24+$0xFFFFFF90]  }
0x118: {  	v29 =	vld [tilespmem:s24+$0xFFFFFF70]  }
0x119: {  	v24 =	vadd.f32 v30, v24;
	v25 =	vadd.f32 v31, v25;
	v30 =	vld [tilespmem:s24+$0xFFFFFF50]  }
0x11a: {  	v31 =	vld [tilespmem:s24+$0xFFFFFF30]  }
0x11b: {  	v24 =	vadd.f32 v32, v24;
	v25 =	vadd.f32 v33, v25;
	v32 =	vld [tilespmem:s24+$0xFFFFFF10]  }
0x11c: {  	v33 =	vld [tilespmem:s24+$0xFFFFFEF0]  }
0x11d: {  	v24 =	vadd.f32 v34, v24;
	v25 =	vadd.f32 v35, v25;
	v34 =	vld [tilespmem:s24+$0xFFFFFEE0]  }
0x11e: {  	v35 =	vld [tilespmem:$0x1A180]  }
0x11f: {  	v24 =	vadd.f32 v36, v24;
	v25 =	vadd.f32 v37, v25;
	v36 =	vld [tilespmem:s24+$0xFFFFFF00]  }
0x120: {  	v37 =	vld [tilespmem:$0x1A190]  }
0x121: {  	v24 =	vadd.f32 v38, v24;
	v25 =	vadd.f32 v39, v25;
	v38 =	vld [tilespmem:s24+$0xFFFFFF20]  }
0x122: {  	v39 =	vld [tilespmem:$0x1A1A0]  }
0x123: {  	v24 =	vadd.f32 v40, v24;
	v25 =	vadd.f32 v41, v25;
	v33 =	vmul.f32 v33, v35;
	v40 =	vld [tilespmem:s24+$0xFFFFFF40]  }
0x124: {  	v34 =	vmul.f32 v34, v35;
	v35 =	vld [tilespmem:$0x1A1B0]  }
0x125: {  	v25 =	vadd.f32 v33, v25;
	v33 =	vmul.f32 v36, v37;
	v32 =	vmul.f32 v32, v37;
	v36 =	vld [tilespmem:s24+$0xFFFFFF60]  }
0x126: {  	v24 =	vadd.f32 v34, v24;
	v34 =	vld [tilespmem:$0x1A1C0]  }
0x127: {  	v25 =	vadd.f32 v32, v25;
	v32 =	vmul.f32 v38, v39;
	v31 =	vmul.f32 v31, v39;
	v37 =	vld [tilespmem:s24+$0xFFFFFF80]  }
0x128: {  	v24 =	vadd.f32 v33, v24;
	v33 =	vld [tilespmem:$0x1A1D0]  }
0x129: {  	v25 =	vadd.f32 v31, v25;
	v31 =	vmul.f32 v40, v35;
	v30 =	vmul.f32 v30, v35;
	v35 =	vld [tilespmem:s24+$0xFFFFFFA0]  }
0x12a: {  	v24 =	vadd.f32 v32, v24;
	v32 =	vld [tilespmem:$0x1A1E0]  }
0x12b: {  	v25 =	vadd.f32 v30, v25;
	v30 =	vmul.f32 v36, v34;
	v29 =	vmul.f32 v29, v34;
	v34 =	vld [tilespmem:s24+$0xFFFFFFC0]  }
0x12c: {  	v24 =	vadd.f32 v31, v24;
	v31 =	vld [tilespmem:$0x1A1F0]  }
0x12d: {  	v25 =	vadd.f32 v29, v25;
	v29 =	vmul.f32 v37, v33;
	v28 =	vmul.f32 v28, v33;
	v33 =	vld [tilespmem:s24+$0xFFFFFFE0]  }
0x12e: {  	v24 =	vadd.f32 v30, v24;
	v30 =	vld [tilespmem:$0x1A200]  }
0x12f: {  	v25 =	vadd.f32 v28, v25;
	v28 =	vmul.f32 v35, v32;
	v27 =	vmul.f32 v27, v32;
	v32 =	vld [tilespmem:s24+$0x0]  }
0x130: {  	v24 =	vadd.f32 v29, v24;
	v29 =	vld [tilespmem:$0x1A210]  }
0x131: {  	v25 =	vadd.f32 v27, v25;
	v27 =	vmul.f32 v34, v31;
	v26 =	vmul.f32 v26, v31;
	v31 =	vld [tilespmem:s24+$0x20]  }
0x132: {  	v24 =	vadd.f32 v28, v24;
	v28 =	vld [tilespmem:$0x1A220]  }
0x133: {  	v25 =	vadd.f32 v26, v25;
	v26 =	vmul.f32 v33, v30;
	v30 =	vmul.f32 v43, v30;
	v33 =	vld [tilespmem:s24+$0x40]  }
0x134: {  	v24 =	vadd.f32 v27, v24;
	v27 =	vld [tilespmem:$0x1A230]  }
0x135: {  	v25 =	vadd.f32 v30, v25;
	v30 =	vmul.f32 v32, v29;
	v29 =	vmul.f32 v42, v29;
	v32 =	vld [tilespmem:s24+$0x60]  }
0x136: {  	v24 =	vadd.f32 v26, v24;
	v26 =	vld [tilespmem:$0x1A240]  }
0x137: {  	v25 =	vadd.f32 v29, v25;
	v29 =	vmul.f32 v31, v28;
	v23 =	vmul.f32 v23, v28;
	v28 =	vld [tilespmem:s24+$0x80]  }
0x138: {  	v24 =	vadd.f32 v30, v24;
	v30 =	vld [tilespmem:$0x1A250]  }
0x139: {  	v23 =	vadd.f32 v23, v25;
	v25 =	vmul.f32 v33, v27;
	v22 =	vmul.f32 v22, v27;
	v27 =	vld [tilespmem:s24+$0xA0]  }
0x13a: {  	v24 =	vadd.f32 v29, v24;
	v29 =	vld [tilespmem:$0x1A260]  }
0x13b: {  	v22 =	vadd.f32 v22, v23;
	v23 =	vmul.f32 v32, v26;
	v21 =	vmul.f32 v21, v26;
	v26 =	vld [tilespmem:s24+$0xC0]  }
0x13c: {  	v24 =	vadd.f32 v25, v24;
	v25 =	vld [tilespmem:$0x1A270]  }
0x13d: {  	v21 =	vadd.f32 v21, v22;
	v22 =	vmul.f32 v28, v30;
	v20 =	vmul.f32 v20, v30;
	v28 =	vld [tilespmem:s24+$0xE0]  }
0x13e: {  	v23 =	vadd.f32 v23, v24;
	v24 =	vld [tilespmem:$0x1A280]  }
0x13f: {  	v20 =	vadd.f32 v20, v21;
	v21 =	vmul.f32 v27, v29;
	v19 =	vmul.f32 v19, v29;
	v27 =	vld [tilespmem:s24+$0x100]  }
0x140: {  	v22 =	vadd.f32 v22, v23;
	v23 =	vld [tilespmem:$0x1A290]  }
0x141: {  	v19 =	vadd.f32 v19, v20;
	v20 =	vmul.f32 v26, v25;
	v18 =	vmul.f32 v18, v25;
	v25 =	vld [tilespmem:s24+$0x120]  }
0x142: {  	v21 =	vadd.f32 v21, v22;
	v22 =	vld [tilespmem:$0x1A2A0]  }
0x143: {  	v18 =	vadd.f32 v18, v19;
	v19 =	vmul.f32 v28, v24;
	v17 =	vmul.f32 v17, v24;
	v24 =	vld [tilespmem:s24+$0x140]  }
0x144: {  	v20 =	vadd.f32 v20, v21;
	v21 =	vld [tilespmem:$0x1A2B0]  }
0x145: {  	v17 =	vadd.f32 v17, v18;
	v18 =	vmul.f32 v27, v23;
	v16 =	vmul.f32 v16, v23;
	v23 =	vld [tilespmem:s24+$0x160]  }
0x146: {  	v19 =	vadd.f32 v19, v20;
	v20 =	vld [tilespmem:$0x1A2C0]  }
0x147: {  	v16 =	vadd.f32 v16, v17;
	v17 =	vmul.f32 v25, v22;
	v15 =	vmul.f32 v15, v22;
	v22 =	vld [tilespmem:s24+$0x180]  }
0x148: {  	v18 =	vadd.f32 v18, v19;
	v19 =	vld [tilespmem:$0x1A2D0]  }
0x149: {  	v15 =	vadd.f32 v15, v16;
	v16 =	vmul.f32 v24, v21;
	v14 =	vmul.f32 v14, v21;
	v21 =	vld [tilespmem:s24+$0x1A0]  }
0x14a: {  	v17 =	vadd.f32 v17, v18;
	v18 =	vld [tilespmem:$0x1A2E0]  }
0x14b: {  	v14 =	vadd.f32 v14, v15;
	v15 =	vmul.f32 v23, v20;
	v13 =	vmul.f32 v13, v20;
	v20 =	vld [tilespmem:s24+$0x1C0]  }
0x14c: {  	v16 =	vadd.f32 v16, v17;
	v17 =	vld [tilespmem:$0x1A2F0]  }
0x14d: {  	v13 =	vadd.f32 v13, v14;
	v14 =	vmul.f32 v22, v19;
	v12 =	vmul.f32 v12, v19;
	v19 =	vld [tilespmem:s24+$0x1E0]  }
0x14e: {  	v15 =	vadd.f32 v15, v16;
	v16 =	vld [tilespmem:$0x1A300]  }
0x14f: {  	v12 =	vadd.f32 v12, v13;
	v13 =	vmul.f32 v21, v18;
	v11 =	vmul.f32 v11, v18;
	v18 =	vld [tilespmem:s24+$0x200]  }
0x150: {  	v14 =	vadd.f32 v14, v15;
	v15 =	vld [tilespmem:$0x1A310]  }
0x151: {  	v11 =	vadd.f32 v11, v12;
	v12 =	vmul.f32 v20, v17;
	v10 =	vmul.f32 v10, v17;
	v17 =	vld [tilespmem:s24+$0x220]  }
0x152: {  	v13 =	vadd.f32 v13, v14;
	v14 =	vld [tilespmem:$0x1A320]  }
0x153: {  	v10 =	vadd.f32 v10, v11;
	v11 =	vmul.f32 v19, v16;
	v9 =	vmul.f32 v9, v16;
	v16 =	vld [tilespmem:s24+$0x240]  }
0x154: {  	v12 =	vadd.f32 v12, v13;
	v13 =	vld [tilespmem:$0x1A330]  }
0x155: {  	v9 =	vadd.f32 v9, v10;
	v10 =	vmul.f32 v18, v15;
	v8 =	vmul.f32 v8, v15;
	v15 =	vld [tilespmem:s24+$0x260]  }
0x156: {  	v11 =	vadd.f32 v11, v12;
	v12 =	vld [tilespmem:$0x1A340]  }
0x157: {  	v8 =	vadd.f32 v8, v9;
	v9 =	vmul.f32 v17, v14;
	v7 =	vmul.f32 v7, v14;
	v14 =	vld [tilespmem:s24+$0x280]  }
0x158: {  	v10 =	vadd.f32 v10, v11;
	v11 =	vld [tilespmem:$0x1A350]  }
0x159: {  	v7 =	vadd.f32 v7, v8;
	v8 =	vmul.f32 v16, v13;
	v6 =	vmul.f32 v6, v13;
	v13 =	vld [tilespmem:s24+$0x2A0]  }
0x15a: {  	v9 =	vadd.f32 v9, v10;
	v10 =	vld [tilespmem:$0x1A360]  }
0x15b: {  	v6 =	vadd.f32 v6, v7;
	v7 =	vmul.f32 v15, v12;
	v5 =	vmul.f32 v5, v12;
	v12 =	vld [tilespmem:s24+$0x2C0]  }
0x15c: {  	v8 =	vadd.f32 v8, v9;
	v9 =	vld [tilespmem:$0x1A370]  }
0x15d: {  	v5 =	vadd.f32 v5, v6;
	v6 =	vmul.f32 v14, v11;
	v4 =	vmul.f32 v4, v11;
	v11 =	vld [tilespmem:s24+$0x2E0]  }
0x15e: {  	v7 =	vadd.f32 v7, v8;
	v8 =	vld [tilespmem:$0x1A380]  }
0x15f: {  	v4 =	vadd.f32 v4, v5;
	v5 =	vmul.f32 v13, v10;
	v3 =	vmul.f32 v3, v10;
	v10 =	vld [tilespmem:s24+$0x300]  }
0x160: {  	v6 =	vadd.f32 v6, v7;
	v7 =	vld [tilespmem:$0x1A390]  }
0x161: {  	v3 =	vadd.f32 v3, v4;
	v4 =	vmul.f32 v12, v9;
	v2 =	vmul.f32 v2, v9  }
0x162: {  	v5 =	vadd.f32 v5, v6  }
0x163: {  	v2 =	vadd.f32 v2, v3;
	v3 =	vmul.f32 v11, v8;
	v1 =	vmul.f32 v1, v8  }
0x164: {  	v4 =	vadd.f32 v4, v5  }
.Ltmp2:
0x165: {  	v1 =	vadd.f32 v1, v2;
	v2 =	vmul.f32 v10, v7;
	v0 =	vmul.f32 v0, v7;
	(pc) =	sbr.rel @p0 .LBB2_3-.Ltmp2, $4  }
0x166: {  	v3 =	vadd.f32 v3, v4  }
0x167: {  	v1 =	vadd.f32 v0, v1  }
0x168: {  	v0 =	vadd.f32 v2, v3  }
0x169: {  	s28 =	sshra.s32 s26, $0x2;
	v1 =	vmax.f32 v1, $0.0e+00  }
0x16a: {  	v0 =	vmax.f32 v0, $0.0e+00;
	[tilespmem:s28+$0x19C90] =	vst v1;
	s24 =	sshll.u32 s23, $0x8;
	p0 =	seq.s32 s23, $0x7  }
0x16b: {  	[tilespmem:s28+$0x19C80] =	vst v0;
	s24 =	sadd.s32 s24, s9;
	s25 =	smul.u32 @!p0 $0xC80, s23  }
0x16c: {  	[hbm4b:s24+s4] =	stream.linear.scatter [tilespmem:s20], [sflag:$0x3], $0x400, $0x38;
	[tilespmem:$0x1A3B0] =	vst v63  }
0x16d: {  	_ =	swait.ge [sflag:s14], $0x400;
	s25 =	sadd.s32 @!p0 s25, s10  }
0x16e: {  	[sflag:s14] =	ssyncset.done $0x0;
	s25 =	sshrl.u32 @!p0 s25, $0x3  }
0x16f: {  	s26 =	simm.s32 @!p0 $0x0;
	[sflag:s14] =	ssyncadd.s32 $0xFFFFFC00;
	s25 =	sadd.s32 @!p0 s1, s25  }
0x170: {  	[tilespmem:s26], [sflag:$0x3] =	stream.linear.gather @!p0 [hbm4b:s25+s26], $0x640, $0x38;
	[tilespmem:$0x1A3B0] =	vst v63  }
0x171: {  	s25 =	simm.s32 @!p0 $0x3  }
0x172: {  	_ =	swait.ge @!p0 [sflag:s25], $0x640  }
0x173: {  	[sflag:s25] =	ssyncset.done @!p0 $0x0  }
0x174: {  	s28 =	simm.s32 @!p0 $0xC80;
	[sflag:s25] =	ssyncadd.s32 @!p0 $0xFFFFF9C0;
	s25 =	simm.s32 @!p0 $0x640  }
0x175: {  	[tilespmem:s28], [sflag:$0x1] =	stream.indirect.gather @!p0 [hbm4b:s5+s25], $0x20, s26, s25, $0xb8;
	[tilespmem:$0x1A3B0] =	vst v63  }
0x176: {  	_ =	swait.ge [sflag:s21], $0xC800  }
0x177: {  	[sflag:s21] =	ssyncset.done $0x0  }
0x178: {  	s25 =	simm.s32 $0xD7A0;
	[sflag:s21] =	ssyncadd.s32 $0xFFFF3800  }
0x179: {  	v8 =	vld [tilespmem:s25+$0xFFFFFCF0]  }
0x17a: {  	v10 =	vld [tilespmem:$0x1A090]  }
0x17b: {  	v11 =	vld [tilespmem:s25+$0xFFFFFD00]  }
0x17c: {  	v9 =	vld [tilespmem:s25+$0xFFFFFD10]  }
0x17d: {  	v12 =	vld [tilespmem:$0x1A3A0]  }
0x17e: {  	v13 =	vld [tilespmem:$0x1A0A0]  }
0x17f: {  	v14 =	vld [tilespmem:s25+$0xFFFFFD20]  }
0x180: {  	v15 =	vld [tilespmem:s25+$0xFFFFFD30]  }
0x181: {  	v16 =	vld [tilespmem:$0x1A0B0]  }
0x182: {  	v17 =	vld [tilespmem:s25+$0xFFFFFD40]  }
0x183: {  	v18 =	vld [tilespmem:s25+$0xFFFFFD50]  }
0x184: {  	v19 =	vld [tilespmem:$0x1A0C0]  }
0x185: {  	v20 =	vld [tilespmem:s25+$0xFFFFFD60]  }
0x186: {  	v21 =	vld [tilespmem:s25+$0xFFFFFD70]  }
0x187: {  	v22 =	vld [tilespmem:$0x1A0D0]  }
0x188: {  	v23 =	vld [tilespmem:s25+$0xFFFFFD80]  }
0x189: {  	v24 =	vld [tilespmem:s25+$0xFFFFFD90]  }
0x18a: {  	v25 =	vld [tilespmem:$0x1A0E0]  }
0x18b: {  	v26 =	vld [tilespmem:s25+$0xFFFFFDA0]  }
0x18c: {  	v27 =	vld [tilespmem:s25+$0xFFFFFDB0]  }
0x18d: {  	v28 =	vld [tilespmem:$0x1A0F0]  }
0x18e: {  	v29 =	vld [tilespmem:s25+$0xFFFFFDC0]  }
0x18f: {  	v30 =	vld [tilespmem:s25+$0xFFFFFDD0]  }
0x190: {  	v31 =	vld [tilespmem:$0x1A100]  }
0x191: {  	v32 =	vld [tilespmem:s25+$0xFFFFFDE0]  }
0x192: {  	v33 =	vld [tilespmem:s25+$0xFFFFFDF0]  }
0x193: {  	v34 =	vld [tilespmem:$0x1A110]  }
0x194: {  	v35 =	vld [tilespmem:s25+$0xFFFFFE00]  }
0x195: {  	v36 =	vld [tilespmem:s25+$0xFFFFFE10]  }
0x196: {  	v37 =	vld [tilespmem:$0x1A120]  }
0x197: {  	v38 =	vld [tilespmem:s25+$0xFFFFFE20]  }
0x198: {  	v39 =	vld [tilespmem:s25+$0xFFFFFE30]  }
0x199: {  	v40 =	vld [tilespmem:$0x1A130]  }
0x19a: {  	v41 =	vld [tilespmem:s25+$0xFFFFFE40]  }
0x19b: {  	v42 =	vld [tilespmem:s25+$0xFFFFFE50]  }
0x19c: {  	v43 =	vld [tilespmem:$0x1A140]  }
0x19d: {  	v44 =	vld [tilespmem:s25+$0xFFFFFE60]  }
0x19e: {  	v45 =	vld [tilespmem:s25+$0xFFFFFE70]  }
0x19f: {  	v46 =	vld [tilespmem:$0x1A150]  }
0x1a0: {  	v47 =	vld [tilespmem:s25+$0xFFFFFE80]  }
0x1a1: {  	v48 =	vld [tilespmem:s25+$0xFFFFFE90]  }
0x1a2: {  	v49 =	vld [tilespmem:$0x1A160]  }
0x1a3: {  	v50 =	vld [tilespmem:s25+$0xFFFFFEA0]  }
0x1a4: {  	v51 =	vld [tilespmem:s25+$0xFFFFFEB0]  }
0x1a5: {  	v52 =	vld [tilespmem:$0x1A170]  }
0x1a6: {  	v53 =	vld [tilespmem:s25+$0xFFFFFEC0]  }
0x1a7: {  	v54 =	vld [tilespmem:s25+$0xFFFFFED0]  }
0x1a8: {  	v0 =	vld [tilespmem:s25+$0x310]  }
0x1a9: {  	v1 =	vld [tilespmem:s25+$0x2F0]  }
0x1aa: {  	v2 =	vld [tilespmem:s25+$0x2D0]  }
0x1ab: {  	v3 =	vld [tilespmem:s25+$0x2B0]  }
0x1ac: {  	v55 =	vld [tilespmem:$0x1A080]  }
0x1ad: {  	v56 =	vld [tilespmem:s25+$0xFFFFFCE0]  }
0x1ae: {  	v4 =	vld [tilespmem:s25+$0x290]  }
0x1af: {  	v5 =	vld [tilespmem:s25+$0x270]  }
0x1b0: {  	v6 =	vld [tilespmem:s25+$0x250]  }
0x1b1: {  	v7 =	vld [tilespmem:s25+$0x230];
	v57 =	vmul.f32 v8, v55  }
0x1b2: {  	v8 =	vld [tilespmem:s25+$0x210]  }
0x1b3: {  	v55 =	vmul.f32 v56, v55;
	v61 =	vmul.f32 v9, v10;
	v9 =	vld [tilespmem:s25+$0x1F0];
	v57 =	vadd.f32 v57, v12  }
0x1b4: {  	v58 =	vmul.f32 v11, v10;
	v10 =	vld [tilespmem:s25+$0x1D0];
	v15 =	vmul.f32 v15, v13  }
0x1b5: {  	v11 =	vld [tilespmem:s25+$0x1B0];
	v14 =	vmul.f32 v14, v13;
	v12 =	vadd.f32 v55, v12;
	v62 =	vadd.f32 v61, v57  }
0x1b6: {  	v18 =	vmul.f32 v18, v16;
	v13 =	vld [tilespmem:s25+$0x170];
	v16 =	vmul.f32 v17, v16  }
0x1b7: {  	v21 =	vmul.f32 v21, v19;
	v17 =	vld [tilespmem:s25+$0xF0];
	v63 =	vadd.f32 v58, v12;
	v15 =	vadd.f32 v15, v62  }
0x1b8: {  	v24 =	vmul.f32 v24, v22;
	v22 =	vmul.f32 v23, v22;
	v23 =	vld [tilespmem:s25+$0x70]  }
0x1b9: {  	v59 =	vmul.f32 v26, v25;
	v26 =	vld [tilespmem:s25+$0x10];
	v56 =	vadd.f32 v14, v63;
	v18 =	vadd.f32 v18, v15  }
0x1ba: {  	v19 =	vmul.f32 v20, v19;
	v60 =	vmul.f32 v30, v28;
	v30 =	vld [tilespmem:s25+$0xFFFFFF90]  }
0x1bb: {  	v55 =	vmul.f32 v39, v37;
	v39 =	vld [tilespmem:$0x1A250];
	v57 =	vadd.f32 v16, v56;
	v21 =	vadd.f32 v21, v18  }
0x1bc: {  	v12 =	vld [tilespmem:s25+$0x190]  }
0x1bd: {  	v58 =	vmul.f32 v27, v25;
	v25 =	vld [tilespmem:s25+$0x30];
	v20 =	vadd.f32 v19, v57;
	v21 =	vadd.f32 v24, v21  }
0x1be: {  	v27 =	vld [tilespmem:s25+$0xFFFFFFF0]  }
0x1bf: {  	v61 =	vmul.f32 v29, v28;
	v28 =	vld [tilespmem:s25+$0xFFFFFFD0];
	v22 =	vadd.f32 v22, v20;
	v21 =	vadd.f32 v58, v21  }
0x1c0: {  	v29 =	vld [tilespmem:s25+$0xFFFFFFB0]  }
0x1c1: {  	v14 =	vld [tilespmem:s25+$0x150];
	v62 =	vmul.f32 v33, v31;
	v22 =	vadd.f32 v59, v22;
	v21 =	vadd.f32 v60, v21  }
0x1c2: {  	v63 =	vmul.f32 v32, v31;
	v31 =	vld [tilespmem:s25+$0xFFFFFF70]  }
0x1c3: {  	v33 =	vmul.f32 v36, v34;
	v32 =	vld [tilespmem:s25+$0xFFFFFF50];
	v22 =	vadd.f32 v61, v22;
	v21 =	vadd.f32 v62, v21  }
0x1c4: {  	v15 =	vld [tilespmem:s25+$0x130]  }
0x1c5: {  	v36 =	vmul.f32 v35, v34;
	v16 =	vld [tilespmem:s25+$0x110];
	v22 =	vadd.f32 v63, v22;
	v21 =	vadd.f32 v33, v21  }
0x1c6: {  	v56 =	vmul.f32 v38, v37;
	v37 =	vld [tilespmem:s25+$0x60]  }
0x1c7: {  	v18 =	vld [tilespmem:s25+$0xD0];
	v57 =	vmul.f32 v42, v40;
	v22 =	vadd.f32 v36, v22;
	v21 =	vadd.f32 v55, v21  }
0x1c8: {  	v24 =	vld [tilespmem:s25+$0x50];
	v58 =	vmul.f32 v41, v40  }
0x1c9: {  	v59 =	vmul.f32 v45, v43;
	v45 =	vld [tilespmem:$0x1A180];
	v22 =	vadd.f32 v56, v22;
	v21 =	vadd.f32 v57, v21  }
0x1ca: {  	v60 =	vmul.f32 v44, v43;
	v61 =	vld [tilespmem:s25+$0xFFFFFF10];
	v44 =	vmul.f32 v47, v46  }
0x1cb: {  	v47 =	vld [tilespmem:s25+$0xFFFFFEE0];
	v62 =	vmul.f32 v48, v46;
	v22 =	vadd.f32 v58, v22;
	v21 =	vadd.f32 v59, v21  }
0x1cc: {  	v63 =	vld [tilespmem:s25+$0xFFFFFEF0];
	v46 =	vmul.f32 v51, v49  }
0x1cd: {  	v48 =	vmul.f32 v50, v49;
	v49 =	vld [tilespmem:$0x1A190];
	v22 =	vadd.f32 v60, v22;
	v21 =	vadd.f32 v62, v21  }
0x1ce: {  	v51 =	vld [tilespmem:s25+$0xFFFFFF00]  }
0x1cf: {  	v50 =	vmul.f32 v54, v52;
	v33 =	vld [tilespmem:s25+$0xFFFFFF30];
	v22 =	vadd.f32 v44, v22;
	v21 =	vadd.f32 v46, v21  }
0x1d0: {  	v54 =	vmul.f32 v53, v52;
	v55 =	vld [tilespmem:$0x1A1A0]  }
0x1d1: {  	v56 =	vld [tilespmem:s25+$0xFFFFFF20];
	v35 =	vmul.f32 v63, v45;
	v22 =	vadd.f32 v48, v22;
	v21 =	vadd.f32 v50, v21  }
0x1d2: {  	v36 =	vmul.f32 v47, v45;
	v57 =	vld [tilespmem:$0x1A1B0]  }
0x1d3: {  	v34 =	vmul.f32 v61, v49;
	v58 =	vld [tilespmem:s25+$0xFFFFFF40];
	v22 =	vadd.f32 v54, v22;
	v21 =	vadd.f32 v35, v21  }
0x1d4: {  	v59 =	vmul.f32 v51, v49;
	v60 =	vld [tilespmem:$0x1A1C0]  }
0x1d5: {  	v63 =	vld [tilespmem:$0x1A1D0];
	v33 =	vmul.f32 v33, v55;
	v22 =	vadd.f32 v36, v22;
	v21 =	vadd.f32 v34, v21  }
0x1d6: {  	v61 =	vld [tilespmem:s25+$0xFFFFFF60];
	v62 =	vmul.f32 v56, v55  }
0x1d7: {  	v44 =	vld [tilespmem:s25+$0xFFFFFF80];
	v32 =	vmul.f32 v32, v57;
	v22 =	vadd.f32 v59, v22;
	v21 =	vadd.f32 v33, v21  }
0x1d8: {  	v45 =	vmul.f32 v58, v57;
	v46 =	vld [tilespmem:$0x1A1E0]  }
0x1d9: {  	v49 =	vld [tilespmem:$0x1A1F0];
	v31 =	vmul.f32 v31, v60;
	v22 =	vadd.f32 v62, v22;
	v21 =	vadd.f32 v32, v21  }
0x1da: {  	v47 =	vld [tilespmem:s25+$0xFFFFFFA0];
	v30 =	vmul.f32 v30, v63  }
0x1db: {  	v52 =	vld [tilespmem:$0x1A200];
	v48 =	vmul.f32 v61, v60;
	v22 =	vadd.f32 v45, v22;
	v21 =	vadd.f32 v31, v21  }
0x1dc: {  	v50 =	vld [tilespmem:s25+$0xFFFFFFC0];
	v51 =	vmul.f32 v44, v63  }
0x1dd: {  	v53 =	vld [tilespmem:s25+$0xFFFFFFE0];
	v29 =	vmul.f32 v29, v46;
	v22 =	vadd.f32 v48, v22;
	v21 =	vadd.f32 v30, v21  }
0x1de: {  	v55 =	vld [tilespmem:$0x1A210];
	v28 =	vmul.f32 v28, v49  }
0x1df: {  	v56 =	vld [tilespmem:s25+$0x0];
	v54 =	vmul.f32 v47, v46;
	v22 =	vadd.f32 v51, v22;
	v21 =	vadd.f32 v29, v21  }
0x1e0: {  	v27 =	vmul.f32 v27, v52;
	v58 =	vld [tilespmem:$0x1A220]  }
0x1e1: {  	v61 =	vld [tilespmem:$0x1A230];
	v57 =	vmul.f32 v50, v49;
	v22 =	vadd.f32 v54, v22;
	v21 =	vadd.f32 v28, v21  }
0x1e2: {  	v60 =	vmul.f32 v53, v52;
	v59 =	vld [tilespmem:s25+$0x20]  }
0x1e3: {  	v26 =	vmul.f32 v26, v55;
	v36 =	vld [tilespmem:$0x1A240];
	v22 =	vadd.f32 v57, v22;
	v21 =	vadd.f32 v27, v21  }
0x1e4: {  	v63 =	vmul.f32 v56, v55;
	v62 =	vld [tilespmem:s25+$0x40]  }
0x1e5: {  	v20 =	vld [tilespmem:s25+$0x90];
	v25 =	vmul.f32 v25, v58;
	v22 =	vadd.f32 v60, v22;
	v21 =	vadd.f32 v26, v21  }
0x1e6: {  	v19 =	vld [tilespmem:s25+$0xB0];
	v24 =	vmul.f32 v24, v61  }
0x1e7: {  	v42 =	vld [tilespmem:$0x1A260];
	v38 =	vmul.f32 v59, v58;
	v22 =	vadd.f32 v63, v22;
	v21 =	vadd.f32 v25, v21  }
0x1e8: {  	v40 =	vld [tilespmem:s25+$0x80];
	v23 =	vmul.f32 v23, v36  }
0x1e9: {  	v43 =	vld [tilespmem:s25+$0xA0];
	v41 =	vmul.f32 v62, v61;
	v22 =	vadd.f32 v38, v22;
	v21 =	vadd.f32 v24, v21  }
0x1ea: {  	v20 =	vmul.f32 v20, v39;
	v45 =	vld [tilespmem:$0x1A270]  }
0x1eb: {  	v46 =	vld [tilespmem:s25+$0xC0];
	v44 =	vmul.f32 v37, v36;
	v22 =	vadd.f32 v41, v22;
	v21 =	vadd.f32 v23, v21  }
0x1ec: {  	v19 =	vmul.f32 v19, v42;
	v48 =	vld [tilespmem:$0x1A280]  }
0x1ed: {  	v47 =	vmul.f32 v40, v39;
	v49 =	vld [tilespmem:s25+$0xE0];
	v22 =	vadd.f32 v44, v22;
	v20 =	vadd.f32 v20, v21  }
0x1ee: {  	v50 =	vmul.f32 v43, v42;
	v51 =	vld [tilespmem:$0x1A290]  }
0x1ef: {  	v52 =	vld [tilespmem:s25+$0x100];
	v18 =	vmul.f32 v18, v45;
	v22 =	vadd.f32 v47, v22;
	v19 =	vadd.f32 v19, v20  }
0x1f0: {  	v53 =	vmul.f32 v46, v45;
	v54 =	vld [tilespmem:$0x1A2A0]  }
0x1f1: {  	v55 =	vld [tilespmem:s25+$0x120];
	v17 =	vmul.f32 v17, v48;
	v21 =	vadd.f32 v50, v22;
	v18 =	vadd.f32 v18, v19  }
0x1f2: {  	v56 =	vmul.f32 v49, v48;
	v57 =	vld [tilespmem:$0x1A2B0]  }
0x1f3: {  	v58 =	vld [tilespmem:s25+$0x140];
	v16 =	vmul.f32 v16, v51;
	v20 =	vadd.f32 v53, v21;
	v17 =	vadd.f32 v17, v18  }
0x1f4: {  	v59 =	vmul.f32 v52, v51;
	v60 =	vld [tilespmem:$0x1A2C0]  }
0x1f5: {  	v61 =	vld [tilespmem:s25+$0x160];
	v15 =	vmul.f32 v15, v54;
	v19 =	vadd.f32 v56, v20;
	v16 =	vadd.f32 v16, v17  }
0x1f6: {  	v62 =	vmul.f32 v55, v54;
	v63 =	vld [tilespmem:$0x1A2D0]  }
0x1f7: {  	v28 =	vld [tilespmem:$0x1A2E0];
	v14 =	vmul.f32 v14, v57;
	v18 =	vadd.f32 v59, v19;
	v15 =	vadd.f32 v15, v16  }
0x1f8: {  	v26 =	vld [tilespmem:s25+$0x180];
	v27 =	vmul.f32 v58, v57  }
0x1f9: {  	v31 =	vld [tilespmem:$0x1A2F0];
	v13 =	vmul.f32 v13, v60;
	v17 =	vadd.f32 v62, v18;
	v14 =	vadd.f32 v14, v15  }
0x1fa: {  	v29 =	vld [tilespmem:s25+$0x1A0];
	v30 =	vmul.f32 v61, v60  }
0x1fb: {  	v34 =	vld [tilespmem:$0x1A300];
	v12 =	vmul.f32 v12, v63;
	v16 =	vadd.f32 v27, v17;
	v13 =	vadd.f32 v13, v14  }
0x1fc: {  	v32 =	vld [tilespmem:s25+$0x1C0];
	v11 =	vmul.f32 v11, v28  }
0x1fd: {  	v35 =	vld [tilespmem:s25+$0x1E0];
	v33 =	vmul.f32 v26, v63;
	v15 =	vadd.f32 v30, v16;
	v12 =	vadd.f32 v12, v13  }
0x1fe: {  	v37 =	vld [tilespmem:$0x1A310];
	v10 =	vmul.f32 v10, v31  }
0x1ff: {  	v40 =	vld [tilespmem:$0x1A320];
	v36 =	vmul.f32 v29, v28;
	v14 =	vadd.f32 v33, v15;
	v11 =	vadd.f32 v11, v12  }
0x200: {  	v9 =	vmul.f32 v9, v34;
	v38 =	vld [tilespmem:s25+$0x200]  }
0x201: {  	v43 =	vld [tilespmem:$0x1A330];
	v39 =	vmul.f32 v32, v31;
	v13 =	vadd.f32 v36, v14;
	v10 =	vadd.f32 v10, v11  }
0x202: {  	v42 =	vmul.f32 v35, v34;
	v41 =	vld [tilespmem:s25+$0x220]  }
0x203: {  	v8 =	vmul.f32 v8, v37;
	v46 =	vld [tilespmem:$0x1A340];
	v12 =	vadd.f32 v39, v13;
	v9 =	vadd.f32 v9, v10  }
0x204: {  	v7 =	vmul.f32 v7, v40;
	v44 =	vld [tilespmem:s25+$0x240]  }
0x205: {  	v49 =	vld [tilespmem:$0x1A350];
	v45 =	vmul.f32 v38, v37;
	v11 =	vadd.f32 v42, v12;
	v8 =	vadd.f32 v8, v9  }
0x206: {  	v6 =	vmul.f32 v6, v43;
	v47 =	vld [tilespmem:s25+$0x260]  }
0x207: {  	v52 =	vld [tilespmem:$0x1A360];
	v48 =	vmul.f32 v41, v40;
	v10 =	vadd.f32 v45, v11;
	v7 =	vadd.f32 v7, v8  }
0x208: {  	v5 =	vmul.f32 v5, v46;
	v50 =	vld [tilespmem:s25+$0x280]  }
0x209: {  	v55 =	vld [tilespmem:$0x1A370];
	v51 =	vmul.f32 v44, v43;
	v9 =	vadd.f32 v48, v10;
	v6 =	vadd.f32 v6, v7  }
0x20a: {  	v4 =	vmul.f32 v4, v49;
	v53 =	vld [tilespmem:s25+$0x2A0]  }
0x20b: {  	v58 =	vld [tilespmem:$0x1A380];
	v54 =	vmul.f32 v47, v46;
	v8 =	vadd.f32 v51, v9;
	v5 =	vadd.f32 v5, v6  }
0x20c: {  	v3 =	vmul.f32 v3, v52;
	v56 =	vld [tilespmem:s25+$0x2C0]  }
0x20d: {  	v61 =	vld [tilespmem:$0x1A390];
	v57 =	vmul.f32 v50, v49;
	v7 =	vadd.f32 v54, v8;
	v4 =	vadd.f32 v4, v5  }
0x20e: {  	v2 =	vmul.f32 v2, v55;
	v59 =	vld [tilespmem:s25+$0x2E0]  }
0x20f: {  	v60 =	vmul.f32 v53, v52;
	v6 =	vadd.f32 v57, v7;
	v3 =	vadd.f32 v3, v4  }
0x210: {  	v1 =	vmul.f32 v1, v58;
	v62 =	vld [tilespmem:s25+$0x300]  }
0x211: {  	v63 =	vmul.f32 v56, v55;
	v5 =	vadd.f32 v60, v6;
	v2 =	vadd.f32 v2, v3  }
0x212: {  	v0 =	vmul.f32 v0, v61  }
0x213: {  	v3 =	vmul.f32 v59, v58;
	v5 =	vadd.f32 v63, v5;
	v1 =	vadd.f32 v1, v2;
	_ =	sdelay $0x1  }
0x214: {  	v2 =	vmul.f32 v62, v61;
	v3 =	vadd.f32 v3, v5;
	v1 =	vadd.f32 v0, v1;
	_ =	sdelay $0x1  }
0x215: {  	s29 =	simm.s32 $0x0;
	s26 =	simm.s32 $0x80;
	v0 =	vadd.f32 v2, v3;
	v1 =	vmax.f32 v1, $0.0e+00  }
.LBB2_5:
0x216: {  	p1 =	sne.s32 s26, $0xF80  }
0x217: {  	v0 =	vmax.f32 v0, $0.0e+00;
	[tilespmem:s29+$0x19C90] =	vst v1;
	s25 =	sadd.s32 $0x640, s25;
	s28 =	smov.u32 s26;
	s26 =	sadd.s32 $0x80, s26  }
0x218: {  	[tilespmem:s29+$0x19C80] =	vst v0  }
0x219: {  	v8 =	vld [tilespmem:s25+$0xFFFFFCF0]  }
0x21a: {  	v0 =	vld [tilespmem:$0x1A090]  }
0x21b: {  	v1 =	vld [tilespmem:s25+$0xFFFFFD00]  }
0x21c: {  	v2 =	vld [tilespmem:s25+$0xFFFFFD10]  }
0x21d: {  	v10 =	vld [tilespmem:$0x1A3A0]  }
0x21e: {  	v3 =	vld [tilespmem:$0x1A0A0]  }
0x21f: {  	v4 =	vld [tilespmem:s25+$0xFFFFFD20]  }
0x220: {  	v12 =	vmul.f32 v1, v0;
	v1 =	vld [tilespmem:s25+$0xFFFFFD30]  }
0x221: {  	v13 =	vmul.f32 v2, v0;
	v0 =	vld [tilespmem:$0x1A0B0]  }
0x222: {  	v2 =	vld [tilespmem:s25+$0xFFFFFD40]  }
0x223: {  	v5 =	vld [tilespmem:s25+$0xFFFFFD50]  }
0x224: {  	v14 =	vmul.f32 v4, v3;
	v4 =	vld [tilespmem:$0x1A0C0]  }
0x225: {  	v15 =	vmul.f32 v1, v3;
	v1 =	vld [tilespmem:s25+$0xFFFFFD60]  }
0x226: {  	v3 =	vld [tilespmem:s25+$0xFFFFFD70]  }
0x227: {  	v16 =	vmul.f32 v2, v0;
	v2 =	vld [tilespmem:$0x1A0D0]  }
0x228: {  	v17 =	vmul.f32 v5, v0;
	v0 =	vld [tilespmem:s25+$0xFFFFFD80]  }
0x229: {  	v5 =	vld [tilespmem:s25+$0xFFFFFD90]  }
0x22a: {  	v18 =	vmul.f32 v1, v4;
	v1 =	vld [tilespmem:$0x1A0E0]  }
0x22b: {  	v19 =	vmul.f32 v3, v4;
	v3 =	vld [tilespmem:s25+$0xFFFFFDA0]  }
0x22c: {  	v4 =	vld [tilespmem:s25+$0xFFFFFDB0]  }
0x22d: {  	v20 =	vmul.f32 v0, v2;
	v0 =	vld [tilespmem:$0x1A0F0]  }
0x22e: {  	v21 =	vmul.f32 v5, v2;
	v2 =	vld [tilespmem:s25+$0xFFFFFDC0]  }
0x22f: {  	v5 =	vld [tilespmem:s25+$0xFFFFFDD0]  }
0x230: {  	v22 =	vmul.f32 v3, v1;
	v3 =	vld [tilespmem:$0x1A100]  }
0x231: {  	v23 =	vmul.f32 v4, v1;
	v1 =	vld [tilespmem:s25+$0xFFFFFDE0]  }
0x232: {  	v4 =	vld [tilespmem:s25+$0xFFFFFDF0]  }
0x233: {  	v24 =	vmul.f32 v2, v0;
	v2 =	vld [tilespmem:$0x1A110]  }
0x234: {  	v25 =	vmul.f32 v5, v0;
	v0 =	vld [tilespmem:s25+$0xFFFFFE00]  }
0x235: {  	v5 =	vld [tilespmem:s25+$0xFFFFFE10]  }
0x236: {  	v26 =	vmul.f32 v1, v3;
	v1 =	vld [tilespmem:$0x1A120]  }
0x237: {  	v27 =	vmul.f32 v4, v3;
	v3 =	vld [tilespmem:s25+$0xFFFFFE20]  }
0x238: {  	v4 =	vld [tilespmem:s25+$0xFFFFFE30]  }
0x239: {  	v28 =	vmul.f32 v0, v2;
	v0 =	vld [tilespmem:$0x1A130]  }
0x23a: {  	v29 =	vmul.f32 v5, v2;
	v2 =	vld [tilespmem:s25+$0xFFFFFE40]  }
0x23b: {  	v5 =	vld [tilespmem:s25+$0xFFFFFE50]  }
0x23c: {  	v30 =	vmul.f32 v3, v1;
	v3 =	vld [tilespmem:$0x1A140]  }
0x23d: {  	v31 =	vmul.f32 v4, v1;
	v1 =	vld [tilespmem:s25+$0xFFFFFE60]  }
0x23e: {  	v4 =	vld [tilespmem:s25+$0xFFFFFE70]  }
0x23f: {  	v32 =	vmul.f32 v2, v0;
	v2 =	vld [tilespmem:$0x1A150]  }
0x240: {  	v33 =	vmul.f32 v5, v0;
	v0 =	vld [tilespmem:s25+$0xFFFFFE80]  }
0x241: {  	v5 =	vld [tilespmem:s25+$0xFFFFFE90]  }
0x242: {  	v34 =	vmul.f32 v1, v3;
	v1 =	vld [tilespmem:$0x1A160]  }
0x243: {  	v35 =	vmul.f32 v4, v3;
	v3 =	vld [tilespmem:s25+$0xFFFFFEA0]  }
0x244: {  	v4 =	vld [tilespmem:s25+$0xFFFFFEB0]  }
0x245: {  	v36 =	vmul.f32 v0, v2;
	v6 =	vld [tilespmem:$0x1A170]  }
0x246: {  	v37 =	vmul.f32 v5, v2;
	v5 =	vld [tilespmem:s25+$0xFFFFFEC0]  }
0x247: {  	v7 =	vld [tilespmem:s25+$0xFFFFFED0]  }
0x248: {  	v38 =	vmul.f32 v3, v1;
	v0 =	vld [tilespmem:s25+$0x310]  }
0x249: {  	v39 =	vmul.f32 v4, v1;
	v1 =	vld [tilespmem:s25+$0x2F0]  }
0x24a: {  	v2 =	vld [tilespmem:s25+$0x2D0]  }
0x24b: {  	v40 =	vmul.f32 v5, v6;
	v3 =	vld [tilespmem:s25+$0x2B0]  }
0x24c: {  	v9 =	vld [tilespmem:s25+$0xFFFFFCE0];
	v41 =	vmul.f32 v7, v6  }
0x24d: {  	v11 =	vld [tilespmem:$0x1A080]  }
0x24e: {  	v4 =	vld [tilespmem:s25+$0x290]  }
0x24f: {  	v5 =	vld [tilespmem:s25+$0x270]  }
0x250: {  	v6 =	vld [tilespmem:s25+$0x250]  }
0x251: {  	v7 =	vld [tilespmem:s25+$0x230]  }
0x252: {  	v42 =	vmul.f32 v9, v11;
	v11 =	vmul.f32 v8, v11;
	v8 =	vld [tilespmem:s25+$0x210]  }
0x253: {  	v9 =	vld [tilespmem:s25+$0x1F0]  }
0x254: {  	v42 =	vadd.f32 v42, v10;
	v43 =	vadd.f32 v11, v10;
	v10 =	vld [tilespmem:s25+$0x1D0]  }
0x255: {  	v11 =	vld [tilespmem:s25+$0x1B0]  }
0x256: {  	v42 =	vadd.f32 v12, v42;
	v43 =	vadd.f32 v13, v43;
	v12 =	vld [tilespmem:s25+$0x190]  }
0x257: {  	v13 =	vld [tilespmem:s25+$0x170]  }
0x258: {  	v42 =	vadd.f32 v14, v42;
	v43 =	vadd.f32 v15, v43;
	v14 =	vld [tilespmem:s25+$0x150]  }
0x259: {  	v15 =	vld [tilespmem:s25+$0x130]  }
0x25a: {  	v42 =	vadd.f32 v16, v42;
	v43 =	vadd.f32 v17, v43;
	v16 =	vld [tilespmem:s25+$0x110]  }
0x25b: {  	v17 =	vld [tilespmem:s25+$0xF0]  }
0x25c: {  	v42 =	vadd.f32 v18, v42;
	v43 =	vadd.f32 v19, v43;
	v18 =	vld [tilespmem:s25+$0xD0]  }
0x25d: {  	v19 =	vld [tilespmem:s25+$0xB0]  }
0x25e: {  	v42 =	vadd.f32 v20, v42;
	v43 =	vadd.f32 v21, v43;
	v20 =	vld [tilespmem:s25+$0x90]  }
0x25f: {  	v21 =	vld [tilespmem:s25+$0x70]  }
0x260: {  	v42 =	vadd.f32 v22, v42;
	v43 =	vadd.f32 v23, v43;
	v22 =	vld [tilespmem:s25+$0x50]  }
0x261: {  	v23 =	vld [tilespmem:s25+$0x30]  }
0x262: {  	v24 =	vadd.f32 v24, v42;
	v25 =	vadd.f32 v25, v43;
	v42 =	vld [tilespmem:s25+$0x10]  }
0x263: {  	v43 =	vld [tilespmem:s25+$0xFFFFFFF0]  }
0x264: {  	v24 =	vadd.f32 v26, v24;
	v25 =	vadd.f32 v27, v25;
	v26 =	vld [tilespmem:s25+$0xFFFFFFD0]  }
0x265: {  	v27 =	vld [tilespmem:s25+$0xFFFFFFB0]  }
0x266: {  	v24 =	vadd.f32 v28, v24;
	v25 =	vadd.f32 v29, v25;
	v28 =	vld [tilespmem:s25+$0xFFFFFF90]  }
0x267: {  	v29 =	vld [tilespmem:s25+$0xFFFFFF70]  }
0x268: {  	v24 =	vadd.f32 v30, v24;
	v25 =	vadd.f32 v31, v25;
	v30 =	vld [tilespmem:s25+$0xFFFFFF50]  }
0x269: {  	v31 =	vld [tilespmem:s25+$0xFFFFFF30]  }
0x26a: {  	v24 =	vadd.f32 v32, v24;
	v25 =	vadd.f32 v33, v25;
	v32 =	vld [tilespmem:s25+$0xFFFFFF10]  }
0x26b: {  	v33 =	vld [tilespmem:s25+$0xFFFFFEF0]  }
0x26c: {  	v24 =	vadd.f32 v34, v24;
	v25 =	vadd.f32 v35, v25;
	v34 =	vld [tilespmem:s25+$0xFFFFFEE0]  }
0x26d: {  	v35 =	vld [tilespmem:$0x1A180]  }
0x26e: {  	v24 =	vadd.f32 v36, v24;
	v25 =	vadd.f32 v37, v25;
	v36 =	vld [tilespmem:s25+$0xFFFFFF00]  }
0x26f: {  	v37 =	vld [tilespmem:$0x1A190]  }
0x270: {  	v24 =	vadd.f32 v38, v24;
	v25 =	vadd.f32 v39, v25;
	v38 =	vld [tilespmem:s25+$0xFFFFFF20]  }
0x271: {  	v39 =	vld [tilespmem:$0x1A1A0]  }
0x272: {  	v24 =	vadd.f32 v40, v24;
	v25 =	vadd.f32 v41, v25;
	v33 =	vmul.f32 v33, v35;
	v40 =	vld [tilespmem:s25+$0xFFFFFF40]  }
0x273: {  	v34 =	vmul.f32 v34, v35;
	v35 =	vld [tilespmem:$0x1A1B0]  }
0x274: {  	v25 =	vadd.f32 v33, v25;
	v33 =	vmul.f32 v36, v37;
	v32 =	vmul.f32 v32, v37;
	v36 =	vld [tilespmem:s25+$0xFFFFFF60]  }
0x275: {  	v24 =	vadd.f32 v34, v24;
	v34 =	vld [tilespmem:$0x1A1C0]  }
0x276: {  	v25 =	vadd.f32 v32, v25;
	v32 =	vmul.f32 v38, v39;
	v31 =	vmul.f32 v31, v39;
	v37 =	vld [tilespmem:s25+$0xFFFFFF80]  }
0x277: {  	v24 =	vadd.f32 v33, v24;
	v33 =	vld [tilespmem:$0x1A1D0]  }
0x278: {  	v25 =	vadd.f32 v31, v25;
	v31 =	vmul.f32 v40, v35;
	v30 =	vmul.f32 v30, v35;
	v35 =	vld [tilespmem:s25+$0xFFFFFFA0]  }
0x279: {  	v24 =	vadd.f32 v32, v24;
	v32 =	vld [tilespmem:$0x1A1E0]  }
0x27a: {  	v25 =	vadd.f32 v30, v25;
	v30 =	vmul.f32 v36, v34;
	v29 =	vmul.f32 v29, v34;
	v34 =	vld [tilespmem:s25+$0xFFFFFFC0]  }
0x27b: {  	v24 =	vadd.f32 v31, v24;
	v31 =	vld [tilespmem:$0x1A1F0]  }
0x27c: {  	v25 =	vadd.f32 v29, v25;
	v29 =	vmul.f32 v37, v33;
	v28 =	vmul.f32 v28, v33;
	v33 =	vld [tilespmem:s25+$0xFFFFFFE0]  }
0x27d: {  	v24 =	vadd.f32 v30, v24;
	v30 =	vld [tilespmem:$0x1A200]  }
0x27e: {  	v25 =	vadd.f32 v28, v25;
	v28 =	vmul.f32 v35, v32;
	v27 =	vmul.f32 v27, v32;
	v32 =	vld [tilespmem:s25+$0x0]  }
0x27f: {  	v24 =	vadd.f32 v29, v24;
	v29 =	vld [tilespmem:$0x1A210]  }
0x280: {  	v25 =	vadd.f32 v27, v25;
	v27 =	vmul.f32 v34, v31;
	v26 =	vmul.f32 v26, v31;
	v31 =	vld [tilespmem:s25+$0x20]  }
0x281: {  	v24 =	vadd.f32 v28, v24;
	v28 =	vld [tilespmem:$0x1A220]  }
0x282: {  	v25 =	vadd.f32 v26, v25;
	v26 =	vmul.f32 v33, v30;
	v30 =	vmul.f32 v43, v30;
	v33 =	vld [tilespmem:s25+$0x40]  }
0x283: {  	v24 =	vadd.f32 v27, v24;
	v27 =	vld [tilespmem:$0x1A230]  }
0x284: {  	v25 =	vadd.f32 v30, v25;
	v30 =	vmul.f32 v32, v29;
	v29 =	vmul.f32 v42, v29;
	v32 =	vld [tilespmem:s25+$0x60]  }
0x285: {  	v24 =	vadd.f32 v26, v24;
	v26 =	vld [tilespmem:$0x1A240]  }
0x286: {  	v25 =	vadd.f32 v29, v25;
	v29 =	vmul.f32 v31, v28;
	v23 =	vmul.f32 v23, v28;
	v28 =	vld [tilespmem:s25+$0x80]  }
0x287: {  	v24 =	vadd.f32 v30, v24;
	v30 =	vld [tilespmem:$0x1A250]  }
0x288: {  	v23 =	vadd.f32 v23, v25;
	v25 =	vmul.f32 v33, v27;
	v22 =	vmul.f32 v22, v27;
	v27 =	vld [tilespmem:s25+$0xA0]  }
0x289: {  	v24 =	vadd.f32 v29, v24;
	v29 =	vld [tilespmem:$0x1A260]  }
0x28a: {  	v22 =	vadd.f32 v22, v23;
	v23 =	vmul.f32 v32, v26;
	v21 =	vmul.f32 v21, v26;
	v26 =	vld [tilespmem:s25+$0xC0]  }
0x28b: {  	v24 =	vadd.f32 v25, v24;
	v25 =	vld [tilespmem:$0x1A270]  }
0x28c: {  	v21 =	vadd.f32 v21, v22;
	v22 =	vmul.f32 v28, v30;
	v20 =	vmul.f32 v20, v30;
	v28 =	vld [tilespmem:s25+$0xE0]  }
0x28d: {  	v23 =	vadd.f32 v23, v24;
	v24 =	vld [tilespmem:$0x1A280]  }
0x28e: {  	v20 =	vadd.f32 v20, v21;
	v21 =	vmul.f32 v27, v29;
	v19 =	vmul.f32 v19, v29;
	v27 =	vld [tilespmem:s25+$0x100]  }
0x28f: {  	v22 =	vadd.f32 v22, v23;
	v23 =	vld [tilespmem:$0x1A290]  }
0x290: {  	v19 =	vadd.f32 v19, v20;
	v20 =	vmul.f32 v26, v25;
	v18 =	vmul.f32 v18, v25;
	v25 =	vld [tilespmem:s25+$0x120]  }
0x291: {  	v21 =	vadd.f32 v21, v22;
	v22 =	vld [tilespmem:$0x1A2A0]  }
0x292: {  	v18 =	vadd.f32 v18, v19;
	v19 =	vmul.f32 v28, v24;
	v17 =	vmul.f32 v17, v24;
	v24 =	vld [tilespmem:s25+$0x140]  }
0x293: {  	v20 =	vadd.f32 v20, v21;
	v21 =	vld [tilespmem:$0x1A2B0]  }
0x294: {  	v17 =	vadd.f32 v17, v18;
	v18 =	vmul.f32 v27, v23;
	v16 =	vmul.f32 v16, v23;
	v23 =	vld [tilespmem:s25+$0x160]  }
0x295: {  	v19 =	vadd.f32 v19, v20;
	v20 =	vld [tilespmem:$0x1A2C0]  }
0x296: {  	v16 =	vadd.f32 v16, v17;
	v17 =	vmul.f32 v25, v22;
	v15 =	vmul.f32 v15, v22;
	v22 =	vld [tilespmem:s25+$0x180]  }
0x297: {  	v18 =	vadd.f32 v18, v19;
	v19 =	vld [tilespmem:$0x1A2D0]  }
0x298: {  	v15 =	vadd.f32 v15, v16;
	v16 =	vmul.f32 v24, v21;
	v14 =	vmul.f32 v14, v21;
	v21 =	vld [tilespmem:s25+$0x1A0]  }
0x299: {  	v17 =	vadd.f32 v17, v18;
	v18 =	vld [tilespmem:$0x1A2E0]  }
0x29a: {  	v14 =	vadd.f32 v14, v15;
	v15 =	vmul.f32 v23, v20;
	v13 =	vmul.f32 v13, v20;
	v20 =	vld [tilespmem:s25+$0x1C0]  }
0x29b: {  	v16 =	vadd.f32 v16, v17;
	v17 =	vld [tilespmem:$0x1A2F0]  }
0x29c: {  	v13 =	vadd.f32 v13, v14;
	v14 =	vmul.f32 v22, v19;
	v12 =	vmul.f32 v12, v19;
	v19 =	vld [tilespmem:s25+$0x1E0]  }
0x29d: {  	v15 =	vadd.f32 v15, v16;
	v16 =	vld [tilespmem:$0x1A300]  }
0x29e: {  	v12 =	vadd.f32 v12, v13;
	v13 =	vmul.f32 v21, v18;
	v11 =	vmul.f32 v11, v18;
	v18 =	vld [tilespmem:s25+$0x200]  }
0x29f: {  	v14 =	vadd.f32 v14, v15;
	v15 =	vld [tilespmem:$0x1A310]  }
0x2a0: {  	v11 =	vadd.f32 v11, v12;
	v12 =	vmul.f32 v20, v17;
	v10 =	vmul.f32 v10, v17;
	v17 =	vld [tilespmem:s25+$0x220]  }
0x2a1: {  	v13 =	vadd.f32 v13, v14;
	v14 =	vld [tilespmem:$0x1A320]  }
0x2a2: {  	v10 =	vadd.f32 v10, v11;
	v11 =	vmul.f32 v19, v16;
	v9 =	vmul.f32 v9, v16;
	v16 =	vld [tilespmem:s25+$0x240]  }
0x2a3: {  	v12 =	vadd.f32 v12, v13;
	v13 =	vld [tilespmem:$0x1A330]  }
0x2a4: {  	v9 =	vadd.f32 v9, v10;
	v10 =	vmul.f32 v18, v15;
	v8 =	vmul.f32 v8, v15;
	v15 =	vld [tilespmem:s25+$0x260]  }
0x2a5: {  	v11 =	vadd.f32 v11, v12;
	v12 =	vld [tilespmem:$0x1A340]  }
0x2a6: {  	v8 =	vadd.f32 v8, v9;
	v9 =	vmul.f32 v17, v14;
	v7 =	vmul.f32 v7, v14;
	v14 =	vld [tilespmem:s25+$0x280]  }
0x2a7: {  	v10 =	vadd.f32 v10, v11;
	v11 =	vld [tilespmem:$0x1A350]  }
0x2a8: {  	v7 =	vadd.f32 v7, v8;
	v8 =	vmul.f32 v16, v13;
	v6 =	vmul.f32 v6, v13;
	v13 =	vld [tilespmem:s25+$0x2A0]  }
0x2a9: {  	v9 =	vadd.f32 v9, v10;
	v10 =	vld [tilespmem:$0x1A360]  }
0x2aa: {  	v6 =	vadd.f32 v6, v7;
	v7 =	vmul.f32 v15, v12;
	v5 =	vmul.f32 v5, v12;
	v12 =	vld [tilespmem:s25+$0x2C0]  }
0x2ab: {  	v8 =	vadd.f32 v8, v9;
	v9 =	vld [tilespmem:$0x1A370]  }
0x2ac: {  	v5 =	vadd.f32 v5, v6;
	v6 =	vmul.f32 v14, v11;
	v4 =	vmul.f32 v4, v11;
	v11 =	vld [tilespmem:s25+$0x2E0]  }
0x2ad: {  	v7 =	vadd.f32 v7, v8;
	v8 =	vld [tilespmem:$0x1A380]  }
0x2ae: {  	v4 =	vadd.f32 v4, v5;
	v5 =	vmul.f32 v13, v10;
	v3 =	vmul.f32 v3, v10;
	v10 =	vld [tilespmem:s25+$0x300]  }
0x2af: {  	v6 =	vadd.f32 v6, v7;
	v7 =	vld [tilespmem:$0x1A390]  }
0x2b0: {  	v3 =	vadd.f32 v3, v4;
	v4 =	vmul.f32 v12, v9;
	v2 =	vmul.f32 v2, v9  }
0x2b1: {  	v5 =	vadd.f32 v5, v6  }
0x2b2: {  	v2 =	vadd.f32 v2, v3;
	v3 =	vmul.f32 v11, v8;
	v1 =	vmul.f32 v1, v8  }
0x2b3: {  	v4 =	vadd.f32 v4, v5  }
.Ltmp3:
0x2b4: {  	v1 =	vadd.f32 v1, v2;
	v2 =	vmul.f32 v10, v7;
	v0 =	vmul.f32 v0, v7;
	(pc) =	sbr.rel @p1 .LBB2_5-.Ltmp3, $4  }
0x2b5: {  	v3 =	vadd.f32 v3, v4  }
0x2b6: {  	v1 =	vadd.f32 v0, v1  }
0x2b7: {  	v0 =	vadd.f32 v2, v3  }
0x2b8: {  	s29 =	sshra.s32 s28, $0x2;
	v1 =	vmax.f32 v1, $0.0e+00  }
0x2b9: {  	v0 =	vmax.f32 v0, $0.0e+00;
	[tilespmem:s29+$0x19C90] =	vst v1  }
.Ltmp4:
0x2ba: {  	s24 =	sadd.s32 $0x80, s24;
	[tilespmem:s29+$0x19C80] =	vst v0;
	(pc) =	sbr.rel @p0 .LBB2_8-.Ltmp4, $4  }
0x2bb: {  	[hbm4b:s24+s4] =	stream.linear.scatter [tilespmem:s20], [sflag:$0x3], $0x400, $0x38;
	[tilespmem:$0x1A3B0] =	vst v63  }
0x2bc: {  	_ =	swait.ge [sflag:s14], $0x400  }
0x2bd: {  	[sflag:s14] =	ssyncset.done $0x0  }
0x2be: {  	[sflag:s14] =	ssyncadd.s32 $0xFFFFFC00  }
0x2bf: {  	s24 =	smul.u32 $0xC80, s23;
	_ =	sdelay $0x1  }
0x2c0: {  	s24 =	sadd.s32 s24, s11  }
0x2c1: {  	s24 =	sshrl.u32 s24, $0x3  }
0x2c2: {  	s24 =	sadd.s32 s1, s24  }
0x2c3: {  	[tilespmem:s16], [sflag:$0x3] =	stream.linear.gather [hbm4b:s24+s4], $0x640, $0x38;
	[tilespmem:$0x1A3B0] =	vst v63  }
.Ltmp5:
0x2c4: {  	_ = 	snop;
	(pc) =	sbr.rel .LBB2_2-.Ltmp5, $4  }
0x2c5: {  	_ =	swait.ge [sflag:s14], $0x640  }
0x2c6: {  	[sflag:s14] =	ssyncset.done $0x0  }
0x2c7: {  	s23 =	sadd.s32 $0x1, s23;
	[sflag:s14] =	ssyncadd.s32 $0xFFFFF9C0  }
0x2c8: {  	[tilespmem:s18], [sflag:$0x2] =	stream.indirect.gather [hbm4b:s5+s16], $0x20, s16, s16, $0xb8;
	[tilespmem:$0x1A3B0] =	vst v63  }
.LBB2_9:
0x2c9: {  	_ =	sfence.sel $0x180000  }
0x2ca: {  	[bflag:$0x0] =	sbarrier.arrive $0xFFFF  }
0x2cb: {  	p0 =	sne.s32 s0, $0x0;
	_ =	strace $0x90000047  }
0x2cc: {  	s0 =	sadd.s32 @!p0 $0x100000, s2;
	[bflag:$0x2] =	sbarrier.arrive $0xFFFF  }
0x2cd: {  	[sflag:s0] =	ssyncadd.tile.s32 @!p0 $0x1;
	_ =	shalt  }
.Lfunc_end2:
_tile_overlayer_lowered:
.L_overlay_start_2:
0x2ce: {  	(tag) =	ssettag $0x2  }
0x2cf: {  	s0 =	rddreg [dreg:$0x0];
	s2 =	stileid.u32  }
0x2d0: {  	s1 =	rddreg [dreg:$0x1];
	p0 =	sne.s32 s2, $0x0  }
0x2d1: {  	s3 =	rddreg [dreg:$0x2];
	[bflag:$0x3] =	sbarrier.arrive $0xFFFF;
	s2 =	simm.s32 @!p0 $0x1C03  }
0x2d2: {  	[timem:s3], [sflag:s2] =	dma.local @!p0 [hbm:s0], s1  }
0x2d3: {  	s0 =	simm.s32 @!p0 $0x3  }
0x2d4: {  	_ =	swait.ge @!p0 [sflag:s0], s1  }
0x2d5: {  	s1 =	ssub.s32 @!p0 $0x0, s1;
	[sflag:s0] =	ssyncset.done @!p0 $0x0  }
0x2d6: {  	[sflag:s0] =	ssyncadd.s32 @!p0 s1  }
0x2d7: {  	[bflag:$0x3] =	sbarrier.arrive $0xFFFF  }
0x2d8: {  	_ =	shalt  }

</sc_bundles>
